<compile_context>
chip_gen: v7x
topology: tpu7x:2x2x1
jax: 0.10.2.dev20260603
libtpu: 0.0.44.dev20260713+nightly
codegen_flags: <defaults>
</compile_context>

<pallas_src>
import functools

import jax
import jax.numpy as jnp
from jax import lax
from jax.experimental import pallas as pl
from jax.experimental.pallas import tpu as pltpu
from jax.experimental.pallas import tpu_sc as plsc

N = 10000
HD = 64
E = 320000
NDIM = 128

NSUB = 16
CH = 125
EPT = E // NSUB
CPT = EPT // CH
ROWS_A = 640
ROWS_B = N - 15 * ROWS_A
D0 = 72
NB = 4


def _sc_scatter(D):
  mesh = plsc.VectorSubcoreMesh(core_axis_name="c", subcore_axis_name="s")

  def body(tf, tb, em, zrows, g_out, idxg, idxs, rows, g_sh, semg, sems):
    c = lax.axis_index("c")
    s = lax.axis_index("s")

    @pl.when(c == 0)
    def _():
      pltpu.sync_copy(em.at[0, pl.ds(s * CPT, CPT)], idxg)
      pltpu.sync_copy(em.at[1, pl.ds(s * CPT, CPT)], idxs)

    @pl.when(c == 1)
    def _():
      pltpu.sync_copy(em.at[1, pl.ds(s * CPT, CPT)], idxg)
      pltpu.sync_copy(em.at[0, pl.ds(s * CPT, CPT)], idxs)

    @pl.when(s < 15)
    def _():
      pltpu.sync_copy(zrows, g_sh.at[pl.ds(s * ROWS_A, ROWS_A)])

    @pl.when(s == 15)
    def _():
      pltpu.sync_copy(zrows.at[pl.ds(0, ROWS_B)],
                      g_sh.at[pl.ds(15 * ROWS_A, ROWS_B)])

    plsc.subcore_barrier()

    def run_dir(table, cidx):
      for b in range(NB):
        pltpu.async_copy(table.at[idxg.at[b]], rows.at[b], semg)

      def group(i, carry):
        for b in range(NB):
          j = i * NB + b
          pltpu.make_async_copy(table.at[idxg.at[j]], rows.at[b], semg).wait()
          pltpu.async_copy(rows.at[b], g_sh.at[idxs.at[j]], sems, add=True)
          pltpu.make_async_copy(rows.at[b], g_sh.at[idxs.at[j]], sems).wait()

          @pl.when(j < CPT - NB)
          def _():
            pltpu.async_copy(table.at[idxg.at[j + NB]], rows.at[b], semg)

        return carry

      lax.fori_loop(0, CPT // NB, group, 0)
      plsc.subcore_barrier()

      @pl.when(s < 15)
      def _():
        pltpu.sync_copy(g_sh.at[pl.ds(s * ROWS_A, ROWS_A)],
                        g_out.at[cidx, pl.ds(s * ROWS_A, ROWS_A)])

      @pl.when(s == 15)
      def _():
        pltpu.sync_copy(g_sh.at[pl.ds(15 * ROWS_A, ROWS_B)],
                        g_out.at[cidx, pl.ds(15 * ROWS_A, ROWS_B)])

    @pl.when(c == 0)
    def _():
      run_dir(tf, 0)

    @pl.when(c == 1)
    def _():
      run_dir(tb, 1)

  return pl.kernel(
      body,
      out_type=jax.ShapeDtypeStruct((2, N, D), jnp.float32),
      mesh=mesh,
      compiler_params=pltpu.CompilerParams(use_tc_tiling_on_sc=False),
      scratch_types=[
          pltpu.VMEM((CPT, CH), jnp.int32),
          pltpu.VMEM((CPT, CH), jnp.int32),
          pltpu.VMEM((NB, CH, D), jnp.float32),
          pltpu.VMEM_SHARED((N, D), jnp.float32),
          pltpu.SemaphoreType.DMA,
          pltpu.SemaphoreType.DMA,
      ],
  )


BN = 2000


def _gru_dir(l, h, g, deg, wm, wih, whh, bm, bih, bhh):
  f32 = jnp.float32
  bf = jnp.bfloat16
  wm_ = wm[...].reshape(NDIM, NDIM)
  w1r = wm_[:, :HD].astype(bf).astype(f32)
  w2 = wm_[:, HD:].astype(bf)
  h16 = h.astype(bf)
  ddot = lambda a, b, **kw: lax.dot_general(
      a, b, (((1,), (1,)), ((), ())), preferred_element_type=f32, **kw)
  b_part = ddot(h16, w2) + bm[...][l:l + 1]
  aggr = ddot(g, w1r, precision=lax.Precision.HIGHEST) + deg * b_part
  gi = ddot(aggr.astype(bf), wih[...].reshape(3 * HD, NDIM).astype(bf))
  gi = gi + bih[...][l:l + 1]
  gh = ddot(h16, whh[...].reshape(3 * HD, HD).astype(bf)) + bhh[...][l:l + 1]
  r = jax.nn.sigmoid(gi[:, :HD] + gh[:, :HD])
  z = jax.nn.sigmoid(gi[:, HD:2 * HD] + gh[:, HD:2 * HD])
  n = jnp.tanh(gi[:, 2 * HD:] + r * gh[:, 2 * HD:])
  return (1.0 - z) * n + z * h


def _tc_body0(hin, gf, gb,
              wmf, wihf, whhf, bmf, bihf, bhhf,
              wmb, wihb, whhb, bmb, bihb, bhhb,
              hdf, hdb, tf1, tb1):
  h128 = hin[...]
  rnd16 = lambda x: x.astype(jnp.bfloat16).astype(jnp.float32)
  zpad = jnp.zeros((h128.shape[0], NDIM - HD - 1), jnp.float32)
  for (gref, c0, hd_out, t_out, w) in (
      (gf, 0, hdf, tf1, (wmf, wihf, whhf, bmf, bihf, bhhf)),
      (gb, HD, hdb, tb1, (wmb, wihb, whhb, bmb, bihb, bhhb))):
    g80 = gref[...].reshape(-1, D0)
    h2 = _gru_dir(0, h128[:, c0:c0 + HD], g80[:, :HD], g80[:, HD:HD + 1], *w)
    hd_out[...] = jnp.concatenate([h2, g80[:, HD:HD + 1], zpad], axis=1)
    t_out[...] = rnd16(h2)


def _tc_body1(hdf, hdb, gf, gb,
              wmf, wihf, whhf, bmf, bihf, bhhf,
              wmb, wihb, whhb, bmb, bihb, bhhb,
              out):
  res = []
  for (hd, gref, w) in (
      (hdf, gf, (wmf, wihf, whhf, bmf, bihf, bhhf)),
      (hdb, gb, (wmb, wihb, whhb, bmb, bihb, bhhb))):
    h128 = hd[...]
    g = gref[...].reshape(-1, HD)
    res.append(_gru_dir(1, h128[:, :HD], g, h128[:, HD:HD + 1], *w))
  out[...] = jnp.concatenate(res, axis=1)


def _wspecs():
  wspec = lambda l, a, b: pl.BlockSpec((1, a, b), lambda i: (l, 0, 0))
  bspec = lambda a: pl.BlockSpec((2, a), lambda i: (0, 0))
  return lambda l: [wspec(l, NDIM, NDIM), wspec(l, 3 * HD, NDIM),
                    wspec(l, 3 * HD, HD), bspec(NDIM), bspec(3 * HD),
                    bspec(3 * HD)]


def _tc_layer0():
  data = lambda cols: pl.BlockSpec((BN, cols), lambda i: (i, 0))
  gview = lambda d: pl.BlockSpec((1, BN, D0), lambda i: (d, i, 0))
  w = _wspecs()(0)
  return pl.pallas_call(
      _tc_body0,
      grid=(N // BN,),
      in_specs=[data(NDIM), gview(0), gview(1)] + w + w,
      out_specs=[data(NDIM), data(NDIM), data(HD), data(HD)],
      out_shape=[jax.ShapeDtypeStruct((N, NDIM), jnp.float32)] * 2 + [
          jax.ShapeDtypeStruct((N, HD), jnp.float32)] * 2,
  )


def _tc_layer1():
  data = lambda cols: pl.BlockSpec((BN, cols), lambda i: (i, 0))
  gview = lambda d: pl.BlockSpec((1, BN, HD), lambda i: (d, i, 0))
  w = _wspecs()(1)
  return pl.pallas_call(
      _tc_body1,
      grid=(N // BN,),
      in_specs=[data(NDIM), data(NDIM), gview(0), gview(1)] + w + w,
      out_specs=[data(NDIM)],
      out_shape=[jax.ShapeDtypeStruct((N, NDIM), jnp.float32)],
  )


def kernel(h, edge_index, Wmsg_f, bmsg_f, Wih_f, Whh_f, bih_f, bhh_f,
           Wmsg_b, bmsg_b, Wih_b, Whh_b, bih_b, bhh_b):
  em = edge_index.reshape(2, E // CH, CH)

  rnd = lambda x: x.astype(jnp.bfloat16).astype(jnp.float32)
  pad = jnp.concatenate(
      [jnp.ones((N, 1), jnp.float32),
       jnp.zeros((N, D0 - HD - 1), jnp.float32)], axis=1)
  tf0 = jnp.concatenate([rnd(h[:, :HD]), pad], axis=1)
  tb0 = jnp.concatenate([rnd(h[:, HD:]), pad], axis=1)

  g0 = _sc_scatter(D0)(tf0, tb0, em, jnp.zeros((ROWS_A, D0), jnp.float32))
  wf = (Wmsg_f, Wih_f, Whh_f, bmsg_f, bih_f, bhh_f)
  wb = (Wmsg_b, Wih_b, Whh_b, bmsg_b, bih_b, bhh_b)
  hdf, hdb, tf1, tb1 = _tc_layer0()(h, g0, g0, *wf, *wb)

  g1 = _sc_scatter(HD)(tf1, tb1, em, jnp.zeros((ROWS_A, HD), jnp.float32))
  (out,) = _tc_layer1()(hdf, hdb, g1, g1, *wf, *wb)
  return out

# --- scband reference (transcript-rebuilt; emitter-appended) ---
"""Pipeline reference for scband-gnndecoder-25563645346114 (READ-ONLY COPY).

The authoritative reference and input builder live on the scoring server;
editing this copy changes nothing except your own understanding.
"""

import jax, jax.numpy as jnp
import numpy as np

N = 10000
NDIM = 128
HD = NDIM // 2
E = 320000
L = 2


def _params(key):
    ks = jax.random.split(key, 6)
    s = 0.05
    p = {}
    p["Wmsg_f"] = jax.random.normal(ks[0], (L, NDIM, NDIM), jnp.float32) * s
    p["bmsg_f"] = jnp.zeros((L, NDIM), jnp.float32)
    p["Wih_f"] = jax.random.normal(ks[1], (L, 3 * HD, NDIM), jnp.float32) * s
    p["Whh_f"] = jax.random.normal(ks[2], (L, 3 * HD, HD), jnp.float32) * s
    p["bih_f"] = jnp.zeros((L, 3 * HD), jnp.float32)
    p["bhh_f"] = jnp.zeros((L, 3 * HD), jnp.float32)
    p["Wmsg_b"] = jax.random.normal(ks[3], (L, NDIM, NDIM), jnp.float32) * s
    p["bmsg_b"] = jnp.zeros((L, NDIM), jnp.float32)
    p["Wih_b"] = jax.random.normal(ks[4], (L, 3 * HD, NDIM), jnp.float32) * s
    p["Whh_b"] = jax.random.normal(ks[5], (L, 3 * HD, HD), jnp.float32) * s
    p["bih_b"] = jnp.zeros((L, 3 * HD), jnp.float32)
    p["bhh_b"] = jnp.zeros((L, 3 * HD), jnp.float32)
    return p


def setup_inputs(seed: int = 0):
    key = jax.random.key(seed)
    k1, k2, k3 = jax.random.split(key, 3)
    inp = {
        "h": jax.random.normal(k1, (N, NDIM), jnp.float32),
        "edge_index": jax.random.randint(k2, (2, E), 0, N, dtype=jnp.int32),
    }
    inp.update(_params(k3))
    return inp


def _gru(x, h, Wih, Whh, bih, bhh):
    # PyTorch GRUCell semantics
    gi = x @ Wih.T + bih
    gh = h @ Whh.T + bhh
    ir, iz, inn = jnp.split(gi, 3, axis=1)
    hr, hz, hn = jnp.split(gh, 3, axis=1)
    r = jax.nn.sigmoid(ir + hr)
    z = jax.nn.sigmoid(iz + hz)
    n = jnp.tanh(inn + r * hn)
    return (1.0 - z) * n + z * h


def _layer(hh, src, dst, Wm, bm, Wih, Whh, bih, bhh):
    # PyG MessagePassing(aggr='add'), flow source_to_target:
    # message: cat([h_j, h_i]) -> Linear; scatter-add into target nodes; GRU update
    m = jnp.concatenate([hh[src], hh[dst]], axis=1) @ Wm.T + bm
    aggr = jnp.zeros((hh.shape[0], m.shape[1]), m.dtype).at[dst].add(m)
    return _gru(aggr, hh, Wih, Whh, bih, bhh)


def reference(h, edge_index, Wmsg_f, bmsg_f, Wih_f, Whh_f, bih_f, bhh_f, Wmsg_b, bmsg_b, Wih_b, Whh_b, bih_b, bhh_b):
    src, dst = edge_index[0], edge_index[1]
    h_f, h_b = jnp.split(h, 2, axis=1)
    for l in range(L):
        h_f = _layer(h_f, src, dst, Wmsg_f[l], bmsg_f[l], Wih_f[l], Whh_f[l], bih_f[l], bhh_f[l])
    # backward direction: edge_index[[1, 0]]
    for l in range(L):
        h_b = _layer(h_b, dst, src, Wmsg_b[l], bmsg_b[l], Wih_b[l], Whh_b[l], bih_b[l], bhh_b[l])
    return jnp.concatenate([h_f, h_b], axis=1)

if __name__ == "__main__":
    import jax
    _d = setup_inputs()
    print(jax.jit(kernel)(*tuple(_d.values())))

</pallas_src>

<mosaic_0001>
#map = affine_map<(d0, d1) -> (0, 0)>
#map1 = affine_map<(d0, d1) -> (0, 0, 0)>
module attributes {stable_mosaic.version = 14 : i64} {
  func.func @body(%arg0: i32, %arg1: i32, %arg2: memref<10000x64xf32, #tpu.memory_space<hbm>>, %arg3: memref<10000x64xf32, #tpu.memory_space<hbm>>, %arg4: memref<2x2560x125xi32, #tpu.memory_space<hbm>>, %arg5: memref<640x64xf32, #tpu.memory_space<hbm>>, %arg6: memref<2x10000x64xf32, #tpu.memory_space<hbm>>, %arg7: memref<160x125xi32, #tpu.memory_space<vmem>>, %arg8: memref<160x125xi32, #tpu.memory_space<vmem>>, %arg9: memref<4x125x64xf32, #tpu.memory_space<vmem>>, %arg10: memref<10000x64xf32, #tpu.memory_space<vmem_shared>>, %arg11: memref<!tpu.dma_semaphore, #tpu.memory_space<semaphore_mem>>, %arg12: memref<!tpu.dma_semaphore, #tpu.memory_space<semaphore_mem>>) attributes {dimension_semantics = [#tpu.dimension_semantics<core_parallel>, #tpu.dimension_semantics<subcore_parallel>], iteration_bounds = array<i64: 2, 16>, scalar_prefetch = 0 : i64, scratch_operands = 6 : i64, tpu.core_type = #tpu.core_type<sc_vector_subcore>, window_params = [{transform_indices = #map}, {transform_indices = #map}, {transform_indices = #map1}, {transform_indices = #map}, {transform_indices = #map1}]} {
    %eq3A = arith.constant 0 : i32
    %eq3A_0 = arith.cmpi eq, %arg0, %eq3A : i32
    %convert_element_type3A = arith.extui %eq3A_0 : i1 to i32
    %cond3A = arith.constant 0 : i32
    %cond3A_1 = arith.cmpi ne, %convert_element_type3A, %cond3A : i32
    scf.if %cond3A_1 {
      %mul3A = arith.constant 160 : i32
      %mul3A_26 = arith.muli %arg1, %mul3A : i32
      %run_scoped3A = arith.constant 0 : i32
      "tpu.region"() ({
        %run_scoped3A_30 = tpu.sem_alloc : memref<!tpu.dma_semaphore, #tpu.memory_space<semaphore_mem>>
        %dma_start3A = arith.constant 0 : i32
        %dma_start3A_31 = tpu.memref_slice %arg4[%run_scoped3A, %mul3A_26, %dma_start3A] : memref<2x2560x125xi32, #tpu.memory_space<hbm>> -> memref<1x160x125xi32, #tpu.memory_space<hbm>>
        %dma_start3A_32 = tpu.memref_squeeze %dma_start3A_31 : memref<1x160x125xi32, #tpu.memory_space<hbm>> -> memref<160x125xi32, #tpu.memory_space<hbm>>
        %dma_start3A_33 = arith.constant 0 : i32
        %dma_start3A_34 = tpu.memref_slice %arg4[%run_scoped3A, %mul3A_26, %dma_start3A_33] : memref<2x2560x125xi32, #tpu.memory_space<hbm>> -> memref<1x160x125xi32, #tpu.memory_space<hbm>>
        %dma_start3A_35 = tpu.memref_squeeze %dma_start3A_34 : memref<1x160x125xi32, #tpu.memory_space<hbm>> -> memref<160x125xi32, #tpu.memory_space<hbm>>
        tpu.enqueue_dma source(%dma_start3A_35 : memref<160x125xi32, #tpu.memory_space<hbm>>) target(%arg7 : memref<160x125xi32, #tpu.memory_space<vmem>>) target_semaphore(%run_scoped3A_30 : memref<!tpu.dma_semaphore, #tpu.memory_space<semaphore_mem>>)
        %dma_wait3A = arith.constant 0 : i32
        %dma_wait3A_36 = tpu.memref_slice %arg4[%run_scoped3A, %mul3A_26, %dma_wait3A] : memref<2x2560x125xi32, #tpu.memory_space<hbm>> -> memref<1x160x125xi32, #tpu.memory_space<hbm>>
        %dma_wait3A_37 = tpu.memref_squeeze %dma_wait3A_36 : memref<1x160x125xi32, #tpu.memory_space<hbm>> -> memref<160x125xi32, #tpu.memory_space<hbm>>
        %dma_wait3A_38 = arith.constant 0 : i32
        %dma_wait3A_39 = tpu.memref_slice %arg4[%run_scoped3A, %mul3A_26, %dma_wait3A_38] : memref<2x2560x125xi32, #tpu.memory_space<hbm>> -> memref<1x160x125xi32, #tpu.memory_space<hbm>>
        %dma_wait3A_40 = tpu.memref_squeeze %dma_wait3A_39 : memref<1x160x125xi32, #tpu.memory_space<hbm>> -> memref<160x125xi32, #tpu.memory_space<hbm>>
        tpu.wait_dma2 semaphore(%run_scoped3A_30 : memref<!tpu.dma_semaphore, #tpu.memory_space<semaphore_mem>>) src(%dma_wait3A_40 : memref<160x125xi32, #tpu.memory_space<hbm>>) dst(%arg7 : memref<160x125xi32, #tpu.memory_space<vmem>>)
        tpu.yield
      }) : () -> ()
      %mul3A_27 = arith.constant 160 : i32
      %mul3A_28 = arith.muli %arg1, %mul3A_27 : i32
      %run_scoped3A_29 = arith.constant 1 : i32
      "tpu.region"() ({
        %run_scoped3A_30 = tpu.sem_alloc : memref<!tpu.dma_semaphore, #tpu.memory_space<semaphore_mem>>
        %dma_start3A = arith.constant 0 : i32
        %dma_start3A_31 = tpu.memref_slice %arg4[%run_scoped3A_29, %mul3A_28, %dma_start3A] : memref<2x2560x125xi32, #tpu.memory_space<hbm>> -> memref<1x160x125xi32, #tpu.memory_space<hbm>>
        %dma_start3A_32 = tpu.memref_squeeze %dma_start3A_31 : memref<1x160x125xi32, #tpu.memory_space<hbm>> -> memref<160x125xi32, #tpu.memory_space<hbm>>
        %dma_start3A_33 = arith.constant 0 : i32
        %dma_start3A_34 = tpu.memref_slice %arg4[%run_scoped3A_29, %mul3A_28, %dma_start3A_33] : memref<2x2560x125xi32, #tpu.memory_space<hbm>> -> memref<1x160x125xi32, #tpu.memory_space<hbm>>
        %dma_start3A_35 = tpu.memref_squeeze %dma_start3A_34 : memref<1x160x125xi32, #tpu.memory_space<hbm>> -> memref<160x125xi32, #tpu.memory_space<hbm>>
        tpu.enqueue_dma source(%dma_start3A_35 : memref<160x125xi32, #tpu.memory_space<hbm>>) target(%arg8 : memref<160x125xi32, #tpu.memory_space<vmem>>) target_semaphore(%run_scoped3A_30 : memref<!tpu.dma_semaphore, #tpu.memory_space<semaphore_mem>>)
        %dma_wait3A = arith.constant 0 : i32
        %dma_wait3A_36 = tpu.memref_slice %arg4[%run_scoped3A_29, %mul3A_28, %dma_wait3A] : memref<2x2560x125xi32, #tpu.memory_space<hbm>> -> memref<1x160x125xi32, #tpu.memory_space<hbm>>
        %dma_wait3A_37 = tpu.memref_squeeze %dma_wait3A_36 : memref<1x160x125xi32, #tpu.memory_space<hbm>> -> memref<160x125xi32, #tpu.memory_space<hbm>>
        %dma_wait3A_38 = arith.constant 0 : i32
        %dma_wait3A_39 = tpu.memref_slice %arg4[%run_scoped3A_29, %mul3A_28, %dma_wait3A_38] : memref<2x2560x125xi32, #tpu.memory_space<hbm>> -> memref<1x160x125xi32, #tpu.memory_space<hbm>>
        %dma_wait3A_40 = tpu.memref_squeeze %dma_wait3A_39 : memref<1x160x125xi32, #tpu.memory_space<hbm>> -> memref<160x125xi32, #tpu.memory_space<hbm>>
        tpu.wait_dma2 semaphore(%run_scoped3A_30 : memref<!tpu.dma_semaphore, #tpu.memory_space<semaphore_mem>>) src(%dma_wait3A_40 : memref<160x125xi32, #tpu.memory_space<hbm>>) dst(%arg8 : memref<160x125xi32, #tpu.memory_space<vmem>>)
        tpu.yield
      }) : () -> ()
    } else {
    }
    %eq3A_2 = arith.constant 1 : i32
    %eq3A_3 = arith.cmpi eq, %arg0, %eq3A_2 : i32
    %convert_element_type3A_4 = arith.extui %eq3A_3 : i1 to i32
    %cond3A_5 = arith.constant 0 : i32
    %cond3A_6 = arith.cmpi ne, %convert_element_type3A_4, %cond3A_5 : i32
    scf.if %cond3A_6 {
      %mul3A = arith.constant 160 : i32
      %mul3A_26 = arith.muli %arg1, %mul3A : i32
      %run_scoped3A = arith.constant 1 : i32
      "tpu.region"() ({
        %run_scoped3A_30 = tpu.sem_alloc : memref<!tpu.dma_semaphore, #tpu.memory_space<semaphore_mem>>
        %dma_start3A = arith.constant 0 : i32
        %dma_start3A_31 = tpu.memref_slice %arg4[%run_scoped3A, %mul3A_26, %dma_start3A] : memref<2x2560x125xi32, #tpu.memory_space<hbm>> -> memref<1x160x125xi32, #tpu.memory_space<hbm>>
        %dma_start3A_32 = tpu.memref_squeeze %dma_start3A_31 : memref<1x160x125xi32, #tpu.memory_space<hbm>> -> memref<160x125xi32, #tpu.memory_space<hbm>>
        %dma_start3A_33 = arith.constant 0 : i32
        %dma_start3A_34 = tpu.memref_slice %arg4[%run_scoped3A, %mul3A_26, %dma_start3A_33] : memref<2x2560x125xi32, #tpu.memory_space<hbm>> -> memref<1x160x125xi32, #tpu.memory_space<hbm>>
        %dma_start3A_35 = tpu.memref_squeeze %dma_start3A_34 : memref<1x160x125xi32, #tpu.memory_space<hbm>> -> memref<160x125xi32, #tpu.memory_space<hbm>>
        tpu.enqueue_dma source(%dma_start3A_35 : memref<160x125xi32, #tpu.memory_space<hbm>>) target(%arg7 : memref<160x125xi32, #tpu.memory_space<vmem>>) target_semaphore(%run_scoped3A_30 : memref<!tpu.dma_semaphore, #tpu.memory_space<semaphore_mem>>)
        %dma_wait3A = arith.constant 0 : i32
        %dma_wait3A_36 = tpu.memref_slice %arg4[%run_scoped3A, %mul3A_26, %dma_wait3A] : memref<2x2560x125xi32, #tpu.memory_space<hbm>> -> memref<1x160x125xi32, #tpu.memory_space<hbm>>
        %dma_wait3A_37 = tpu.memref_squeeze %dma_wait3A_36 : memref<1x160x125xi32, #tpu.memory_space<hbm>> -> memref<160x125xi32, #tpu.memory_space<hbm>>
        %dma_wait3A_38 = arith.constant 0 : i32
        %dma_wait3A_39 = tpu.memref_slice %arg4[%run_scoped3A, %mul3A_26, %dma_wait3A_38] : memref<2x2560x125xi32, #tpu.memory_space<hbm>> -> memref<1x160x125xi32, #tpu.memory_space<hbm>>
        %dma_wait3A_40 = tpu.memref_squeeze %dma_wait3A_39 : memref<1x160x125xi32, #tpu.memory_space<hbm>> -> memref<160x125xi32, #tpu.memory_space<hbm>>
        tpu.wait_dma2 semaphore(%run_scoped3A_30 : memref<!tpu.dma_semaphore, #tpu.memory_space<semaphore_mem>>) src(%dma_wait3A_40 : memref<160x125xi32, #tpu.memory_space<hbm>>) dst(%arg7 : memref<160x125xi32, #tpu.memory_space<vmem>>)
        tpu.yield
      }) : () -> ()
      %mul3A_27 = arith.constant 160 : i32
      %mul3A_28 = arith.muli %arg1, %mul3A_27 : i32
      %run_scoped3A_29 = arith.constant 0 : i32
      "tpu.region"() ({
        %run_scoped3A_30 = tpu.sem_alloc : memref<!tpu.dma_semaphore, #tpu.memory_space<semaphore_mem>>
        %dma_start3A = arith.constant 0 : i32
        %dma_start3A_31 = tpu.memref_slice %arg4[%run_scoped3A_29, %mul3A_28, %dma_start3A] : memref<2x2560x125xi32, #tpu.memory_space<hbm>> -> memref<1x160x125xi32, #tpu.memory_space<hbm>>
        %dma_start3A_32 = tpu.memref_squeeze %dma_start3A_31 : memref<1x160x125xi32, #tpu.memory_space<hbm>> -> memref<160x125xi32, #tpu.memory_space<hbm>>
        %dma_start3A_33 = arith.constant 0 : i32
        %dma_start3A_34 = tpu.memref_slice %arg4[%run_scoped3A_29, %mul3A_28, %dma_start3A_33] : memref<2x2560x125xi32, #tpu.memory_space<hbm>> -> memref<1x160x125xi32, #tpu.memory_space<hbm>>
        %dma_start3A_35 = tpu.memref_squeeze %dma_start3A_34 : memref<1x160x125xi32, #tpu.memory_space<hbm>> -> memref<160x125xi32, #tpu.memory_space<hbm>>
        tpu.enqueue_dma source(%dma_start3A_35 : memref<160x125xi32, #tpu.memory_space<hbm>>) target(%arg8 : memref<160x125xi32, #tpu.memory_space<vmem>>) target_semaphore(%run_scoped3A_30 : memref<!tpu.dma_semaphore, #tpu.memory_space<semaphore_mem>>)
        %dma_wait3A = arith.constant 0 : i32
        %dma_wait3A_36 = tpu.memref_slice %arg4[%run_scoped3A_29, %mul3A_28, %dma_wait3A] : memref<2x2560x125xi32, #tpu.memory_space<hbm>> -> memref<1x160x125xi32, #tpu.memory_space<hbm>>
        %dma_wait3A_37 = tpu.memref_squeeze %dma_wait3A_36 : memref<1x160x125xi32, #tpu.memory_space<hbm>> -> memref<160x125xi32, #tpu.memory_space<hbm>>
        %dma_wait3A_38 = arith.constant 0 : i32
        %dma_wait3A_39 = tpu.memref_slice %arg4[%run_scoped3A_29, %mul3A_28, %dma_wait3A_38] : memref<2x2560x125xi32, #tpu.memory_space<hbm>> -> memref<1x160x125xi32, #tpu.memory_space<hbm>>
        %dma_wait3A_40 = tpu.memref_squeeze %dma_wait3A_39 : memref<1x160x125xi32, #tpu.memory_space<hbm>> -> memref<160x125xi32, #tpu.memory_space<hbm>>
        tpu.wait_dma2 semaphore(%run_scoped3A_30 : memref<!tpu.dma_semaphore, #tpu.memory_space<semaphore_mem>>) src(%dma_wait3A_40 : memref<160x125xi32, #tpu.memory_space<hbm>>) dst(%arg8 : memref<160x125xi32, #tpu.memory_space<vmem>>)
        tpu.yield
      }) : () -> ()
    } else {
    }
    %lt3A = arith.constant 15 : i32
    %lt3A_7 = arith.cmpi slt, %arg1, %lt3A : i32
    %convert_element_type3A_8 = arith.extui %lt3A_7 : i1 to i32
    %cond3A_9 = arith.constant 0 : i32
    %cond3A_10 = arith.cmpi ne, %convert_element_type3A_8, %cond3A_9 : i32
    scf.if %cond3A_10 {
      %mul3A = arith.constant 640 : i32
      %mul3A_26 = arith.muli %arg1, %mul3A : i32
      "tpu.region"() ({
        %run_scoped3A = tpu.sem_alloc : memref<!tpu.dma_semaphore, #tpu.memory_space<semaphore_mem>>
        %dma_start3A = arith.constant 0 : i32
        %dma_start3A_27 = tpu.memref_slice %arg10[%mul3A_26, %dma_start3A] : memref<10000x64xf32, #tpu.memory_space<vmem_shared>> -> memref<640x64xf32, #tpu.memory_space<vmem_shared>>
        tpu.enqueue_dma source(%arg5 : memref<640x64xf32, #tpu.memory_space<hbm>>) target(%dma_start3A_27 : memref<640x64xf32, #tpu.memory_space<vmem_shared>>) target_semaphore(%run_scoped3A : memref<!tpu.dma_semaphore, #tpu.memory_space<semaphore_mem>>)
        %dma_wait3A = arith.constant 0 : i32
        %dma_wait3A_28 = tpu.memref_slice %arg10[%mul3A_26, %dma_wait3A] : memref<10000x64xf32, #tpu.memory_space<vmem_shared>> -> memref<640x64xf32, #tpu.memory_space<vmem_shared>>
        tpu.wait_dma2 semaphore(%run_scoped3A : memref<!tpu.dma_semaphore, #tpu.memory_space<semaphore_mem>>) src(%arg5 : memref<640x64xf32, #tpu.memory_space<hbm>>) dst(%dma_wait3A_28 : memref<640x64xf32, #tpu.memory_space<vmem_shared>>)
        tpu.yield
      }) : () -> ()
    } else {
    }
    %eq3A_11 = arith.constant 15 : i32
    %eq3A_12 = arith.cmpi eq, %arg1, %eq3A_11 : i32
    %convert_element_type3A_13 = arith.extui %eq3A_12 : i1 to i32
    %cond3A_14 = arith.constant 0 : i32
    %cond3A_15 = arith.cmpi ne, %convert_element_type3A_13, %cond3A_14 : i32
    scf.if %cond3A_15 {
      "tpu.region"() ({
        %run_scoped3A = tpu.sem_alloc : memref<!tpu.dma_semaphore, #tpu.memory_space<semaphore_mem>>
        %dma_start3A = arith.constant 9600 : i32
        %dma_start3A_26 = arith.constant 0 : i32
        %dma_start3A_27 = tpu.memref_slice %arg10[%dma_start3A, %dma_start3A_26] : memref<10000x64xf32, #tpu.memory_space<vmem_shared>> -> memref<400x64xf32, #tpu.memory_space<vmem_shared>>
        %dma_start3A_28 = arith.constant 0 : i32
        %dma_start3A_29 = arith.constant 0 : i32
        %dma_start3A_30 = tpu.memref_slice %arg5[%dma_start3A_28, %dma_start3A_29] : memref<640x64xf32, #tpu.memory_space<hbm>> -> memref<400x64xf32, #tpu.memory_space<hbm>>
        tpu.enqueue_dma source(%dma_start3A_30 : memref<400x64xf32, #tpu.memory_space<hbm>>) target(%dma_start3A_27 : memref<400x64xf32, #tpu.memory_space<vmem_shared>>) target_semaphore(%run_scoped3A : memref<!tpu.dma_semaphore, #tpu.memory_space<semaphore_mem>>)
        %dma_wait3A = arith.constant 9600 : i32
        %dma_wait3A_31 = arith.constant 0 : i32
        %dma_wait3A_32 = tpu.memref_slice %arg10[%dma_wait3A, %dma_wait3A_31] : memref<10000x64xf32, #tpu.memory_space<vmem_shared>> -> memref<400x64xf32, #tpu.memory_space<vmem_shared>>
        %dma_wait3A_33 = arith.constant 0 : i32
        %dma_wait3A_34 = arith.constant 0 : i32
        %dma_wait3A_35 = tpu.memref_slice %arg5[%dma_wait3A_33, %dma_wait3A_34] : memref<640x64xf32, #tpu.memory_space<hbm>> -> memref<400x64xf32, #tpu.memory_space<hbm>>
        tpu.wait_dma2 semaphore(%run_scoped3A : memref<!tpu.dma_semaphore, #tpu.memory_space<semaphore_mem>>) src(%dma_wait3A_35 : memref<400x64xf32, #tpu.memory_space<hbm>>) dst(%dma_wait3A_32 : memref<400x64xf32, #tpu.memory_space<vmem_shared>>)
        tpu.yield
      }) : () -> ()
    } else {
    }
    %barrier3A = arith.constant 0 : index
    tpu.barrier barrier_id(%barrier3A)
    %eq3A_16 = arith.constant 0 : i32
    %eq3A_17 = arith.cmpi eq, %arg0, %eq3A_16 : i32
    %convert_element_type3A_18 = arith.extui %eq3A_17 : i1 to i32
    %cond3A_19 = arith.constant 0 : i32
    %cond3A_20 = arith.cmpi ne, %convert_element_type3A_18, %cond3A_19 : i32
    scf.if %cond3A_20 {
      %dma_start3A = arith.constant 0 : i32
      %dma_start3A_26 = arith.constant 0 : i32
      %dma_start3A_27 = arith.constant 0 : i32
      %dma_start3A_28 = arith.constant 0 : i32
      %dma_start3A_29 = tpu.memref_slice %arg9[%dma_start3A_26, %dma_start3A_27, %dma_start3A_28] : memref<4x125x64xf32, #tpu.memory_space<vmem>> -> memref<1x125x64xf32, #tpu.memory_space<vmem>>
      %dma_start3A_30 = tpu.memref_squeeze %dma_start3A_29 : memref<1x125x64xf32, #tpu.memory_space<vmem>> -> memref<125x64xf32, #tpu.memory_space<vmem>>
      %dma_start3A_31 = arith.constant 0 : i32
      %dma_start3A_32 = tpu.memref_slice %arg7[%dma_start3A, %dma_start3A_31] : memref<160x125xi32, #tpu.memory_space<vmem>> -> memref<1x125xi32, #tpu.memory_space<vmem>>
      %dma_start3A_33 = tpu.memref_squeeze %dma_start3A_32 : memref<1x125xi32, #tpu.memory_space<vmem>> -> memref<125xi32, #tpu.memory_space<vmem>>
      %dma_start3A_34 = arith.constant 0 : i32
      %dma_start3A_35 = arith.constant 0 : i32
      %dma_start3A_36 = tpu.memref_slice %arg2[%dma_start3A_34, %dma_start3A_35] : memref<10000x64xf32, #tpu.memory_space<hbm>> -> memref<10000x64xf32, #tpu.memory_space<hbm>>
      tpu.enqueue_indirect_dma source(%dma_start3A_36 : memref<10000x64xf32, #tpu.memory_space<hbm>>) target(%dma_start3A_30 : memref<125x64xf32, #tpu.memory_space<vmem>>) offsets(%dma_start3A_33 : memref<125xi32, #tpu.memory_space<vmem>>) semaphore(%arg11 : memref<!tpu.dma_semaphore, #tpu.memory_space<semaphore_mem>>)
      %dma_start3A_37 = arith.constant 1 : i32
      %dma_start3A_38 = arith.constant 1 : i32
      %dma_start3A_39 = arith.constant 0 : i32
      %dma_start3A_40 = arith.constant 0 : i32
      %dma_start3A_41 = tpu.memref_slice %arg9[%dma_start3A_38, %dma_start3A_39, %dma_start3A_40] : memref<4x125x64xf32, #tpu.memory_space<vmem>> -> memref<1x125x64xf32, #tpu.memory_space<vmem>>
      %dma_start3A_42 = tpu.memref_squeeze %dma_start3A_41 : memref<1x125x64xf32, #tpu.memory_space<vmem>> -> memref<125x64xf32, #tpu.memory_space<vmem>>
      %dma_start3A_43 = arith.constant 0 : i32
      %dma_start3A_44 = tpu.memref_slice %arg7[%dma_start3A_37, %dma_start3A_43] : memref<160x125xi32, #tpu.memory_space<vmem>> -> memref<1x125xi32, #tpu.memory_space<vmem>>
      %dma_start3A_45 = tpu.memref_squeeze %dma_start3A_44 : memref<1x125xi32, #tpu.memory_space<vmem>> -> memref<125xi32, #tpu.memory_space<vmem>>
      %dma_start3A_46 = arith.constant 0 : i32
      %dma_start3A_47 = arith.constant 0 : i32
      %dma_start3A_48 = tpu.memref_slice %arg2[%dma_start3A_46, %dma_start3A_47] : memref<10000x64xf32, #tpu.memory_space<hbm>> -> memref<10000x64xf32, #tpu.memory_space<hbm>>
      tpu.enqueue_indirect_dma source(%dma_start3A_48 : memref<10000x64xf32, #tpu.memory_space<hbm>>) target(%dma_start3A_42 : memref<125x64xf32, #tpu.memory_space<vmem>>) offsets(%dma_start3A_45 : memref<125xi32, #tpu.memory_space<vmem>>) semaphore(%arg11 : memref<!tpu.dma_semaphore, #tpu.memory_space<semaphore_mem>>)
      %dma_start3A_49 = arith.constant 2 : i32
      %dma_start3A_50 = arith.constant 2 : i32
      %dma_start3A_51 = arith.constant 0 : i32
      %dma_start3A_52 = arith.constant 0 : i32
      %dma_start3A_53 = tpu.memref_slice %arg9[%dma_start3A_50, %dma_start3A_51, %dma_start3A_52] : memref<4x125x64xf32, #tpu.memory_space<vmem>> -> memref<1x125x64xf32, #tpu.memory_space<vmem>>
      %dma_start3A_54 = tpu.memref_squeeze %dma_start3A_53 : memref<1x125x64xf32, #tpu.memory_space<vmem>> -> memref<125x64xf32, #tpu.memory_space<vmem>>
      %dma_start3A_55 = arith.constant 0 : i32
      %dma_start3A_56 = tpu.memref_slice %arg7[%dma_start3A_49, %dma_start3A_55] : memref<160x125xi32, #tpu.memory_space<vmem>> -> memref<1x125xi32, #tpu.memory_space<vmem>>
      %dma_start3A_57 = tpu.memref_squeeze %dma_start3A_56 : memref<1x125xi32, #tpu.memory_space<vmem>> -> memref<125xi32, #tpu.memory_space<vmem>>
      %dma_start3A_58 = arith.constant 0 : i32
      %dma_start3A_59 = arith.constant 0 : i32
      %dma_start3A_60 = tpu.memref_slice %arg2[%dma_start3A_58, %dma_start3A_59] : memref<10000x64xf32, #tpu.memory_space<hbm>> -> memref<10000x64xf32, #tpu.memory_space<hbm>>
      tpu.enqueue_indirect_dma source(%dma_start3A_60 : memref<10000x64xf32, #tpu.memory_space<hbm>>) target(%dma_start3A_54 : memref<125x64xf32, #tpu.memory_space<vmem>>) offsets(%dma_start3A_57 : memref<125xi32, #tpu.memory_space<vmem>>) semaphore(%arg11 : memref<!tpu.dma_semaphore, #tpu.memory_space<semaphore_mem>>)
      %dma_start3A_61 = arith.constant 3 : i32
      %dma_start3A_62 = arith.constant 3 : i32
      %dma_start3A_63 = arith.constant 0 : i32
      %dma_start3A_64 = arith.constant 0 : i32
      %dma_start3A_65 = tpu.memref_slice %arg9[%dma_start3A_62, %dma_start3A_63, %dma_start3A_64] : memref<4x125x64xf32, #tpu.memory_space<vmem>> -> memref<1x125x64xf32, #tpu.memory_space<vmem>>
      %dma_start3A_66 = tpu.memref_squeeze %dma_start3A_65 : memref<1x125x64xf32, #tpu.memory_space<vmem>> -> memref<125x64xf32, #tpu.memory_space<vmem>>
      %dma_start3A_67 = arith.constant 0 : i32
      %dma_start3A_68 = tpu.memref_slice %arg7[%dma_start3A_61, %dma_start3A_67] : memref<160x125xi32, #tpu.memory_space<vmem>> -> memref<1x125xi32, #tpu.memory_space<vmem>>
      %dma_start3A_69 = tpu.memref_squeeze %dma_start3A_68 : memref<1x125xi32, #tpu.memory_space<vmem>> -> memref<125xi32, #tpu.memory_space<vmem>>
      %dma_start3A_70 = arith.constant 0 : i32
      %dma_start3A_71 = arith.constant 0 : i32
      %dma_start3A_72 = tpu.memref_slice %arg2[%dma_start3A_70, %dma_start3A_71] : memref<10000x64xf32, #tpu.memory_space<hbm>> -> memref<10000x64xf32, #tpu.memory_space<hbm>>
      tpu.enqueue_indirect_dma source(%dma_start3A_72 : memref<10000x64xf32, #tpu.memory_space<hbm>>) target(%dma_start3A_66 : memref<125x64xf32, #tpu.memory_space<vmem>>) offsets(%dma_start3A_69 : memref<125xi32, #tpu.memory_space<vmem>>) semaphore(%arg11 : memref<!tpu.dma_semaphore, #tpu.memory_space<semaphore_mem>>)
      %scan3A = arith.constant 0 : i32
      %scan3A_73 = arith.constant 0 : i32
      %scan3A_74 = arith.constant 40 : i32
      %scan3A_75 = arith.addi %scan3A_73, %scan3A_74 : i32
      %scan3A_76 = arith.constant 1 : i32
      scf.for %scan3A_89 = %scan3A_73 to %scan3A_75 step %scan3A_76  : i32 {
        %mul3A = arith.constant 4 : i32
        %mul3A_90 = arith.muli %scan3A_89, %mul3A : i32
        %add3A = arith.constant 0 : i32
        %add3A_91 = arith.addi %mul3A_90, %add3A : i32
        %dma_wait3A = arith.constant 0 : i32
        %dma_wait3A_92 = arith.constant 0 : i32
        %dma_wait3A_93 = arith.constant 0 : i32
        %dma_wait3A_94 = tpu.memref_slice %arg9[%dma_wait3A, %dma_wait3A_92, %dma_wait3A_93] : memref<4x125x64xf32, #tpu.memory_space<vmem>> -> memref<1x125x64xf32, #tpu.memory_space<vmem>>
        %dma_wait3A_95 = tpu.memref_squeeze %dma_wait3A_94 : memref<1x125x64xf32, #tpu.memory_space<vmem>> -> memref<125x64xf32, #tpu.memory_space<vmem>>
        %dma_wait3A_96 = arith.constant 0 : i32
        %dma_wait3A_97 = tpu.memref_slice %arg7[%add3A_91, %dma_wait3A_96] : memref<160x125xi32, #tpu.memory_space<vmem>> -> memref<1x125xi32, #tpu.memory_space<vmem>>
        %dma_wait3A_98 = tpu.memref_squeeze %dma_wait3A_97 : memref<1x125xi32, #tpu.memory_space<vmem>> -> memref<125xi32, #tpu.memory_space<vmem>>
        %dma_wait3A_99 = arith.constant 0 : i32
        %dma_wait3A_100 = arith.constant 0 : i32
        %dma_wait3A_101 = tpu.memref_slice %arg2[%dma_wait3A_99, %dma_wait3A_100] : memref<10000x64xf32, #tpu.memory_space<hbm>> -> memref<10000x64xf32, #tpu.memory_space<hbm>>
        tpu.wait_indirect_dma semaphore(%arg11 : memref<!tpu.dma_semaphore, #tpu.memory_space<semaphore_mem>>) src(%dma_wait3A_101 : memref<10000x64xf32, #tpu.memory_space<hbm>>) dst(%dma_wait3A_95 : memref<125x64xf32, #tpu.memory_space<vmem>>)
        %dma_start3A_102 = arith.constant 0 : i32
        %dma_start3A_103 = arith.constant 0 : i32
        %dma_start3A_104 = arith.constant 0 : i32
        %dma_start3A_105 = tpu.memref_slice %arg9[%dma_start3A_102, %dma_start3A_103, %dma_start3A_104] : memref<4x125x64xf32, #tpu.memory_space<vmem>> -> memref<1x125x64xf32, #tpu.memory_space<vmem>>
        %dma_start3A_106 = tpu.memref_squeeze %dma_start3A_105 : memref<1x125x64xf32, #tpu.memory_space<vmem>> -> memref<125x64xf32, #tpu.memory_space<vmem>>
        %dma_start3A_107 = arith.constant 0 : i32
        %dma_start3A_108 = tpu.memref_slice %arg8[%add3A_91, %dma_start3A_107] : memref<160x125xi32, #tpu.memory_space<vmem>> -> memref<1x125xi32, #tpu.memory_space<vmem>>
        %dma_start3A_109 = tpu.memref_squeeze %dma_start3A_108 : memref<1x125xi32, #tpu.memory_space<vmem>> -> memref<125xi32, #tpu.memory_space<vmem>>
        %dma_start3A_110 = arith.constant 0 : i32
        %dma_start3A_111 = arith.constant 0 : i32
        %dma_start3A_112 = tpu.memref_slice %arg10[%dma_start3A_110, %dma_start3A_111] : memref<10000x64xf32, #tpu.memory_space<vmem_shared>> -> memref<10000x64xf32, #tpu.memory_space<vmem_shared>>
        tpu.enqueue_indirect_dma source(%dma_start3A_106 : memref<125x64xf32, #tpu.memory_space<vmem>>) target(%dma_start3A_112 : memref<10000x64xf32, #tpu.memory_space<vmem_shared>>) offsets(%dma_start3A_109 : memref<125xi32, #tpu.memory_space<vmem>>) semaphore(%arg12 : memref<!tpu.dma_semaphore, #tpu.memory_space<semaphore_mem>>) {add = true}
        %dma_wait3A_113 = arith.constant 0 : i32
        %dma_wait3A_114 = arith.constant 0 : i32
        %dma_wait3A_115 = arith.constant 0 : i32
        %dma_wait3A_116 = tpu.memref_slice %arg9[%dma_wait3A_113, %dma_wait3A_114, %dma_wait3A_115] : memref<4x125x64xf32, #tpu.memory_space<vmem>> -> memref<1x125x64xf32, #tpu.memory_space<vmem>>
        %dma_wait3A_117 = tpu.memref_squeeze %dma_wait3A_116 : memref<1x125x64xf32, #tpu.memory_space<vmem>> -> memref<125x64xf32, #tpu.memory_space<vmem>>
        %dma_wait3A_118 = arith.constant 0 : i32
        %dma_wait3A_119 = tpu.memref_slice %arg8[%add3A_91, %dma_wait3A_118] : memref<160x125xi32, #tpu.memory_space<vmem>> -> memref<1x125xi32, #tpu.memory_space<vmem>>
        %dma_wait3A_120 = tpu.memref_squeeze %dma_wait3A_119 : memref<1x125xi32, #tpu.memory_space<vmem>> -> memref<125xi32, #tpu.memory_space<vmem>>
        %dma_wait3A_121 = arith.constant 0 : i32
        %dma_wait3A_122 = arith.constant 0 : i32
        %dma_wait3A_123 = tpu.memref_slice %arg10[%dma_wait3A_121, %dma_wait3A_122] : memref<10000x64xf32, #tpu.memory_space<vmem_shared>> -> memref<10000x64xf32, #tpu.memory_space<vmem_shared>>
        tpu.wait_indirect_dma semaphore(%arg12 : memref<!tpu.dma_semaphore, #tpu.memory_space<semaphore_mem>>) src(%dma_wait3A_117 : memref<125x64xf32, #tpu.memory_space<vmem>>) dst(%dma_wait3A_123 : memref<10000x64xf32, #tpu.memory_space<vmem_shared>>)
        %lt3A_124 = arith.constant 156 : i32
        %lt3A_125 = arith.cmpi slt, %add3A_91, %lt3A_124 : i32
        %convert_element_type3A_126 = arith.extui %lt3A_125 : i1 to i32
        %cond3A_127 = arith.constant 0 : i32
        %cond3A_128 = arith.cmpi ne, %convert_element_type3A_126, %cond3A_127 : i32
        scf.if %cond3A_128 {
          %add3A_255 = arith.constant 4 : i32
          %add3A_256 = arith.addi %add3A_91, %add3A_255 : i32
          %dma_start3A_257 = arith.constant 0 : i32
          %dma_start3A_258 = arith.constant 0 : i32
          %dma_start3A_259 = arith.constant 0 : i32
          %dma_start3A_260 = tpu.memref_slice %arg9[%dma_start3A_257, %dma_start3A_258, %dma_start3A_259] : memref<4x125x64xf32, #tpu.memory_space<vmem>> -> memref<1x125x64xf32, #tpu.memory_space<vmem>>
          %dma_start3A_261 = tpu.memref_squeeze %dma_start3A_260 : memref<1x125x64xf32, #tpu.memory_space<vmem>> -> memref<125x64xf32, #tpu.memory_space<vmem>>
          %dma_start3A_262 = arith.constant 0 : i32
          %dma_start3A_263 = tpu.memref_slice %arg7[%add3A_256, %dma_start3A_262] : memref<160x125xi32, #tpu.memory_space<vmem>> -> memref<1x125xi32, #tpu.memory_space<vmem>>
          %dma_start3A_264 = tpu.memref_squeeze %dma_start3A_263 : memref<1x125xi32, #tpu.memory_space<vmem>> -> memref<125xi32, #tpu.memory_space<vmem>>
          %dma_start3A_265 = arith.constant 0 : i32
          %dma_start3A_266 = arith.constant 0 : i32
          %dma_start3A_267 = tpu.memref_slice %arg2[%dma_start3A_265, %dma_start3A_266] : memref<10000x64xf32, #tpu.memory_space<hbm>> -> memref<10000x64xf32, #tpu.memory_space<hbm>>
          tpu.enqueue_indirect_dma source(%dma_start3A_267 : memref<10000x64xf32, #tpu.memory_space<hbm>>) target(%dma_start3A_261 : memref<125x64xf32, #tpu.memory_space<vmem>>) offsets(%dma_start3A_264 : memref<125xi32, #tpu.memory_space<vmem>>) semaphore(%arg11 : memref<!tpu.dma_semaphore, #tpu.memory_space<semaphore_mem>>)
        } else {
        }
        %mul3A_129 = arith.constant 4 : i32
        %mul3A_130 = arith.muli %scan3A_89, %mul3A_129 : i32
        %add3A_131 = arith.constant 1 : i32
        %add3A_132 = arith.addi %mul3A_130, %add3A_131 : i32
        %dma_wait3A_133 = arith.constant 1 : i32
        %dma_wait3A_134 = arith.constant 0 : i32
        %dma_wait3A_135 = arith.constant 0 : i32
        %dma_wait3A_136 = tpu.memref_slice %arg9[%dma_wait3A_133, %dma_wait3A_134, %dma_wait3A_135] : memref<4x125x64xf32, #tpu.memory_space<vmem>> -> memref<1x125x64xf32, #tpu.memory_space<vmem>>
        %dma_wait3A_137 = tpu.memref_squeeze %dma_wait3A_136 : memref<1x125x64xf32, #tpu.memory_space<vmem>> -> memref<125x64xf32, #tpu.memory_space<vmem>>
        %dma_wait3A_138 = arith.constant 0 : i32
        %dma_wait3A_139 = tpu.memref_slice %arg7[%add3A_132, %dma_wait3A_138] : memref<160x125xi32, #tpu.memory_space<vmem>> -> memref<1x125xi32, #tpu.memory_space<vmem>>
        %dma_wait3A_140 = tpu.memref_squeeze %dma_wait3A_139 : memref<1x125xi32, #tpu.memory_space<vmem>> -> memref<125xi32, #tpu.memory_space<vmem>>
        %dma_wait3A_141 = arith.constant 0 : i32
        %dma_wait3A_142 = arith.constant 0 : i32
        %dma_wait3A_143 = tpu.memref_slice %arg2[%dma_wait3A_141, %dma_wait3A_142] : memref<10000x64xf32, #tpu.memory_space<hbm>> -> memref<10000x64xf32, #tpu.memory_space<hbm>>
        tpu.wait_indirect_dma semaphore(%arg11 : memref<!tpu.dma_semaphore, #tpu.memory_space<semaphore_mem>>) src(%dma_wait3A_143 : memref<10000x64xf32, #tpu.memory_space<hbm>>) dst(%dma_wait3A_137 : memref<125x64xf32, #tpu.memory_space<vmem>>)
        %dma_start3A_144 = arith.constant 1 : i32
        %dma_start3A_145 = arith.constant 0 : i32
        %dma_start3A_146 = arith.constant 0 : i32
        %dma_start3A_147 = tpu.memref_slice %arg9[%dma_start3A_144, %dma_start3A_145, %dma_start3A_146] : memref<4x125x64xf32, #tpu.memory_space<vmem>> -> memref<1x125x64xf32, #tpu.memory_space<vmem>>
        %dma_start3A_148 = tpu.memref_squeeze %dma_start3A_147 : memref<1x125x64xf32, #tpu.memory_space<vmem>> -> memref<125x64xf32, #tpu.memory_space<vmem>>
        %dma_start3A_149 = arith.constant 0 : i32
        %dma_start3A_150 = tpu.memref_slice %arg8[%add3A_132, %dma_start3A_149] : memref<160x125xi32, #tpu.memory_space<vmem>> -> memref<1x125xi32, #tpu.memory_space<vmem>>
        %dma_start3A_151 = tpu.memref_squeeze %dma_start3A_150 : memref<1x125xi32, #tpu.memory_space<vmem>> -> memref<125xi32, #tpu.memory_space<vmem>>
        %dma_start3A_152 = arith.constant 0 : i32
        %dma_start3A_153 = arith.constant 0 : i32
        %dma_start3A_154 = tpu.memref_slice %arg10[%dma_start3A_152, %dma_start3A_153] : memref<10000x64xf32, #tpu.memory_space<vmem_shared>> -> memref<10000x64xf32, #tpu.memory_space<vmem_shared>>
        tpu.enqueue_indirect_dma source(%dma_start3A_148 : memref<125x64xf32, #tpu.memory_space<vmem>>) target(%dma_start3A_154 : memref<10000x64xf32, #tpu.memory_space<vmem_shared>>) offsets(%dma_start3A_151 : memref<125xi32, #tpu.memory_space<vmem>>) semaphore(%arg12 : memref<!tpu.dma_semaphore, #tpu.memory_space<semaphore_mem>>) {add = true}
        %dma_wait3A_155 = arith.constant 1 : i32
        %dma_wait3A_156 = arith.constant 0 : i32
        %dma_wait3A_157 = arith.constant 0 : i32
        %dma_wait3A_158 = tpu.memref_slice %arg9[%dma_wait3A_155, %dma_wait3A_156, %dma_wait3A_157] : memref<4x125x64xf32, #tpu.memory_space<vmem>> -> memref<1x125x64xf32, #tpu.memory_space<vmem>>
        %dma_wait3A_159 = tpu.memref_squeeze %dma_wait3A_158 : memref<1x125x64xf32, #tpu.memory_space<vmem>> -> memref<125x64xf32, #tpu.memory_space<vmem>>
        %dma_wait3A_160 = arith.constant 0 : i32
        %dma_wait3A_161 = tpu.memref_slice %arg8[%add3A_132, %dma_wait3A_160] : memref<160x125xi32, #tpu.memory_space<vmem>> -> memref<1x125xi32, #tpu.memory_space<vmem>>
        %dma_wait3A_162 = tpu.memref_squeeze %dma_wait3A_161 : memref<1x125xi32, #tpu.memory_space<vmem>> -> memref<125xi32, #tpu.memory_space<vmem>>
        %dma_wait3A_163 = arith.constant 0 : i32
        %dma_wait3A_164 = arith.constant 0 : i32
        %dma_wait3A_165 = tpu.memref_slice %arg10[%dma_wait3A_163, %dma_wait3A_164] : memref<10000x64xf32, #tpu.memory_space<vmem_shared>> -> memref<10000x64xf32, #tpu.memory_space<vmem_shared>>
        tpu.wait_indirect_dma semaphore(%arg12 : memref<!tpu.dma_semaphore, #tpu.memory_space<semaphore_mem>>) src(%dma_wait3A_159 : memref<125x64xf32, #tpu.memory_space<vmem>>) dst(%dma_wait3A_165 : memref<10000x64xf32, #tpu.memory_space<vmem_shared>>)
        %lt3A_166 = arith.constant 156 : i32
        %lt3A_167 = arith.cmpi slt, %add3A_132, %lt3A_166 : i32
        %convert_element_type3A_168 = arith.extui %lt3A_167 : i1 to i32
        %cond3A_169 = arith.constant 0 : i32
        %cond3A_170 = arith.cmpi ne, %convert_element_type3A_168, %cond3A_169 : i32
        scf.if %cond3A_170 {
          %add3A_255 = arith.constant 4 : i32
          %add3A_256 = arith.addi %add3A_132, %add3A_255 : i32
          %dma_start3A_257 = arith.constant 1 : i32
          %dma_start3A_258 = arith.constant 0 : i32
          %dma_start3A_259 = arith.constant 0 : i32
          %dma_start3A_260 = tpu.memref_slice %arg9[%dma_start3A_257, %dma_start3A_258, %dma_start3A_259] : memref<4x125x64xf32, #tpu.memory_space<vmem>> -> memref<1x125x64xf32, #tpu.memory_space<vmem>>
          %dma_start3A_261 = tpu.memref_squeeze %dma_start3A_260 : memref<1x125x64xf32, #tpu.memory_space<vmem>> -> memref<125x64xf32, #tpu.memory_space<vmem>>
          %dma_start3A_262 = arith.constant 0 : i32
          %dma_start3A_263 = tpu.memref_slice %arg7[%add3A_256, %dma_start3A_262] : memref<160x125xi32, #tpu.memory_space<vmem>> -> memref<1x125xi32, #tpu.memory_space<vmem>>
          %dma_start3A_264 = tpu.memref_squeeze %dma_start3A_263 : memref<1x125xi32, #tpu.memory_space<vmem>> -> memref<125xi32, #tpu.memory_space<vmem>>
          %dma_start3A_265 = arith.constant 0 : i32
          %dma_start3A_266 = arith.constant 0 : i32
          %dma_start3A_267 = tpu.memref_slice %arg2[%dma_start3A_265, %dma_start3A_266] : memref<10000x64xf32, #tpu.memory_space<hbm>> -> memref<10000x64xf32, #tpu.memory_space<hbm>>
          tpu.enqueue_indirect_dma source(%dma_start3A_267 : memref<10000x64xf32, #tpu.memory_space<hbm>>) target(%dma_start3A_261 : memref<125x64xf32, #tpu.memory_space<vmem>>) offsets(%dma_start3A_264 : memref<125xi32, #tpu.memory_space<vmem>>) semaphore(%arg11 : memref<!tpu.dma_semaphore, #tpu.memory_space<semaphore_mem>>)
        } else {
        }
        %mul3A_171 = arith.constant 4 : i32
        %mul3A_172 = arith.muli %scan3A_89, %mul3A_171 : i32
        %add3A_173 = arith.constant 2 : i32
        %add3A_174 = arith.addi %mul3A_172, %add3A_173 : i32
        %dma_wait3A_175 = arith.constant 2 : i32
        %dma_wait3A_176 = arith.constant 0 : i32
        %dma_wait3A_177 = arith.constant 0 : i32
        %dma_wait3A_178 = tpu.memref_slice %arg9[%dma_wait3A_175, %dma_wait3A_176, %dma_wait3A_177] : memref<4x125x64xf32, #tpu.memory_space<vmem>> -> memref<1x125x64xf32, #tpu.memory_space<vmem>>
        %dma_wait3A_179 = tpu.memref_squeeze %dma_wait3A_178 : memref<1x125x64xf32, #tpu.memory_space<vmem>> -> memref<125x64xf32, #tpu.memory_space<vmem>>
        %dma_wait3A_180 = arith.constant 0 : i32
        %dma_wait3A_181 = tpu.memref_slice %arg7[%add3A_174, %dma_wait3A_180] : memref<160x125xi32, #tpu.memory_space<vmem>> -> memref<1x125xi32, #tpu.memory_space<vmem>>
        %dma_wait3A_182 = tpu.memref_squeeze %dma_wait3A_181 : memref<1x125xi32, #tpu.memory_space<vmem>> -> memref<125xi32, #tpu.memory_space<vmem>>
        %dma_wait3A_183 = arith.constant 0 : i32
        %dma_wait3A_184 = arith.constant 0 : i32
        %dma_wait3A_185 = tpu.memref_slice %arg2[%dma_wait3A_183, %dma_wait3A_184] : memref<10000x64xf32, #tpu.memory_space<hbm>> -> memref<10000x64xf32, #tpu.memory_space<hbm>>
        tpu.wait_indirect_dma semaphore(%arg11 : memref<!tpu.dma_semaphore, #tpu.memory_space<semaphore_mem>>) src(%dma_wait3A_185 : memref<10000x64xf32, #tpu.memory_space<hbm>>) dst(%dma_wait3A_179 : memref<125x64xf32, #tpu.memory_space<vmem>>)
        %dma_start3A_186 = arith.constant 2 : i32
        %dma_start3A_187 = arith.constant 0 : i32
        %dma_start3A_188 = arith.constant 0 : i32
        %dma_start3A_189 = tpu.memref_slice %arg9[%dma_start3A_186, %dma_start3A_187, %dma_start3A_188] : memref<4x125x64xf32, #tpu.memory_space<vmem>> -> memref<1x125x64xf32, #tpu.memory_space<vmem>>
        %dma_start3A_190 = tpu.memref_squeeze %dma_start3A_189 : memref<1x125x64xf32, #tpu.memory_space<vmem>> -> memref<125x64xf32, #tpu.memory_space<vmem>>
        %dma_start3A_191 = arith.constant 0 : i32
        %dma_start3A_192 = tpu.memref_slice %arg8[%add3A_174, %dma_start3A_191] : memref<160x125xi32, #tpu.memory_space<vmem>> -> memref<1x125xi32, #tpu.memory_space<vmem>>
        %dma_start3A_193 = tpu.memref_squeeze %dma_start3A_192 : memref<1x125xi32, #tpu.memory_space<vmem>> -> memref<125xi32, #tpu.memory_space<vmem>>
        %dma_start3A_194 = arith.constant 0 : i32
        %dma_start3A_195 = arith.constant 0 : i32
        %dma_start3A_196 = tpu.memref_slice %arg10[%dma_start3A_194, %dma_start3A_195] : memref<10000x64xf32, #tpu.memory_space<vmem_shared>> -> memref<10000x64xf32, #tpu.memory_space<vmem_shared>>
        tpu.enqueue_indirect_dma source(%dma_start3A_190 : memref<125x64xf32, #tpu.memory_space<vmem>>) target(%dma_start3A_196 : memref<10000x64xf32, #tpu.memory_space<vmem_shared>>) offsets(%dma_start3A_193 : memref<125xi32, #tpu.memory_space<vmem>>) semaphore(%arg12 : memref<!tpu.dma_semaphore, #tpu.memory_space<semaphore_mem>>) {add = true}
        %dma_wait3A_197 = arith.constant 2 : i32
        %dma_wait3A_198 = arith.constant 0 : i32
        %dma_wait3A_199 = arith.constant 0 : i32
        %dma_wait3A_200 = tpu.memref_slice %arg9[%dma_wait3A_197, %dma_wait3A_198, %dma_wait3A_199] : memref<4x125x64xf32, #tpu.memory_space<vmem>> -> memref<1x125x64xf32, #tpu.memory_space<vmem>>
        %dma_wait3A_201 = tpu.memref_squeeze %dma_wait3A_200 : memref<1x125x64xf32, #tpu.memory_space<vmem>> -> memref<125x64xf32, #tpu.memory_space<vmem>>
        %dma_wait3A_202 = arith.constant 0 : i32
        %dma_wait3A_203 = tpu.memref_slice %arg8[%add3A_174, %dma_wait3A_202] : memref<160x125xi32, #tpu.memory_space<vmem>> -> memref<1x125xi32, #tpu.memory_space<vmem>>
        %dma_wait3A_204 = tpu.memref_squeeze %dma_wait3A_203 : memref<1x125xi32, #tpu.memory_space<vmem>> -> memref<125xi32, #tpu.memory_space<vmem>>
        %dma_wait3A_205 = arith.constant 0 : i32
        %dma_wait3A_206 = arith.constant 0 : i32
        %dma_wait3A_207 = tpu.memref_slice %arg10[%dma_wait3A_205, %dma_wait3A_206] : memref<10000x64xf32, #tpu.memory_space<vmem_shared>> -> memref<10000x64xf32, #tpu.memory_space<vmem_shared>>
        tpu.wait_indirect_dma semaphore(%arg12 : memref<!tpu.dma_semaphore, #tpu.memory_space<semaphore_mem>>) src(%dma_wait3A_201 : memref<125x64xf32, #tpu.memory_space<vmem>>) dst(%dma_wait3A_207 : memref<10000x64xf32, #tpu.memory_space<vmem_shared>>)
        %lt3A_208 = arith.constant 156 : i32
        %lt3A_209 = arith.cmpi slt, %add3A_174, %lt3A_208 : i32
        %convert_element_type3A_210 = arith.extui %lt3A_209 : i1 to i32
        %cond3A_211 = arith.constant 0 : i32
        %cond3A_212 = arith.cmpi ne, %convert_element_type3A_210, %cond3A_211 : i32
        scf.if %cond3A_212 {
          %add3A_255 = arith.constant 4 : i32
          %add3A_256 = arith.addi %add3A_174, %add3A_255 : i32
          %dma_start3A_257 = arith.constant 2 : i32
          %dma_start3A_258 = arith.constant 0 : i32
          %dma_start3A_259 = arith.constant 0 : i32
          %dma_start3A_260 = tpu.memref_slice %arg9[%dma_start3A_257, %dma_start3A_258, %dma_start3A_259] : memref<4x125x64xf32, #tpu.memory_space<vmem>> -> memref<1x125x64xf32, #tpu.memory_space<vmem>>
          %dma_start3A_261 = tpu.memref_squeeze %dma_start3A_260 : memref<1x125x64xf32, #tpu.memory_space<vmem>> -> memref<125x64xf32, #tpu.memory_space<vmem>>
          %dma_start3A_262 = arith.constant 0 : i32
          %dma_start3A_263 = tpu.memref_slice %arg7[%add3A_256, %dma_start3A_262] : memref<160x125xi32, #tpu.memory_space<vmem>> -> memref<1x125xi32, #tpu.memory_space<vmem>>
          %dma_start3A_264 = tpu.memref_squeeze %dma_start3A_263 : memref<1x125xi32, #tpu.memory_space<vmem>> -> memref<125xi32, #tpu.memory_space<vmem>>
          %dma_start3A_265 = arith.constant 0 : i32
          %dma_start3A_266 = arith.constant 0 : i32
          %dma_start3A_267 = tpu.memref_slice %arg2[%dma_start3A_265, %dma_start3A_266] : memref<10000x64xf32, #tpu.memory_space<hbm>> -> memref<10000x64xf32, #tpu.memory_space<hbm>>
          tpu.enqueue_indirect_dma source(%dma_start3A_267 : memref<10000x64xf32, #tpu.memory_space<hbm>>) target(%dma_start3A_261 : memref<125x64xf32, #tpu.memory_space<vmem>>) offsets(%dma_start3A_264 : memref<125xi32, #tpu.memory_space<vmem>>) semaphore(%arg11 : memref<!tpu.dma_semaphore, #tpu.memory_space<semaphore_mem>>)
        } else {
        }
        %mul3A_213 = arith.constant 4 : i32
        %mul3A_214 = arith.muli %scan3A_89, %mul3A_213 : i32
        %add3A_215 = arith.constant 3 : i32
        %add3A_216 = arith.addi %mul3A_214, %add3A_215 : i32
        %dma_wait3A_217 = arith.constant 3 : i32
        %dma_wait3A_218 = arith.constant 0 : i32
        %dma_wait3A_219 = arith.constant 0 : i32
        %dma_wait3A_220 = tpu.memref_slice %arg9[%dma_wait3A_217, %dma_wait3A_218, %dma_wait3A_219] : memref<4x125x64xf32, #tpu.memory_space<vmem>> -> memref<1x125x64xf32, #tpu.memory_space<vmem>>
        %dma_wait3A_221 = tpu.memref_squeeze %dma_wait3A_220 : memref<1x125x64xf32, #tpu.memory_space<vmem>> -> memref<125x64xf32, #tpu.memory_space<vmem>>
        %dma_wait3A_222 = arith.constant 0 : i32
        %dma_wait3A_223 = tpu.memref_slice %arg7[%add3A_216, %dma_wait3A_222] : memref<160x125xi32, #tpu.memory_space<vmem>> -> memref<1x125xi32, #tpu.memory_space<vmem>>
        %dma_wait3A_224 = tpu.memref_squeeze %dma_wait3A_223 : memref<1x125xi32, #tpu.memory_space<vmem>> -> memref<125xi32, #tpu.memory_space<vmem>>
        %dma_wait3A_225 = arith.constant 0 : i32
        %dma_wait3A_226 = arith.constant 0 : i32
        %dma_wait3A_227 = tpu.memref_slice %arg2[%dma_wait3A_225, %dma_wait3A_226] : memref<10000x64xf32, #tpu.memory_space<hbm>> -> memref<10000x64xf32, #tpu.memory_space<hbm>>
        tpu.wait_indirect_dma semaphore(%arg11 : memref<!tpu.dma_semaphore, #tpu.memory_space<semaphore_mem>>) src(%dma_wait3A_227 : memref<10000x64xf32, #tpu.memory_space<hbm>>) dst(%dma_wait3A_221 : memref<125x64xf32, #tpu.memory_space<vmem>>)
        %dma_start3A_228 = arith.constant 3 : i32
        %dma_start3A_229 = arith.constant 0 : i32
        %dma_start3A_230 = arith.constant 0 : i32
        %dma_start3A_231 = tpu.memref_slice %arg9[%dma_start3A_228, %dma_start3A_229, %dma_start3A_230] : memref<4x125x64xf32, #tpu.memory_space<vmem>> -> memref<1x125x64xf32, #tpu.memory_space<vmem>>
        %dma_start3A_232 = tpu.memref_squeeze %dma_start3A_231 : memref<1x125x64xf32, #tpu.memory_space<vmem>> -> memref<125x64xf32, #tpu.memory_space<vmem>>
        %dma_start3A_233 = arith.constant 0 : i32
        %dma_start3A_234 = tpu.memref_slice %arg8[%add3A_216, %dma_start3A_233] : memref<160x125xi32, #tpu.memory_space<vmem>> -> memref<1x125xi32, #tpu.memory_space<vmem>>
        %dma_start3A_235 = tpu.memref_squeeze %dma_start3A_234 : memref<1x125xi32, #tpu.memory_space<vmem>> -> memref<125xi32, #tpu.memory_space<vmem>>
        %dma_start3A_236 = arith.constant 0 : i32
        %dma_start3A_237 = arith.constant 0 : i32
        %dma_start3A_238 = tpu.memref_slice %arg10[%dma_start3A_236, %dma_start3A_237] : memref<10000x64xf32, #tpu.memory_space<vmem_shared>> -> memref<10000x64xf32, #tpu.memory_space<vmem_shared>>
        tpu.enqueue_indirect_dma source(%dma_start3A_232 : memref<125x64xf32, #tpu.memory_space<vmem>>) target(%dma_start3A_238 : memref<10000x64xf32, #tpu.memory_space<vmem_shared>>) offsets(%dma_start3A_235 : memref<125xi32, #tpu.memory_space<vmem>>) semaphore(%arg12 : memref<!tpu.dma_semaphore, #tpu.memory_space<semaphore_mem>>) {add = true}
        %dma_wait3A_239 = arith.constant 3 : i32
        %dma_wait3A_240 = arith.constant 0 : i32
        %dma_wait3A_241 = arith.constant 0 : i32
        %dma_wait3A_242 = tpu.memref_slice %arg9[%dma_wait3A_239, %dma_wait3A_240, %dma_wait3A_241] : memref<4x125x64xf32, #tpu.memory_space<vmem>> -> memref<1x125x64xf32, #tpu.memory_space<vmem>>
        %dma_wait3A_243 = tpu.memref_squeeze %dma_wait3A_242 : memref<1x125x64xf32, #tpu.memory_space<vmem>> -> memref<125x64xf32, #tpu.memory_space<vmem>>
        %dma_wait3A_244 = arith.constant 0 : i32
        %dma_wait3A_245 = tpu.memref_slice %arg8[%add3A_216, %dma_wait3A_244] : memref<160x125xi32, #tpu.memory_space<vmem>> -> memref<1x125xi32, #tpu.memory_space<vmem>>
        %dma_wait3A_246 = tpu.memref_squeeze %dma_wait3A_245 : memref<1x125xi32, #tpu.memory_space<vmem>> -> memref<125xi32, #tpu.memory_space<vmem>>
        %dma_wait3A_247 = arith.constant 0 : i32
        %dma_wait3A_248 = arith.constant 0 : i32
        %dma_wait3A_249 = tpu.memref_slice %arg10[%dma_wait3A_247, %dma_wait3A_248] : memref<10000x64xf32, #tpu.memory_space<vmem_shared>> -> memref<10000x64xf32, #tpu.memory_space<vmem_shared>>
        tpu.wait_indirect_dma semaphore(%arg12 : memref<!tpu.dma_semaphore, #tpu.memory_space<semaphore_mem>>) src(%dma_wait3A_243 : memref<125x64xf32, #tpu.memory_space<vmem>>) dst(%dma_wait3A_249 : memref<10000x64xf32, #tpu.memory_space<vmem_shared>>)
        %lt3A_250 = arith.constant 156 : i32
        %lt3A_251 = arith.cmpi slt, %add3A_216, %lt3A_250 : i32
        %convert_element_type3A_252 = arith.extui %lt3A_251 : i1 to i32
        %cond3A_253 = arith.constant 0 : i32
        %cond3A_254 = arith.cmpi ne, %convert_element_type3A_252, %cond3A_253 : i32
        scf.if %cond3A_254 {
          %add3A_255 = arith.constant 4 : i32
          %add3A_256 = arith.addi %add3A_216, %add3A_255 : i32
          %dma_start3A_257 = arith.constant 3 : i32
          %dma_start3A_258 = arith.constant 0 : i32
          %dma_start3A_259 = arith.constant 0 : i32
          %dma_start3A_260 = tpu.memref_slice %arg9[%dma_start3A_257, %dma_start3A_258, %dma_start3A_259] : memref<4x125x64xf32, #tpu.memory_space<vmem>> -> memref<1x125x64xf32, #tpu.memory_space<vmem>>
          %dma_start3A_261 = tpu.memref_squeeze %dma_start3A_260 : memref<1x125x64xf32, #tpu.memory_space<vmem>> -> memref<125x64xf32, #tpu.memory_space<vmem>>
          %dma_start3A_262 = arith.constant 0 : i32
          %dma_start3A_263 = tpu.memref_slice %arg7[%add3A_256, %dma_start3A_262] : memref<160x125xi32, #tpu.memory_space<vmem>> -> memref<1x125xi32, #tpu.memory_space<vmem>>
          %dma_start3A_264 = tpu.memref_squeeze %dma_start3A_263 : memref<1x125xi32, #tpu.memory_space<vmem>> -> memref<125xi32, #tpu.memory_space<vmem>>
          %dma_start3A_265 = arith.constant 0 : i32
          %dma_start3A_266 = arith.constant 0 : i32
          %dma_start3A_267 = tpu.memref_slice %arg2[%dma_start3A_265, %dma_start3A_266] : memref<10000x64xf32, #tpu.memory_space<hbm>> -> memref<10000x64xf32, #tpu.memory_space<hbm>>
          tpu.enqueue_indirect_dma source(%dma_start3A_267 : memref<10000x64xf32, #tpu.memory_space<hbm>>) target(%dma_start3A_261 : memref<125x64xf32, #tpu.memory_space<vmem>>) offsets(%dma_start3A_264 : memref<125xi32, #tpu.memory_space<vmem>>) semaphore(%arg11 : memref<!tpu.dma_semaphore, #tpu.memory_space<semaphore_mem>>)
        } else {
        }
      }
      %scan3A_77 = arith.constant 40 : i32
      %barrier3A_78 = arith.constant 0 : index
      tpu.barrier barrier_id(%barrier3A_78)
      %lt3A_79 = arith.constant 15 : i32
      %lt3A_80 = arith.cmpi slt, %arg1, %lt3A_79 : i32
      %convert_element_type3A_81 = arith.extui %lt3A_80 : i1 to i32
      %cond3A_82 = arith.constant 0 : i32
      %cond3A_83 = arith.cmpi ne, %convert_element_type3A_81, %cond3A_82 : i32
      scf.if %cond3A_83 {
        %mul3A = arith.constant 640 : i32
        %mul3A_89 = arith.muli %arg1, %mul3A : i32
        %mul3A_90 = arith.constant 640 : i32
        %mul3A_91 = arith.muli %arg1, %mul3A_90 : i32
        %run_scoped3A = arith.constant 0 : i32
        "tpu.region"() ({
          %run_scoped3A_92 = tpu.sem_alloc : memref<!tpu.dma_semaphore, #tpu.memory_space<semaphore_mem>>
          %dma_start3A_93 = arith.constant 0 : i32
          %dma_start3A_94 = tpu.memref_slice %arg6[%run_scoped3A, %mul3A_91, %dma_start3A_93] : memref<2x10000x64xf32, #tpu.memory_space<hbm>> -> memref<1x640x64xf32, #tpu.memory_space<hbm>>
          %dma_start3A_95 = tpu.memref_squeeze %dma_start3A_94 : memref<1x640x64xf32, #tpu.memory_space<hbm>> -> memref<640x64xf32, #tpu.memory_space<hbm>>
          %dma_start3A_96 = arith.constant 0 : i32
          %dma_start3A_97 = tpu.memref_slice %arg10[%mul3A_89, %dma_start3A_96] : memref<10000x64xf32, #tpu.memory_space<vmem_shared>> -> memref<640x64xf32, #tpu.memory_space<vmem_shared>>
          tpu.enqueue_dma source(%dma_start3A_97 : memref<640x64xf32, #tpu.memory_space<vmem_shared>>) target(%dma_start3A_95 : memref<640x64xf32, #tpu.memory_space<hbm>>) target_semaphore(%run_scoped3A_92 : memref<!tpu.dma_semaphore, #tpu.memory_space<semaphore_mem>>)
          %dma_wait3A = arith.constant 0 : i32
          %dma_wait3A_98 = tpu.memref_slice %arg6[%run_scoped3A, %mul3A_91, %dma_wait3A] : memref<2x10000x64xf32, #tpu.memory_space<hbm>> -> memref<1x640x64xf32, #tpu.memory_space<hbm>>
          %dma_wait3A_99 = tpu.memref_squeeze %dma_wait3A_98 : memref<1x640x64xf32, #tpu.memory_space<hbm>> -> memref<640x64xf32, #tpu.memory_space<hbm>>
          %dma_wait3A_100 = arith.constant 0 : i32
          %dma_wait3A_101 = tpu.memref_slice %arg10[%mul3A_89, %dma_wait3A_100] : memref<10000x64xf32, #tpu.memory_space<vmem_shared>> -> memref<640x64xf32, #tpu.memory_space<vmem_shared>>
          tpu.wait_dma2 semaphore(%run_scoped3A_92 : memref<!tpu.dma_semaphore, #tpu.memory_space<semaphore_mem>>) src(%dma_wait3A_101 : memref<640x64xf32, #tpu.memory_space<vmem_shared>>) dst(%dma_wait3A_99 : memref<640x64xf32, #tpu.memory_space<hbm>>)
          tpu.yield
        }) : () -> ()
      } else {
      }
      %eq3A_84 = arith.constant 15 : i32
      %eq3A_85 = arith.cmpi eq, %arg1, %eq3A_84 : i32
      %convert_element_type3A_86 = arith.extui %eq3A_85 : i1 to i32
      %cond3A_87 = arith.constant 0 : i32
      %cond3A_88 = arith.cmpi ne, %convert_element_type3A_86, %cond3A_87 : i32
      scf.if %cond3A_88 {
        %run_scoped3A = arith.constant 0 : i32
        "tpu.region"() ({
          %run_scoped3A_89 = tpu.sem_alloc : memref<!tpu.dma_semaphore, #tpu.memory_space<semaphore_mem>>
          %dma_start3A_90 = arith.constant 9600 : i32
          %dma_start3A_91 = arith.constant 0 : i32
          %dma_start3A_92 = tpu.memref_slice %arg6[%run_scoped3A, %dma_start3A_90, %dma_start3A_91] : memref<2x10000x64xf32, #tpu.memory_space<hbm>> -> memref<1x400x64xf32, #tpu.memory_space<hbm>>
          %dma_start3A_93 = tpu.memref_squeeze %dma_start3A_92 : memref<1x400x64xf32, #tpu.memory_space<hbm>> -> memref<400x64xf32, #tpu.memory_space<hbm>>
          %dma_start3A_94 = arith.constant 9600 : i32
          %dma_start3A_95 = arith.constant 0 : i32
          %dma_start3A_96 = tpu.memref_slice %arg10[%dma_start3A_94, %dma_start3A_95] : memref<10000x64xf32, #tpu.memory_space<vmem_shared>> -> memref<400x64xf32, #tpu.memory_space<vmem_shared>>
          tpu.enqueue_dma source(%dma_start3A_96 : memref<400x64xf32, #tpu.memory_space<vmem_shared>>) target(%dma_start3A_93 : memref<400x64xf32, #tpu.memory_space<hbm>>) target_semaphore(%run_scoped3A_89 : memref<!tpu.dma_semaphore, #tpu.memory_space<semaphore_mem>>)
          %dma_wait3A = arith.constant 9600 : i32
          %dma_wait3A_97 = arith.constant 0 : i32
          %dma_wait3A_98 = tpu.memref_slice %arg6[%run_scoped3A, %dma_wait3A, %dma_wait3A_97] : memref<2x10000x64xf32, #tpu.memory_space<hbm>> -> memref<1x400x64xf32, #tpu.memory_space<hbm>>
          %dma_wait3A_99 = tpu.memref_squeeze %dma_wait3A_98 : memref<1x400x64xf32, #tpu.memory_space<hbm>> -> memref<400x64xf32, #tpu.memory_space<hbm>>
          %dma_wait3A_100 = arith.constant 9600 : i32
          %dma_wait3A_101 = arith.constant 0 : i32
          %dma_wait3A_102 = tpu.memref_slice %arg10[%dma_wait3A_100, %dma_wait3A_101] : memref<10000x64xf32, #tpu.memory_space<vmem_shared>> -> memref<400x64xf32, #tpu.memory_space<vmem_shared>>
          tpu.wait_dma2 semaphore(%run_scoped3A_89 : memref<!tpu.dma_semaphore, #tpu.memory_space<semaphore_mem>>) src(%dma_wait3A_102 : memref<400x64xf32, #tpu.memory_space<vmem_shared>>) dst(%dma_wait3A_99 : memref<400x64xf32, #tpu.memory_space<hbm>>)
          tpu.yield
        }) : () -> ()
      } else {
      }
    } else {
    }
    %eq3A_21 = arith.constant 1 : i32
    %eq3A_22 = arith.cmpi eq, %arg0, %eq3A_21 : i32
    %convert_element_type3A_23 = arith.extui %eq3A_22 : i1 to i32
    %cond3A_24 = arith.constant 0 : i32
    %cond3A_25 = arith.cmpi ne, %convert_element_type3A_23, %cond3A_24 : i32
    scf.if %cond3A_25 {
      %dma_start3A = arith.constant 0 : i32
      %dma_start3A_26 = arith.constant 0 : i32
      %dma_start3A_27 = arith.constant 0 : i32
      %dma_start3A_28 = arith.constant 0 : i32
      %dma_start3A_29 = tpu.memref_slice %arg9[%dma_start3A_26, %dma_start3A_27, %dma_start3A_28] : memref<4x125x64xf32, #tpu.memory_space<vmem>> -> memref<1x125x64xf32, #tpu.memory_space<vmem>>
      %dma_start3A_30 = tpu.memref_squeeze %dma_start3A_29 : memref<1x125x64xf32, #tpu.memory_space<vmem>> -> memref<125x64xf32, #tpu.memory_space<vmem>>
      %dma_start3A_31 = arith.constant 0 : i32
      %dma_start3A_32 = tpu.memref_slice %arg7[%dma_start3A, %dma_start3A_31] : memref<160x125xi32, #tpu.memory_space<vmem>> -> memref<1x125xi32, #tpu.memory_space<vmem>>
      %dma_start3A_33 = tpu.memref_squeeze %dma_start3A_32 : memref<1x125xi32, #tpu.memory_space<vmem>> -> memref<125xi32, #tpu.memory_space<vmem>>
      %dma_start3A_34 = arith.constant 0 : i32
      %dma_start3A_35 = arith.constant 0 : i32
      %dma_start3A_36 = tpu.memref_slice %arg3[%dma_start3A_34, %dma_start3A_35] : memref<10000x64xf32, #tpu.memory_space<hbm>> -> memref<10000x64xf32, #tpu.memory_space<hbm>>
      tpu.enqueue_indirect_dma source(%dma_start3A_36 : memref<10000x64xf32, #tpu.memory_space<hbm>>) target(%dma_start3A_30 : memref<125x64xf32, #tpu.memory_space<vmem>>) offsets(%dma_start3A_33 : memref<125xi32, #tpu.memory_space<vmem>>) semaphore(%arg11 : memref<!tpu.dma_semaphore, #tpu.memory_space<semaphore_mem>>)
      %dma_start3A_37 = arith.constant 1 : i32
      %dma_start3A_38 = arith.constant 1 : i32
      %dma_start3A_39 = arith.constant 0 : i32
      %dma_start3A_40 = arith.constant 0 : i32
      %dma_start3A_41 = tpu.memref_slice %arg9[%dma_start3A_38, %dma_start3A_39, %dma_start3A_40] : memref<4x125x64xf32, #tpu.memory_space<vmem>> -> memref<1x125x64xf32, #tpu.memory_space<vmem>>
      %dma_start3A_42 = tpu.memref_squeeze %dma_start3A_41 : memref<1x125x64xf32, #tpu.memory_space<vmem>> -> memref<125x64xf32, #tpu.memory_space<vmem>>
      %dma_start3A_43 = arith.constant 0 : i32
      %dma_start3A_44 = tpu.memref_slice %arg7[%dma_start3A_37, %dma_start3A_43] : memref<160x125xi32, #tpu.memory_space<vmem>> -> memref<1x125xi32, #tpu.memory_space<vmem>>
      %dma_start3A_45 = tpu.memref_squeeze %dma_start3A_44 : memref<1x125xi32, #tpu.memory_space<vmem>> -> memref<125xi32, #tpu.memory_space<vmem>>
      %dma_start3A_46 = arith.constant 0 : i32
      %dma_start3A_47 = arith.constant 0 : i32
      %dma_start3A_48 = tpu.memref_slice %arg3[%dma_start3A_46, %dma_start3A_47] : memref<10000x64xf32, #tpu.memory_space<hbm>> -> memref<10000x64xf32, #tpu.memory_space<hbm>>
      tpu.enqueue_indirect_dma source(%dma_start3A_48 : memref<10000x64xf32, #tpu.memory_space<hbm>>) target(%dma_start3A_42 : memref<125x64xf32, #tpu.memory_space<vmem>>) offsets(%dma_start3A_45 : memref<125xi32, #tpu.memory_space<vmem>>) semaphore(%arg11 : memref<!tpu.dma_semaphore, #tpu.memory_space<semaphore_mem>>)
      %dma_start3A_49 = arith.constant 2 : i32
      %dma_start3A_50 = arith.constant 2 : i32
      %dma_start3A_51 = arith.constant 0 : i32
      %dma_start3A_52 = arith.constant 0 : i32
      %dma_start3A_53 = tpu.memref_slice %arg9[%dma_start3A_50, %dma_start3A_51, %dma_start3A_52] : memref<4x125x64xf32, #tpu.memory_space<vmem>> -> memref<1x125x64xf32, #tpu.memory_space<vmem>>
      %dma_start3A_54 = tpu.memref_squeeze %dma_start3A_53 : memref<1x125x64xf32, #tpu.memory_space<vmem>> -> memref<125x64xf32, #tpu.memory_space<vmem>>
      %dma_start3A_55 = arith.constant 0 : i32
      %dma_start3A_56 = tpu.memref_slice %arg7[%dma_start3A_49, %dma_start3A_55] : memref<160x125xi32, #tpu.memory_space<vmem>> -> memref<1x125xi32, #tpu.memory_space<vmem>>
      %dma_start3A_57 = tpu.memref_squeeze %dma_start3A_56 : memref<1x125xi32, #tpu.memory_space<vmem>> -> memref<125xi32, #tpu.memory_space<vmem>>
      %dma_start3A_58 = arith.constant 0 : i32
      %dma_start3A_59 = arith.constant 0 : i32
      %dma_start3A_60 = tpu.memref_slice %arg3[%dma_start3A_58, %dma_start3A_59] : memref<10000x64xf32, #tpu.memory_space<hbm>> -> memref<10000x64xf32, #tpu.memory_space<hbm>>
      tpu.enqueue_indirect_dma source(%dma_start3A_60 : memref<10000x64xf32, #tpu.memory_space<hbm>>) target(%dma_start3A_54 : memref<125x64xf32, #tpu.memory_space<vmem>>) offsets(%dma_start3A_57 : memref<125xi32, #tpu.memory_space<vmem>>) semaphore(%arg11 : memref<!tpu.dma_semaphore, #tpu.memory_space<semaphore_mem>>)
      %dma_start3A_61 = arith.constant 3 : i32
      %dma_start3A_62 = arith.constant 3 : i32
      %dma_start3A_63 = arith.constant 0 : i32
      %dma_start3A_64 = arith.constant 0 : i32
      %dma_start3A_65 = tpu.memref_slice %arg9[%dma_start3A_62, %dma_start3A_63, %dma_start3A_64] : memref<4x125x64xf32, #tpu.memory_space<vmem>> -> memref<1x125x64xf32, #tpu.memory_space<vmem>>
      %dma_start3A_66 = tpu.memref_squeeze %dma_start3A_65 : memref<1x125x64xf32, #tpu.memory_space<vmem>> -> memref<125x64xf32, #tpu.memory_space<vmem>>
      %dma_start3A_67 = arith.constant 0 : i32
      %dma_start3A_68 = tpu.memref_slice %arg7[%dma_start3A_61, %dma_start3A_67] : memref<160x125xi32, #tpu.memory_space<vmem>> -> memref<1x125xi32, #tpu.memory_space<vmem>>
      %dma_start3A_69 = tpu.memref_squeeze %dma_start3A_68 : memref<1x125xi32, #tpu.memory_space<vmem>> -> memref<125xi32, #tpu.memory_space<vmem>>
      %dma_start3A_70 = arith.constant 0 : i32
      %dma_start3A_71 = arith.constant 0 : i32
      %dma_start3A_72 = tpu.memref_slice %arg3[%dma_start3A_70, %dma_start3A_71] : memref<10000x64xf32, #tpu.memory_space<hbm>> -> memref<10000x64xf32, #tpu.memory_space<hbm>>
      tpu.enqueue_indirect_dma source(%dma_start3A_72 : memref<10000x64xf32, #tpu.memory_space<hbm>>) target(%dma_start3A_66 : memref<125x64xf32, #tpu.memory_space<vmem>>) offsets(%dma_start3A_69 : memref<125xi32, #tpu.memory_space<vmem>>) semaphore(%arg11 : memref<!tpu.dma_semaphore, #tpu.memory_space<semaphore_mem>>)
      %scan3A = arith.constant 0 : i32
      %scan3A_73 = arith.constant 0 : i32
      %scan3A_74 = arith.constant 40 : i32
      %scan3A_75 = arith.addi %scan3A_73, %scan3A_74 : i32
      %scan3A_76 = arith.constant 1 : i32
      scf.for %scan3A_89 = %scan3A_73 to %scan3A_75 step %scan3A_76  : i32 {
        %mul3A = arith.constant 4 : i32
        %mul3A_90 = arith.muli %scan3A_89, %mul3A : i32
        %add3A = arith.constant 0 : i32
        %add3A_91 = arith.addi %mul3A_90, %add3A : i32
        %dma_wait3A = arith.constant 0 : i32
        %dma_wait3A_92 = arith.constant 0 : i32
        %dma_wait3A_93 = arith.constant 0 : i32
        %dma_wait3A_94 = tpu.memref_slice %arg9[%dma_wait3A, %dma_wait3A_92, %dma_wait3A_93] : memref<4x125x64xf32, #tpu.memory_space<vmem>> -> memref<1x125x64xf32, #tpu.memory_space<vmem>>
        %dma_wait3A_95 = tpu.memref_squeeze %dma_wait3A_94 : memref<1x125x64xf32, #tpu.memory_space<vmem>> -> memref<125x64xf32, #tpu.memory_space<vmem>>
        %dma_wait3A_96 = arith.constant 0 : i32
        %dma_wait3A_97 = tpu.memref_slice %arg7[%add3A_91, %dma_wait3A_96] : memref<160x125xi32, #tpu.memory_space<vmem>> -> memref<1x125xi32, #tpu.memory_space<vmem>>
        %dma_wait3A_98 = tpu.memref_squeeze %dma_wait3A_97 : memref<1x125xi32, #tpu.memory_space<vmem>> -> memref<125xi32, #tpu.memory_space<vmem>>
        %dma_wait3A_99 = arith.constant 0 : i32
        %dma_wait3A_100 = arith.constant 0 : i32
        %dma_wait3A_101 = tpu.memref_slice %arg3[%dma_wait3A_99, %dma_wait3A_100] : memref<10000x64xf32, #tpu.memory_space<hbm>> -> memref<10000x64xf32, #tpu.memory_space<hbm>>
        tpu.wait_indirect_dma semaphore(%arg11 : memref<!tpu.dma_semaphore, #tpu.memory_space<semaphore_mem>>) src(%dma_wait3A_101 : memref<10000x64xf32, #tpu.memory_space<hbm>>) dst(%dma_wait3A_95 : memref<125x64xf32, #tpu.memory_space<vmem>>)
        %dma_start3A_102 = arith.constant 0 : i32
        %dma_start3A_103 = arith.constant 0 : i32
        %dma_start3A_104 = arith.constant 0 : i32
        %dma_start3A_105 = tpu.memref_slice %arg9[%dma_start3A_102, %dma_start3A_103, %dma_start3A_104] : memref<4x125x64xf32, #tpu.memory_space<vmem>> -> memref<1x125x64xf32, #tpu.memory_space<vmem>>
        %dma_start3A_106 = tpu.memref_squeeze %dma_start3A_105 : memref<1x125x64xf32, #tpu.memory_space<vmem>> -> memref<125x64xf32, #tpu.memory_space<vmem>>
        %dma_start3A_107 = arith.constant 0 : i32
        %dma_start3A_108 = tpu.memref_slice %arg8[%add3A_91, %dma_start3A_107] : memref<160x125xi32, #tpu.memory_space<vmem>> -> memref<1x125xi32, #tpu.memory_space<vmem>>
        %dma_start3A_109 = tpu.memref_squeeze %dma_start3A_108 : memref<1x125xi32, #tpu.memory_space<vmem>> -> memref<125xi32, #tpu.memory_space<vmem>>
        %dma_start3A_110 = arith.constant 0 : i32
        %dma_start3A_111 = arith.constant 0 : i32
        %dma_start3A_112 = tpu.memref_slice %arg10[%dma_start3A_110, %dma_start3A_111] : memref<10000x64xf32, #tpu.memory_space<vmem_shared>> -> memref<10000x64xf32, #tpu.memory_space<vmem_shared>>
        tpu.enqueue_indirect_dma source(%dma_start3A_106 : memref<125x64xf32, #tpu.memory_space<vmem>>) target(%dma_start3A_112 : memref<10000x64xf32, #tpu.memory_space<vmem_shared>>) offsets(%dma_start3A_109 : memref<125xi32, #tpu.memory_space<vmem>>) semaphore(%arg12 : memref<!tpu.dma_semaphore, #tpu.memory_space<semaphore_mem>>) {add = true}
        %dma_wait3A_113 = arith.constant 0 : i32
        %dma_wait3A_114 = arith.constant 0 : i32
        %dma_wait3A_115 = arith.constant 0 : i32
        %dma_wait3A_116 = tpu.memref_slice %arg9[%dma_wait3A_113, %dma_wait3A_114, %dma_wait3A_115] : memref<4x125x64xf32, #tpu.memory_space<vmem>> -> memref<1x125x64xf32, #tpu.memory_space<vmem>>
        %dma_wait3A_117 = tpu.memref_squeeze %dma_wait3A_116 : memref<1x125x64xf32, #tpu.memory_space<vmem>> -> memref<125x64xf32, #tpu.memory_space<vmem>>
        %dma_wait3A_118 = arith.constant 0 : i32
        %dma_wait3A_119 = tpu.memref_slice %arg8[%add3A_91, %dma_wait3A_118] : memref<160x125xi32, #tpu.memory_space<vmem>> -> memref<1x125xi32, #tpu.memory_space<vmem>>
        %dma_wait3A_120 = tpu.memref_squeeze %dma_wait3A_119 : memref<1x125xi32, #tpu.memory_space<vmem>> -> memref<125xi32, #tpu.memory_space<vmem>>
        %dma_wait3A_121 = arith.constant 0 : i32
        %dma_wait3A_122 = arith.constant 0 : i32
        %dma_wait3A_123 = tpu.memref_slice %arg10[%dma_wait3A_121, %dma_wait3A_122] : memref<10000x64xf32, #tpu.memory_space<vmem_shared>> -> memref<10000x64xf32, #tpu.memory_space<vmem_shared>>
        tpu.wait_indirect_dma semaphore(%arg12 : memref<!tpu.dma_semaphore, #tpu.memory_space<semaphore_mem>>) src(%dma_wait3A_117 : memref<125x64xf32, #tpu.memory_space<vmem>>) dst(%dma_wait3A_123 : memref<10000x64xf32, #tpu.memory_space<vmem_shared>>)
        %lt3A_124 = arith.constant 156 : i32
        %lt3A_125 = arith.cmpi slt, %add3A_91, %lt3A_124 : i32
        %convert_element_type3A_126 = arith.extui %lt3A_125 : i1 to i32
        %cond3A_127 = arith.constant 0 : i32
        %cond3A_128 = arith.cmpi ne, %convert_element_type3A_126, %cond3A_127 : i32
        scf.if %cond3A_128 {
          %add3A_255 = arith.constant 4 : i32
          %add3A_256 = arith.addi %add3A_91, %add3A_255 : i32
          %dma_start3A_257 = arith.constant 0 : i32
          %dma_start3A_258 = arith.constant 0 : i32
          %dma_start3A_259 = arith.constant 0 : i32
          %dma_start3A_260 = tpu.memref_slice %arg9[%dma_start3A_257, %dma_start3A_258, %dma_start3A_259] : memref<4x125x64xf32, #tpu.memory_space<vmem>> -> memref<1x125x64xf32, #tpu.memory_space<vmem>>
          %dma_start3A_261 = tpu.memref_squeeze %dma_start3A_260 : memref<1x125x64xf32, #tpu.memory_space<vmem>> -> memref<125x64xf32, #tpu.memory_space<vmem>>
          %dma_start3A_262 = arith.constant 0 : i32
          %dma_start3A_263 = tpu.memref_slice %arg7[%add3A_256, %dma_start3A_262] : memref<160x125xi32, #tpu.memory_space<vmem>> -> memref<1x125xi32, #tpu.memory_space<vmem>>
          %dma_start3A_264 = tpu.memref_squeeze %dma_start3A_263 : memref<1x125xi32, #tpu.memory_space<vmem>> -> memref<125xi32, #tpu.memory_space<vmem>>
          %dma_start3A_265 = arith.constant 0 : i32
          %dma_start3A_266 = arith.constant 0 : i32
          %dma_start3A_267 = tpu.memref_slice %arg3[%dma_start3A_265, %dma_start3A_266] : memref<10000x64xf32, #tpu.memory_space<hbm>> -> memref<10000x64xf32, #tpu.memory_space<hbm>>
          tpu.enqueue_indirect_dma source(%dma_start3A_267 : memref<10000x64xf32, #tpu.memory_space<hbm>>) target(%dma_start3A_261 : memref<125x64xf32, #tpu.memory_space<vmem>>) offsets(%dma_start3A_264 : memref<125xi32, #tpu.memory_space<vmem>>) semaphore(%arg11 : memref<!tpu.dma_semaphore, #tpu.memory_space<semaphore_mem>>)
        } else {
        }
        %mul3A_129 = arith.constant 4 : i32
        %mul3A_130 = arith.muli %scan3A_89, %mul3A_129 : i32
        %add3A_131 = arith.constant 1 : i32
        %add3A_132 = arith.addi %mul3A_130, %add3A_131 : i32
        %dma_wait3A_133 = arith.constant 1 : i32
        %dma_wait3A_134 = arith.constant 0 : i32
        %dma_wait3A_135 = arith.constant 0 : i32
        %dma_wait3A_136 = tpu.memref_slice %arg9[%dma_wait3A_133, %dma_wait3A_134, %dma_wait3A_135] : memref<4x125x64xf32, #tpu.memory_space<vmem>> -> memref<1x125x64xf32, #tpu.memory_space<vmem>>
        %dma_wait3A_137 = tpu.memref_squeeze %dma_wait3A_136 : memref<1x125x64xf32, #tpu.memory_space<vmem>> -> memref<125x64xf32, #tpu.memory_space<vmem>>
        %dma_wait3A_138 = arith.constant 0 : i32
        %dma_wait3A_139 = tpu.memref_slice %arg7[%add3A_132, %dma_wait3A_138] : memref<160x125xi32, #tpu.memory_space<vmem>> -> memref<1x125xi32, #tpu.memory_space<vmem>>
        %dma_wait3A_140 = tpu.memref_squeeze %dma_wait3A_139 : memref<1x125xi32, #tpu.memory_space<vmem>> -> memref<125xi32, #tpu.memory_space<vmem>>
        %dma_wait3A_141 = arith.constant 0 : i32
        %dma_wait3A_142 = arith.constant 0 : i32
        %dma_wait3A_143 = tpu.memref_slice %arg3[%dma_wait3A_141, %dma_wait3A_142] : memref<10000x64xf32, #tpu.memory_space<hbm>> -> memref<10000x64xf32, #tpu.memory_space<hbm>>
        tpu.wait_indirect_dma semaphore(%arg11 : memref<!tpu.dma_semaphore, #tpu.memory_space<semaphore_mem>>) src(%dma_wait3A_143 : memref<10000x64xf32, #tpu.memory_space<hbm>>) dst(%dma_wait3A_137 : memref<125x64xf32, #tpu.memory_space<vmem>>)
        %dma_start3A_144 = arith.constant 1 : i32
        %dma_start3A_145 = arith.constant 0 : i32
        %dma_start3A_146 = arith.constant 0 : i32
        %dma_start3A_147 = tpu.memref_slice %arg9[%dma_start3A_144, %dma_start3A_145, %dma_start3A_146] : memref<4x125x64xf32, #tpu.memory_space<vmem>> -> memref<1x125x64xf32, #tpu.memory_space<vmem>>
        %dma_start3A_148 = tpu.memref_squeeze %dma_start3A_147 : memref<1x125x64xf32, #tpu.memory_space<vmem>> -> memref<125x64xf32, #tpu.memory_space<vmem>>
        %dma_start3A_149 = arith.constant 0 : i32
        %dma_start3A_150 = tpu.memref_slice %arg8[%add3A_132, %dma_start3A_149] : memref<160x125xi32, #tpu.memory_space<vmem>> -> memref<1x125xi32, #tpu.memory_space<vmem>>
        %dma_start3A_151 = tpu.memref_squeeze %dma_start3A_150 : memref<1x125xi32, #tpu.memory_space<vmem>> -> memref<125xi32, #tpu.memory_space<vmem>>
        %dma_start3A_152 = arith.constant 0 : i32
        %dma_start3A_153 = arith.constant 0 : i32
        %dma_start3A_154 = tpu.memref_slice %arg10[%dma_start3A_152, %dma_start3A_153] : memref<10000x64xf32, #tpu.memory_space<vmem_shared>> -> memref<10000x64xf32, #tpu.memory_space<vmem_shared>>
        tpu.enqueue_indirect_dma source(%dma_start3A_148 : memref<125x64xf32, #tpu.memory_space<vmem>>) target(%dma_start3A_154 : memref<10000x64xf32, #tpu.memory_space<vmem_shared>>) offsets(%dma_start3A_151 : memref<125xi32, #tpu.memory_space<vmem>>) semaphore(%arg12 : memref<!tpu.dma_semaphore, #tpu.memory_space<semaphore_mem>>) {add = true}
        %dma_wait3A_155 = arith.constant 1 : i32
        %dma_wait3A_156 = arith.constant 0 : i32
        %dma_wait3A_157 = arith.constant 0 : i32
        %dma_wait3A_158 = tpu.memref_slice %arg9[%dma_wait3A_155, %dma_wait3A_156, %dma_wait3A_157] : memref<4x125x64xf32, #tpu.memory_space<vmem>> -> memref<1x125x64xf32, #tpu.memory_space<vmem>>
        %dma_wait3A_159 = tpu.memref_squeeze %dma_wait3A_158 : memref<1x125x64xf32, #tpu.memory_space<vmem>> -> memref<125x64xf32, #tpu.memory_space<vmem>>
        %dma_wait3A_160 = arith.constant 0 : i32
        %dma_wait3A_161 = tpu.memref_slice %arg8[%add3A_132, %dma_wait3A_160] : memref<160x125xi32, #tpu.memory_space<vmem>> -> memref<1x125xi32, #tpu.memory_space<vmem>>
        %dma_wait3A_162 = tpu.memref_squeeze %dma_wait3A_161 : memref<1x125xi32, #tpu.memory_space<vmem>> -> memref<125xi32, #tpu.memory_space<vmem>>
        %dma_wait3A_163 = arith.constant 0 : i32
        %dma_wait3A_164 = arith.constant 0 : i32
        %dma_wait3A_165 = tpu.memref_slice %arg10[%dma_wait3A_163, %dma_wait3A_164] : memref<10000x64xf32, #tpu.memory_space<vmem_shared>> -> memref<10000x64xf32, #tpu.memory_space<vmem_shared>>
        tpu.wait_indirect_dma semaphore(%arg12 : memref<!tpu.dma_semaphore, #tpu.memory_space<semaphore_mem>>) src(%dma_wait3A_159 : memref<125x64xf32, #tpu.memory_space<vmem>>) dst(%dma_wait3A_165 : memref<10000x64xf32, #tpu.memory_space<vmem_shared>>)
        %lt3A_166 = arith.constant 156 : i32
        %lt3A_167 = arith.cmpi slt, %add3A_132, %lt3A_166 : i32
        %convert_element_type3A_168 = arith.extui %lt3A_167 : i1 to i32
        %cond3A_169 = arith.constant 0 : i32
        %cond3A_170 = arith.cmpi ne, %convert_element_type3A_168, %cond3A_169 : i32
        scf.if %cond3A_170 {
          %add3A_255 = arith.constant 4 : i32
          %add3A_256 = arith.addi %add3A_132, %add3A_255 : i32
          %dma_start3A_257 = arith.constant 1 : i32
          %dma_start3A_258 = arith.constant 0 : i32
          %dma_start3A_259 = arith.constant 0 : i32
          %dma_start3A_260 = tpu.memref_slice %arg9[%dma_start3A_257, %dma_start3A_258, %dma_start3A_259] : memref<4x125x64xf32, #tpu.memory_space<vmem>> -> memref<1x125x64xf32, #tpu.memory_space<vmem>>
          %dma_start3A_261 = tpu.memref_squeeze %dma_start3A_260 : memref<1x125x64xf32, #tpu.memory_space<vmem>> -> memref<125x64xf32, #tpu.memory_space<vmem>>
          %dma_start3A_262 = arith.constant 0 : i32
          %dma_start3A_263 = tpu.memref_slice %arg7[%add3A_256, %dma_start3A_262] : memref<160x125xi32, #tpu.memory_space<vmem>> -> memref<1x125xi32, #tpu.memory_space<vmem>>
          %dma_start3A_264 = tpu.memref_squeeze %dma_start3A_263 : memref<1x125xi32, #tpu.memory_space<vmem>> -> memref<125xi32, #tpu.memory_space<vmem>>
          %dma_start3A_265 = arith.constant 0 : i32
          %dma_start3A_266 = arith.constant 0 : i32
          %dma_start3A_267 = tpu.memref_slice %arg3[%dma_start3A_265, %dma_start3A_266] : memref<10000x64xf32, #tpu.memory_space<hbm>> -> memref<10000x64xf32, #tpu.memory_space<hbm>>
          tpu.enqueue_indirect_dma source(%dma_start3A_267 : memref<10000x64xf32, #tpu.memory_space<hbm>>) target(%dma_start3A_261 : memref<125x64xf32, #tpu.memory_space<vmem>>) offsets(%dma_start3A_264 : memref<125xi32, #tpu.memory_space<vmem>>) semaphore(%arg11 : memref<!tpu.dma_semaphore, #tpu.memory_space<semaphore_mem>>)
        } else {
        }
        %mul3A_171 = arith.constant 4 : i32
        %mul3A_172 = arith.muli %scan3A_89, %mul3A_171 : i32
        %add3A_173 = arith.constant 2 : i32
        %add3A_174 = arith.addi %mul3A_172, %add3A_173 : i32
        %dma_wait3A_175 = arith.constant 2 : i32
        %dma_wait3A_176 = arith.constant 0 : i32
        %dma_wait3A_177 = arith.constant 0 : i32
        %dma_wait3A_178 = tpu.memref_slice %arg9[%dma_wait3A_175, %dma_wait3A_176, %dma_wait3A_177] : memref<4x125x64xf32, #tpu.memory_space<vmem>> -> memref<1x125x64xf32, #tpu.memory_space<vmem>>
        %dma_wait3A_179 = tpu.memref_squeeze %dma_wait3A_178 : memref<1x125x64xf32, #tpu.memory_space<vmem>> -> memref<125x64xf32, #tpu.memory_space<vmem>>
        %dma_wait3A_180 = arith.constant 0 : i32
        %dma_wait3A_181 = tpu.memref_slice %arg7[%add3A_174, %dma_wait3A_180] : memref<160x125xi32, #tpu.memory_space<vmem>> -> memref<1x125xi32, #tpu.memory_space<vmem>>
        %dma_wait3A_182 = tpu.memref_squeeze %dma_wait3A_181 : memref<1x125xi32, #tpu.memory_space<vmem>> -> memref<125xi32, #tpu.memory_space<vmem>>
        %dma_wait3A_183 = arith.constant 0 : i32
        %dma_wait3A_184 = arith.constant 0 : i32
        %dma_wait3A_185 = tpu.memref_slice %arg3[%dma_wait3A_183, %dma_wait3A_184] : memref<10000x64xf32, #tpu.memory_space<hbm>> -> memref<10000x64xf32, #tpu.memory_space<hbm>>
        tpu.wait_indirect_dma semaphore(%arg11 : memref<!tpu.dma_semaphore, #tpu.memory_space<semaphore_mem>>) src(%dma_wait3A_185 : memref<10000x64xf32, #tpu.memory_space<hbm>>) dst(%dma_wait3A_179 : memref<125x64xf32, #tpu.memory_space<vmem>>)
        %dma_start3A_186 = arith.constant 2 : i32
        %dma_start3A_187 = arith.constant 0 : i32
        %dma_start3A_188 = arith.constant 0 : i32
        %dma_start3A_189 = tpu.memref_slice %arg9[%dma_start3A_186, %dma_start3A_187, %dma_start3A_188] : memref<4x125x64xf32, #tpu.memory_space<vmem>> -> memref<1x125x64xf32, #tpu.memory_space<vmem>>
        %dma_start3A_190 = tpu.memref_squeeze %dma_start3A_189 : memref<1x125x64xf32, #tpu.memory_space<vmem>> -> memref<125x64xf32, #tpu.memory_space<vmem>>
        %dma_start3A_191 = arith.constant 0 : i32
        %dma_start3A_192 = tpu.memref_slice %arg8[%add3A_174, %dma_start3A_191] : memref<160x125xi32, #tpu.memory_space<vmem>> -> memref<1x125xi32, #tpu.memory_space<vmem>>
        %dma_start3A_193 = tpu.memref_squeeze %dma_start3A_192 : memref<1x125xi32, #tpu.memory_space<vmem>> -> memref<125xi32, #tpu.memory_space<vmem>>
        %dma_start3A_194 = arith.constant 0 : i32
        %dma_start3A_195 = arith.constant 0 : i32
        %dma_start3A_196 = tpu.memref_slice %arg10[%dma_start3A_194, %dma_start3A_195] : memref<10000x64xf32, #tpu.memory_space<vmem_shared>> -> memref<10000x64xf32, #tpu.memory_space<vmem_shared>>
        tpu.enqueue_indirect_dma source(%dma_start3A_190 : memref<125x64xf32, #tpu.memory_space<vmem>>) target(%dma_start3A_196 : memref<10000x64xf32, #tpu.memory_space<vmem_shared>>) offsets(%dma_start3A_193 : memref<125xi32, #tpu.memory_space<vmem>>) semaphore(%arg12 : memref<!tpu.dma_semaphore, #tpu.memory_space<semaphore_mem>>) {add = true}
        %dma_wait3A_197 = arith.constant 2 : i32
        %dma_wait3A_198 = arith.constant 0 : i32
        %dma_wait3A_199 = arith.constant 0 : i32
        %dma_wait3A_200 = tpu.memref_slice %arg9[%dma_wait3A_197, %dma_wait3A_198, %dma_wait3A_199] : memref<4x125x64xf32, #tpu.memory_space<vmem>> -> memref<1x125x64xf32, #tpu.memory_space<vmem>>
        %dma_wait3A_201 = tpu.memref_squeeze %dma_wait3A_200 : memref<1x125x64xf32, #tpu.memory_space<vmem>> -> memref<125x64xf32, #tpu.memory_space<vmem>>
        %dma_wait3A_202 = arith.constant 0 : i32
        %dma_wait3A_203 = tpu.memref_slice %arg8[%add3A_174, %dma_wait3A_202] : memref<160x125xi32, #tpu.memory_space<vmem>> -> memref<1x125xi32, #tpu.memory_space<vmem>>
        %dma_wait3A_204 = tpu.memref_squeeze %dma_wait3A_203 : memref<1x125xi32, #tpu.memory_space<vmem>> -> memref<125xi32, #tpu.memory_space<vmem>>
        %dma_wait3A_205 = arith.constant 0 : i32
        %dma_wait3A_206 = arith.constant 0 : i32
        %dma_wait3A_207 = tpu.memref_slice %arg10[%dma_wait3A_205, %dma_wait3A_206] : memref<10000x64xf32, #tpu.memory_space<vmem_shared>> -> memref<10000x64xf32, #tpu.memory_space<vmem_shared>>
        tpu.wait_indirect_dma semaphore(%arg12 : memref<!tpu.dma_semaphore, #tpu.memory_space<semaphore_mem>>) src(%dma_wait3A_201 : memref<125x64xf32, #tpu.memory_space<vmem>>) dst(%dma_wait3A_207 : memref<10000x64xf32, #tpu.memory_space<vmem_shared>>)
        %lt3A_208 = arith.constant 156 : i32
        %lt3A_209 = arith.cmpi slt, %add3A_174, %lt3A_208 : i32
        %convert_element_type3A_210 = arith.extui %lt3A_209 : i1 to i32
        %cond3A_211 = arith.constant 0 : i32
        %cond3A_212 = arith.cmpi ne, %convert_element_type3A_210, %cond3A_211 : i32
        scf.if %cond3A_212 {
          %add3A_255 = arith.constant 4 : i32
          %add3A_256 = arith.addi %add3A_174, %add3A_255 : i32
          %dma_start3A_257 = arith.constant 2 : i32
          %dma_start3A_258 = arith.constant 0 : i32
          %dma_start3A_259 = arith.constant 0 : i32
          %dma_start3A_260 = tpu.memref_slice %arg9[%dma_start3A_257, %dma_start3A_258, %dma_start3A_259] : memref<4x125x64xf32, #tpu.memory_space<vmem>> -> memref<1x125x64xf32, #tpu.memory_space<vmem>>
          %dma_start3A_261 = tpu.memref_squeeze %dma_start3A_260 : memref<1x125x64xf32, #tpu.memory_space<vmem>> -> memref<125x64xf32, #tpu.memory_space<vmem>>
          %dma_start3A_262 = arith.constant 0 : i32
          %dma_start3A_263 = tpu.memref_slice %arg7[%add3A_256, %dma_start3A_262] : memref<160x125xi32, #tpu.memory_space<vmem>> -> memref<1x125xi32, #tpu.memory_space<vmem>>
          %dma_start3A_264 = tpu.memref_squeeze %dma_start3A_263 : memref<1x125xi32, #tpu.memory_space<vmem>> -> memref<125xi32, #tpu.memory_space<vmem>>
          %dma_start3A_265 = arith.constant 0 : i32
          %dma_start3A_266 = arith.constant 0 : i32
          %dma_start3A_267 = tpu.memref_slice %arg3[%dma_start3A_265, %dma_start3A_266] : memref<10000x64xf32, #tpu.memory_space<hbm>> -> memref<10000x64xf32, #tpu.memory_space<hbm>>
          tpu.enqueue_indirect_dma source(%dma_start3A_267 : memref<10000x64xf32, #tpu.memory_space<hbm>>) target(%dma_start3A_261 : memref<125x64xf32, #tpu.memory_space<vmem>>) offsets(%dma_start3A_264 : memref<125xi32, #tpu.memory_space<vmem>>) semaphore(%arg11 : memref<!tpu.dma_semaphore, #tpu.memory_space<semaphore_mem>>)
        } else {
        }
        %mul3A_213 = arith.constant 4 : i32
        %mul3A_214 = arith.muli %scan3A_89, %mul3A_213 : i32
        %add3A_215 = arith.constant 3 : i32
        %add3A_216 = arith.addi %mul3A_214, %add3A_215 : i32
        %dma_wait3A_217 = arith.constant 3 : i32
        %dma_wait3A_218 = arith.constant 0 : i32
        %dma_wait3A_219 = arith.constant 0 : i32
        %dma_wait3A_220 = tpu.memref_slice %arg9[%dma_wait3A_217, %dma_wait3A_218, %dma_wait3A_219] : memref<4x125x64xf32, #tpu.memory_space<vmem>> -> memref<1x125x64xf32, #tpu.memory_space<vmem>>
        %dma_wait3A_221 = tpu.memref_squeeze %dma_wait3A_220 : memref<1x125x64xf32, #tpu.memory_space<vmem>> -> memref<125x64xf32, #tpu.memory_space<vmem>>
        %dma_wait3A_222 = arith.constant 0 : i32
        %dma_wait3A_223 = tpu.memref_slice %arg7[%add3A_216, %dma_wait3A_222] : memref<160x125xi32, #tpu.memory_space<vmem>> -> memref<1x125xi32, #tpu.memory_space<vmem>>
        %dma_wait3A_224 = tpu.memref_squeeze %dma_wait3A_223 : memref<1x125xi32, #tpu.memory_space<vmem>> -> memref<125xi32, #tpu.memory_space<vmem>>
        %dma_wait3A_225 = arith.constant 0 : i32
        %dma_wait3A_226 = arith.constant 0 : i32
        %dma_wait3A_227 = tpu.memref_slice %arg3[%dma_wait3A_225, %dma_wait3A_226] : memref<10000x64xf32, #tpu.memory_space<hbm>> -> memref<10000x64xf32, #tpu.memory_space<hbm>>
        tpu.wait_indirect_dma semaphore(%arg11 : memref<!tpu.dma_semaphore, #tpu.memory_space<semaphore_mem>>) src(%dma_wait3A_227 : memref<10000x64xf32, #tpu.memory_space<hbm>>) dst(%dma_wait3A_221 : memref<125x64xf32, #tpu.memory_space<vmem>>)
        %dma_start3A_228 = arith.constant 3 : i32
        %dma_start3A_229 = arith.constant 0 : i32
        %dma_start3A_230 = arith.constant 0 : i32
        %dma_start3A_231 = tpu.memref_slice %arg9[%dma_start3A_228, %dma_start3A_229, %dma_start3A_230] : memref<4x125x64xf32, #tpu.memory_space<vmem>> -> memref<1x125x64xf32, #tpu.memory_space<vmem>>
        %dma_start3A_232 = tpu.memref_squeeze %dma_start3A_231 : memref<1x125x64xf32, #tpu.memory_space<vmem>> -> memref<125x64xf32, #tpu.memory_space<vmem>>
        %dma_start3A_233 = arith.constant 0 : i32
        %dma_start3A_234 = tpu.memref_slice %arg8[%add3A_216, %dma_start3A_233] : memref<160x125xi32, #tpu.memory_space<vmem>> -> memref<1x125xi32, #tpu.memory_space<vmem>>
        %dma_start3A_235 = tpu.memref_squeeze %dma_start3A_234 : memref<1x125xi32, #tpu.memory_space<vmem>> -> memref<125xi32, #tpu.memory_space<vmem>>
        %dma_start3A_236 = arith.constant 0 : i32
        %dma_start3A_237 = arith.constant 0 : i32
        %dma_start3A_238 = tpu.memref_slice %arg10[%dma_start3A_236, %dma_start3A_237] : memref<10000x64xf32, #tpu.memory_space<vmem_shared>> -> memref<10000x64xf32, #tpu.memory_space<vmem_shared>>
        tpu.enqueue_indirect_dma source(%dma_start3A_232 : memref<125x64xf32, #tpu.memory_space<vmem>>) target(%dma_start3A_238 : memref<10000x64xf32, #tpu.memory_space<vmem_shared>>) offsets(%dma_start3A_235 : memref<125xi32, #tpu.memory_space<vmem>>) semaphore(%arg12 : memref<!tpu.dma_semaphore, #tpu.memory_space<semaphore_mem>>) {add = true}
        %dma_wait3A_239 = arith.constant 3 : i32
        %dma_wait3A_240 = arith.constant 0 : i32
        %dma_wait3A_241 = arith.constant 0 : i32
        %dma_wait3A_242 = tpu.memref_slice %arg9[%dma_wait3A_239, %dma_wait3A_240, %dma_wait3A_241] : memref<4x125x64xf32, #tpu.memory_space<vmem>> -> memref<1x125x64xf32, #tpu.memory_space<vmem>>
        %dma_wait3A_243 = tpu.memref_squeeze %dma_wait3A_242 : memref<1x125x64xf32, #tpu.memory_space<vmem>> -> memref<125x64xf32, #tpu.memory_space<vmem>>
        %dma_wait3A_244 = arith.constant 0 : i32
        %dma_wait3A_245 = tpu.memref_slice %arg8[%add3A_216, %dma_wait3A_244] : memref<160x125xi32, #tpu.memory_space<vmem>> -> memref<1x125xi32, #tpu.memory_space<vmem>>
        %dma_wait3A_246 = tpu.memref_squeeze %dma_wait3A_245 : memref<1x125xi32, #tpu.memory_space<vmem>> -> memref<125xi32, #tpu.memory_space<vmem>>
        %dma_wait3A_247 = arith.constant 0 : i32
        %dma_wait3A_248 = arith.constant 0 : i32
        %dma_wait3A_249 = tpu.memref_slice %arg10[%dma_wait3A_247, %dma_wait3A_248] : memref<10000x64xf32, #tpu.memory_space<vmem_shared>> -> memref<10000x64xf32, #tpu.memory_space<vmem_shared>>
        tpu.wait_indirect_dma semaphore(%arg12 : memref<!tpu.dma_semaphore, #tpu.memory_space<semaphore_mem>>) src(%dma_wait3A_243 : memref<125x64xf32, #tpu.memory_space<vmem>>) dst(%dma_wait3A_249 : memref<10000x64xf32, #tpu.memory_space<vmem_shared>>)
        %lt3A_250 = arith.constant 156 : i32
        %lt3A_251 = arith.cmpi slt, %add3A_216, %lt3A_250 : i32
        %convert_element_type3A_252 = arith.extui %lt3A_251 : i1 to i32
        %cond3A_253 = arith.constant 0 : i32
        %cond3A_254 = arith.cmpi ne, %convert_element_type3A_252, %cond3A_253 : i32
        scf.if %cond3A_254 {
          %add3A_255 = arith.constant 4 : i32
          %add3A_256 = arith.addi %add3A_216, %add3A_255 : i32
          %dma_start3A_257 = arith.constant 3 : i32
          %dma_start3A_258 = arith.constant 0 : i32
          %dma_start3A_259 = arith.constant 0 : i32
          %dma_start3A_260 = tpu.memref_slice %arg9[%dma_start3A_257, %dma_start3A_258, %dma_start3A_259] : memref<4x125x64xf32, #tpu.memory_space<vmem>> -> memref<1x125x64xf32, #tpu.memory_space<vmem>>
          %dma_start3A_261 = tpu.memref_squeeze %dma_start3A_260 : memref<1x125x64xf32, #tpu.memory_space<vmem>> -> memref<125x64xf32, #tpu.memory_space<vmem>>
          %dma_start3A_262 = arith.constant 0 : i32
          %dma_start3A_263 = tpu.memref_slice %arg7[%add3A_256, %dma_start3A_262] : memref<160x125xi32, #tpu.memory_space<vmem>> -> memref<1x125xi32, #tpu.memory_space<vmem>>
          %dma_start3A_264 = tpu.memref_squeeze %dma_start3A_263 : memref<1x125xi32, #tpu.memory_space<vmem>> -> memref<125xi32, #tpu.memory_space<vmem>>
          %dma_start3A_265 = arith.constant 0 : i32
          %dma_start3A_266 = arith.constant 0 : i32
          %dma_start3A_267 = tpu.memref_slice %arg3[%dma_start3A_265, %dma_start3A_266] : memref<10000x64xf32, #tpu.memory_space<hbm>> -> memref<10000x64xf32, #tpu.memory_space<hbm>>
          tpu.enqueue_indirect_dma source(%dma_start3A_267 : memref<10000x64xf32, #tpu.memory_space<hbm>>) target(%dma_start3A_261 : memref<125x64xf32, #tpu.memory_space<vmem>>) offsets(%dma_start3A_264 : memref<125xi32, #tpu.memory_space<vmem>>) semaphore(%arg11 : memref<!tpu.dma_semaphore, #tpu.memory_space<semaphore_mem>>)
        } else {
        }
      }
      %scan3A_77 = arith.constant 40 : i32
      %barrier3A_78 = arith.constant 0 : index
      tpu.barrier barrier_id(%barrier3A_78)
      %lt3A_79 = arith.constant 15 : i32
      %lt3A_80 = arith.cmpi slt, %arg1, %lt3A_79 : i32
      %convert_element_type3A_81 = arith.extui %lt3A_80 : i1 to i32
      %cond3A_82 = arith.constant 0 : i32
      %cond3A_83 = arith.cmpi ne, %convert_element_type3A_81, %cond3A_82 : i32
      scf.if %cond3A_83 {
        %mul3A = arith.constant 640 : i32
        %mul3A_89 = arith.muli %arg1, %mul3A : i32
        %mul3A_90 = arith.constant 640 : i32
        %mul3A_91 = arith.muli %arg1, %mul3A_90 : i32
        %run_scoped3A = arith.constant 1 : i32
        "tpu.region"() ({
          %run_scoped3A_92 = tpu.sem_alloc : memref<!tpu.dma_semaphore, #tpu.memory_space<semaphore_mem>>
          %dma_start3A_93 = arith.constant 0 : i32
          %dma_start3A_94 = tpu.memref_slice %arg6[%run_scoped3A, %mul3A_91, %dma_start3A_93] : memref<2x10000x64xf32, #tpu.memory_space<hbm>> -> memref<1x640x64xf32, #tpu.memory_space<hbm>>
          %dma_start3A_95 = tpu.memref_squeeze %dma_start3A_94 : memref<1x640x64xf32, #tpu.memory_space<hbm>> -> memref<640x64xf32, #tpu.memory_space<hbm>>
          %dma_start3A_96 = arith.constant 0 : i32
          %dma_start3A_97 = tpu.memref_slice %arg10[%mul3A_89, %dma_start3A_96] : memref<10000x64xf32, #tpu.memory_space<vmem_shared>> -> memref<640x64xf32, #tpu.memory_space<vmem_shared>>
          tpu.enqueue_dma source(%dma_start3A_97 : memref<640x64xf32, #tpu.memory_space<vmem_shared>>) target(%dma_start3A_95 : memref<640x64xf32, #tpu.memory_space<hbm>>) target_semaphore(%run_scoped3A_92 : memref<!tpu.dma_semaphore, #tpu.memory_space<semaphore_mem>>)
          %dma_wait3A = arith.constant 0 : i32
          %dma_wait3A_98 = tpu.memref_slice %arg6[%run_scoped3A, %mul3A_91, %dma_wait3A] : memref<2x10000x64xf32, #tpu.memory_space<hbm>> -> memref<1x640x64xf32, #tpu.memory_space<hbm>>
          %dma_wait3A_99 = tpu.memref_squeeze %dma_wait3A_98 : memref<1x640x64xf32, #tpu.memory_space<hbm>> -> memref<640x64xf32, #tpu.memory_space<hbm>>
          %dma_wait3A_100 = arith.constant 0 : i32
          %dma_wait3A_101 = tpu.memref_slice %arg10[%mul3A_89, %dma_wait3A_100] : memref<10000x64xf32, #tpu.memory_space<vmem_shared>> -> memref<640x64xf32, #tpu.memory_space<vmem_shared>>
          tpu.wait_dma2 semaphore(%run_scoped3A_92 : memref<!tpu.dma_semaphore, #tpu.memory_space<semaphore_mem>>) src(%dma_wait3A_101 : memref<640x64xf32, #tpu.memory_space<vmem_shared>>) dst(%dma_wait3A_99 : memref<640x64xf32, #tpu.memory_space<hbm>>)
          tpu.yield
        }) : () -> ()
      } else {
      }
      %eq3A_84 = arith.constant 15 : i32
      %eq3A_85 = arith.cmpi eq, %arg1, %eq3A_84 : i32
      %convert_element_type3A_86 = arith.extui %eq3A_85 : i1 to i32
      %cond3A_87 = arith.constant 0 : i32
      %cond3A_88 = arith.cmpi ne, %convert_element_type3A_86, %cond3A_87 : i32
      scf.if %cond3A_88 {
        %run_scoped3A = arith.constant 1 : i32
        "tpu.region"() ({
          %run_scoped3A_89 = tpu.sem_alloc : memref<!tpu.dma_semaphore, #tpu.memory_space<semaphore_mem>>
          %dma_start3A_90 = arith.constant 9600 : i32
          %dma_start3A_91 = arith.constant 0 : i32
          %dma_start3A_92 = tpu.memref_slice %arg6[%run_scoped3A, %dma_start3A_90, %dma_start3A_91] : memref<2x10000x64xf32, #tpu.memory_space<hbm>> -> memref<1x400x64xf32, #tpu.memory_space<hbm>>
          %dma_start3A_93 = tpu.memref_squeeze %dma_start3A_92 : memref<1x400x64xf32, #tpu.memory_space<hbm>> -> memref<400x64xf32, #tpu.memory_space<hbm>>
          %dma_start3A_94 = arith.constant 9600 : i32
          %dma_start3A_95 = arith.constant 0 : i32
          %dma_start3A_96 = tpu.memref_slice %arg10[%dma_start3A_94, %dma_start3A_95] : memref<10000x64xf32, #tpu.memory_space<vmem_shared>> -> memref<400x64xf32, #tpu.memory_space<vmem_shared>>
          tpu.enqueue_dma source(%dma_start3A_96 : memref<400x64xf32, #tpu.memory_space<vmem_shared>>) target(%dma_start3A_93 : memref<400x64xf32, #tpu.memory_space<hbm>>) target_semaphore(%run_scoped3A_89 : memref<!tpu.dma_semaphore, #tpu.memory_space<semaphore_mem>>)
          %dma_wait3A = arith.constant 9600 : i32
          %dma_wait3A_97 = arith.constant 0 : i32
          %dma_wait3A_98 = tpu.memref_slice %arg6[%run_scoped3A, %dma_wait3A, %dma_wait3A_97] : memref<2x10000x64xf32, #tpu.memory_space<hbm>> -> memref<1x400x64xf32, #tpu.memory_space<hbm>>
          %dma_wait3A_99 = tpu.memref_squeeze %dma_wait3A_98 : memref<1x400x64xf32, #tpu.memory_space<hbm>> -> memref<400x64xf32, #tpu.memory_space<hbm>>
          %dma_wait3A_100 = arith.constant 9600 : i32
          %dma_wait3A_101 = arith.constant 0 : i32
          %dma_wait3A_102 = tpu.memref_slice %arg10[%dma_wait3A_100, %dma_wait3A_101] : memref<10000x64xf32, #tpu.memory_space<vmem_shared>> -> memref<400x64xf32, #tpu.memory_space<vmem_shared>>
          tpu.wait_dma2 semaphore(%run_scoped3A_89 : memref<!tpu.dma_semaphore, #tpu.memory_space<semaphore_mem>>) src(%dma_wait3A_102 : memref<400x64xf32, #tpu.memory_space<vmem_shared>>) dst(%dma_wait3A_99 : memref<400x64xf32, #tpu.memory_space<hbm>>)
          tpu.yield
        }) : () -> ()
      } else {
      }
    } else {
    }
    return
  }
}

#map = affine_map<(d0, d1) -> (0, 0)>
#map1 = affine_map<(d0, d1) -> (0, 0, 0)>
module attributes {stable_mosaic.version = 14 : i64} {
  func.func @body(%arg0: i32, %arg1: i32, %arg2: memref<10000x72xf32, #tpu.memory_space<hbm>>, %arg3: memref<10000x72xf32, #tpu.memory_space<hbm>>, %arg4: memref<2x2560x125xi32, #tpu.memory_space<hbm>>, %arg5: memref<640x72xf32, #tpu.memory_space<hbm>>, %arg6: memref<2x10000x72xf32, #tpu.memory_space<hbm>>, %arg7: memref<160x125xi32, #tpu.memory_space<vmem>>, %arg8: memref<160x125xi32, #tpu.memory_space<vmem>>, %arg9: memref<4x125x72xf32, #tpu.memory_space<vmem>>, %arg10: memref<10000x72xf32, #tpu.memory_space<vmem_shared>>, %arg11: memref<!tpu.dma_semaphore, #tpu.memory_space<semaphore_mem>>, %arg12: memref<!tpu.dma_semaphore, #tpu.memory_space<semaphore_mem>>) attributes {dimension_semantics = [#tpu.dimension_semantics<core_parallel>, #tpu.dimension_semantics<subcore_parallel>], iteration_bounds = array<i64: 2, 16>, scalar_prefetch = 0 : i64, scratch_operands = 6 : i64, tpu.core_type = #tpu.core_type<sc_vector_subcore>, window_params = [{transform_indices = #map}, {transform_indices = #map}, {transform_indices = #map1}, {transform_indices = #map}, {transform_indices = #map1}]} {
    %eq3A = arith.constant 0 : i32
    %eq3A_0 = arith.cmpi eq, %arg0, %eq3A : i32
    %convert_element_type3A = arith.extui %eq3A_0 : i1 to i32
    %cond3A = arith.constant 0 : i32
    %cond3A_1 = arith.cmpi ne, %convert_element_type3A, %cond3A : i32
    scf.if %cond3A_1 {
      %mul3A = arith.constant 160 : i32
      %mul3A_26 = arith.muli %arg1, %mul3A : i32
      %run_scoped3A = arith.constant 0 : i32
      "tpu.region"() ({
        %run_scoped3A_30 = tpu.sem_alloc : memref<!tpu.dma_semaphore, #tpu.memory_space<semaphore_mem>>
        %dma_start3A = arith.constant 0 : i32
        %dma_start3A_31 = tpu.memref_slice %arg4[%run_scoped3A, %mul3A_26, %dma_start3A] : memref<2x2560x125xi32, #tpu.memory_space<hbm>> -> memref<1x160x125xi32, #tpu.memory_space<hbm>>
        %dma_start3A_32 = tpu.memref_squeeze %dma_start3A_31 : memref<1x160x125xi32, #tpu.memory_space<hbm>> -> memref<160x125xi32, #tpu.memory_space<hbm>>
        %dma_start3A_33 = arith.constant 0 : i32
        %dma_start3A_34 = tpu.memref_slice %arg4[%run_scoped3A, %mul3A_26, %dma_start3A_33] : memref<2x2560x125xi32, #tpu.memory_space<hbm>> -> memref<1x160x125xi32, #tpu.memory_space<hbm>>
        %dma_start3A_35 = tpu.memref_squeeze %dma_start3A_34 : memref<1x160x125xi32, #tpu.memory_space<hbm>> -> memref<160x125xi32, #tpu.memory_space<hbm>>
        tpu.enqueue_dma source(%dma_start3A_35 : memref<160x125xi32, #tpu.memory_space<hbm>>) target(%arg7 : memref<160x125xi32, #tpu.memory_space<vmem>>) target_semaphore(%run_scoped3A_30 : memref<!tpu.dma_semaphore, #tpu.memory_space<semaphore_mem>>)
        %dma_wait3A = arith.constant 0 : i32
        %dma_wait3A_36 = tpu.memref_slice %arg4[%run_scoped3A, %mul3A_26, %dma_wait3A] : memref<2x2560x125xi32, #tpu.memory_space<hbm>> -> memref<1x160x125xi32, #tpu.memory_space<hbm>>
        %dma_wait3A_37 = tpu.memref_squeeze %dma_wait3A_36 : memref<1x160x125xi32, #tpu.memory_space<hbm>> -> memref<160x125xi32, #tpu.memory_space<hbm>>
        %dma_wait3A_38 = arith.constant 0 : i32
        %dma_wait3A_39 = tpu.memref_slice %arg4[%run_scoped3A, %mul3A_26, %dma_wait3A_38] : memref<2x2560x125xi32, #tpu.memory_space<hbm>> -> memref<1x160x125xi32, #tpu.memory_space<hbm>>
        %dma_wait3A_40 = tpu.memref_squeeze %dma_wait3A_39 : memref<1x160x125xi32, #tpu.memory_space<hbm>> -> memref<160x125xi32, #tpu.memory_space<hbm>>
        tpu.wait_dma2 semaphore(%run_scoped3A_30 : memref<!tpu.dma_semaphore, #tpu.memory_space<semaphore_mem>>) src(%dma_wait3A_40 : memref<160x125xi32, #tpu.memory_space<hbm>>) dst(%arg7 : memref<160x125xi32, #tpu.memory_space<vmem>>)
        tpu.yield
      }) : () -> ()
      %mul3A_27 = arith.constant 160 : i32
      %mul3A_28 = arith.muli %arg1, %mul3A_27 : i32
      %run_scoped3A_29 = arith.constant 1 : i32
      "tpu.region"() ({
        %run_scoped3A_30 = tpu.sem_alloc : memref<!tpu.dma_semaphore, #tpu.memory_space<semaphore_mem>>
        %dma_start3A = arith.constant 0 : i32
        %dma_start3A_31 = tpu.memref_slice %arg4[%run_scoped3A_29, %mul3A_28, %dma_start3A] : memref<2x2560x125xi32, #tpu.memory_space<hbm>> -> memref<1x160x125xi32, #tpu.memory_space<hbm>>
        %dma_start3A_32 = tpu.memref_squeeze %dma_start3A_31 : memref<1x160x125xi32, #tpu.memory_space<hbm>> -> memref<160x125xi32, #tpu.memory_space<hbm>>
        %dma_start3A_33 = arith.constant 0 : i32
        %dma_start3A_34 = tpu.memref_slice %arg4[%run_scoped3A_29, %mul3A_28, %dma_start3A_33] : memref<2x2560x125xi32, #tpu.memory_space<hbm>> -> memref<1x160x125xi32, #tpu.memory_space<hbm>>
        %dma_start3A_35 = tpu.memref_squeeze %dma_start3A_34 : memref<1x160x125xi32, #tpu.memory_space<hbm>> -> memref<160x125xi32, #tpu.memory_space<hbm>>
        tpu.enqueue_dma source(%dma_start3A_35 : memref<160x125xi32, #tpu.memory_space<hbm>>) target(%arg8 : memref<160x125xi32, #tpu.memory_space<vmem>>) target_semaphore(%run_scoped3A_30 : memref<!tpu.dma_semaphore, #tpu.memory_space<semaphore_mem>>)
        %dma_wait3A = arith.constant 0 : i32
        %dma_wait3A_36 = tpu.memref_slice %arg4[%run_scoped3A_29, %mul3A_28, %dma_wait3A] : memref<2x2560x125xi32, #tpu.memory_space<hbm>> -> memref<1x160x125xi32, #tpu.memory_space<hbm>>
        %dma_wait3A_37 = tpu.memref_squeeze %dma_wait3A_36 : memref<1x160x125xi32, #tpu.memory_space<hbm>> -> memref<160x125xi32, #tpu.memory_space<hbm>>
        %dma_wait3A_38 = arith.constant 0 : i32
        %dma_wait3A_39 = tpu.memref_slice %arg4[%run_scoped3A_29, %mul3A_28, %dma_wait3A_38] : memref<2x2560x125xi32, #tpu.memory_space<hbm>> -> memref<1x160x125xi32, #tpu.memory_space<hbm>>
        %dma_wait3A_40 = tpu.memref_squeeze %dma_wait3A_39 : memref<1x160x125xi32, #tpu.memory_space<hbm>> -> memref<160x125xi32, #tpu.memory_space<hbm>>
        tpu.wait_dma2 semaphore(%run_scoped3A_30 : memref<!tpu.dma_semaphore, #tpu.memory_space<semaphore_mem>>) src(%dma_wait3A_40 : memref<160x125xi32, #tpu.memory_space<hbm>>) dst(%arg8 : memref<160x125xi32, #tpu.memory_space<vmem>>)
        tpu.yield
      }) : () -> ()
    } else {
    }
    %eq3A_2 = arith.constant 1 : i32
    %eq3A_3 = arith.cmpi eq, %arg0, %eq3A_2 : i32
    %convert_element_type3A_4 = arith.extui %eq3A_3 : i1 to i32
    %cond3A_5 = arith.constant 0 : i32
    %cond3A_6 = arith.cmpi ne, %convert_element_type3A_4, %cond3A_5 : i32
    scf.if %cond3A_6 {
      %mul3A = arith.constant 160 : i32
      %mul3A_26 = arith.muli %arg1, %mul3A : i32
      %run_scoped3A = arith.constant 1 : i32
      "tpu.region"() ({
        %run_scoped3A_30 = tpu.sem_alloc : memref<!tpu.dma_semaphore, #tpu.memory_space<semaphore_mem>>
        %dma_start3A = arith.constant 0 : i32
        %dma_start3A_31 = tpu.memref_slice %arg4[%run_scoped3A, %mul3A_26, %dma_start3A] : memref<2x2560x125xi32, #tpu.memory_space<hbm>> -> memref<1x160x125xi32, #tpu.memory_space<hbm>>
        %dma_start3A_32 = tpu.memref_squeeze %dma_start3A_31 : memref<1x160x125xi32, #tpu.memory_space<hbm>> -> memref<160x125xi32, #tpu.memory_space<hbm>>
        %dma_start3A_33 = arith.constant 0 : i32
        %dma_start3A_34 = tpu.memref_slice %arg4[%run_scoped3A, %mul3A_26, %dma_start3A_33] : memref<2x2560x125xi32, #tpu.memory_space<hbm>> -> memref<1x160x125xi32, #tpu.memory_space<hbm>>
        %dma_start3A_35 = tpu.memref_squeeze %dma_start3A_34 : memref<1x160x125xi32, #tpu.memory_space<hbm>> -> memref<160x125xi32, #tpu.memory_space<hbm>>
        tpu.enqueue_dma source(%dma_start3A_35 : memref<160x125xi32, #tpu.memory_space<hbm>>) target(%arg7 : memref<160x125xi32, #tpu.memory_space<vmem>>) target_semaphore(%run_scoped3A_30 : memref<!tpu.dma_semaphore, #tpu.memory_space<semaphore_mem>>)
        %dma_wait3A = arith.constant 0 : i32
        %dma_wait3A_36 = tpu.memref_slice %arg4[%run_scoped3A, %mul3A_26, %dma_wait3A] : memref<2x2560x125xi32, #tpu.memory_space<hbm>> -> memref<1x160x125xi32, #tpu.memory_space<hbm>>
        %dma_wait3A_37 = tpu.memref_squeeze %dma_wait3A_36 : memref<1x160x125xi32, #tpu.memory_space<hbm>> -> memref<160x125xi32, #tpu.memory_space<hbm>>
        %dma_wait3A_38 = arith.constant 0 : i32
        %dma_wait3A_39 = tpu.memref_slice %arg4[%run_scoped3A, %mul3A_26, %dma_wait3A_38] : memref<2x2560x125xi32, #tpu.memory_space<hbm>> -> memref<1x160x125xi32, #tpu.memory_space<hbm>>
        %dma_wait3A_40 = tpu.memref_squeeze %dma_wait3A_39 : memref<1x160x125xi32, #tpu.memory_space<hbm>> -> memref<160x125xi32, #tpu.memory_space<hbm>>
        tpu.wait_dma2 semaphore(%run_scoped3A_30 : memref<!tpu.dma_semaphore, #tpu.memory_space<semaphore_mem>>) src(%dma_wait3A_40 : memref<160x125xi32, #tpu.memory_space<hbm>>) dst(%arg7 : memref<160x125xi32, #tpu.memory_space<vmem>>)
        tpu.yield
      }) : () -> ()
      %mul3A_27 = arith.constant 160 : i32
      %mul3A_28 = arith.muli %arg1, %mul3A_27 : i32
      %run_scoped3A_29 = arith.constant 0 : i32
      "tpu.region"() ({
        %run_scoped3A_30 = tpu.sem_alloc : memref<!tpu.dma_semaphore, #tpu.memory_space<semaphore_mem>>
        %dma_start3A = arith.constant 0 : i32
        %dma_start3A_31 = tpu.memref_slice %arg4[%run_scoped3A_29, %mul3A_28, %dma_start3A] : memref<2x2560x125xi32, #tpu.memory_space<hbm>> -> memref<1x160x125xi32, #tpu.memory_space<hbm>>
        %dma_start3A_32 = tpu.memref_squeeze %dma_start3A_31 : memref<1x160x125xi32, #tpu.memory_space<hbm>> -> memref<160x125xi32, #tpu.memory_space<hbm>>
        %dma_start3A_33 = arith.constant 0 : i32
        %dma_start3A_34 = tpu.memref_slice %arg4[%run_scoped3A_29, %mul3A_28, %dma_start3A_33] : memref<2x2560x125xi32, #tpu.memory_space<hbm>> -> memref<1x160x125xi32, #tpu.memory_space<hbm>>
        %dma_start3A_35 = tpu.memref_squeeze %dma_start3A_34 : memref<1x160x125xi32, #tpu.memory_space<hbm>> -> memref<160x125xi32, #tpu.memory_space<hbm>>
        tpu.enqueue_dma source(%dma_start3A_35 : memref<160x125xi32, #tpu.memory_space<hbm>>) target(%arg8 : memref<160x125xi32, #tpu.memory_space<vmem>>) target_semaphore(%run_scoped3A_30 : memref<!tpu.dma_semaphore, #tpu.memory_space<semaphore_mem>>)
        %dma_wait3A = arith.constant 0 : i32
        %dma_wait3A_36 = tpu.memref_slice %arg4[%run_scoped3A_29, %mul3A_28, %dma_wait3A] : memref<2x2560x125xi32, #tpu.memory_space<hbm>> -> memref<1x160x125xi32, #tpu.memory_space<hbm>>
        %dma_wait3A_37 = tpu.memref_squeeze %dma_wait3A_36 : memref<1x160x125xi32, #tpu.memory_space<hbm>> -> memref<160x125xi32, #tpu.memory_space<hbm>>
        %dma_wait3A_38 = arith.constant 0 : i32
        %dma_wait3A_39 = tpu.memref_slice %arg4[%run_scoped3A_29, %mul3A_28, %dma_wait3A_38] : memref<2x2560x125xi32, #tpu.memory_space<hbm>> -> memref<1x160x125xi32, #tpu.memory_space<hbm>>
        %dma_wait3A_40 = tpu.memref_squeeze %dma_wait3A_39 : memref<1x160x125xi32, #tpu.memory_space<hbm>> -> memref<160x125xi32, #tpu.memory_space<hbm>>
        tpu.wait_dma2 semaphore(%run_scoped3A_30 : memref<!tpu.dma_semaphore, #tpu.memory_space<semaphore_mem>>) src(%dma_wait3A_40 : memref<160x125xi32, #tpu.memory_space<hbm>>) dst(%arg8 : memref<160x125xi32, #tpu.memory_space<vmem>>)
        tpu.yield
      }) : () -> ()
    } else {
    }
    %lt3A = arith.constant 15 : i32
    %lt3A_7 = arith.cmpi slt, %arg1, %lt3A : i32
    %convert_element_type3A_8 = arith.extui %lt3A_7 : i1 to i32
    %cond3A_9 = arith.constant 0 : i32
    %cond3A_10 = arith.cmpi ne, %convert_element_type3A_8, %cond3A_9 : i32
    scf.if %cond3A_10 {
      %mul3A = arith.constant 640 : i32
      %mul3A_26 = arith.muli %arg1, %mul3A : i32
      "tpu.region"() ({
        %run_scoped3A = tpu.sem_alloc : memref<!tpu.dma_semaphore, #tpu.memory_space<semaphore_mem>>
        %dma_start3A = arith.constant 0 : i32
        %dma_start3A_27 = tpu.memref_slice %arg10[%mul3A_26, %dma_start3A] : memref<10000x72xf32, #tpu.memory_space<vmem_shared>> -> memref<640x72xf32, #tpu.memory_space<vmem_shared>>
        tpu.enqueue_dma source(%arg5 : memref<640x72xf32, #tpu.memory_space<hbm>>) target(%dma_start3A_27 : memref<640x72xf32, #tpu.memory_space<vmem_shared>>) target_semaphore(%run_scoped3A : memref<!tpu.dma_semaphore, #tpu.memory_space<semaphore_mem>>)
        %dma_wait3A = arith.constant 0 : i32
        %dma_wait3A_28 = tpu.memref_slice %arg10[%mul3A_26, %dma_wait3A] : memref<10000x72xf32, #tpu.memory_space<vmem_shared>> -> memref<640x72xf32, #tpu.memory_space<vmem_shared>>
        tpu.wait_dma2 semaphore(%run_scoped3A : memref<!tpu.dma_semaphore, #tpu.memory_space<semaphore_mem>>) src(%arg5 : memref<640x72xf32, #tpu.memory_space<hbm>>) dst(%dma_wait3A_28 : memref<640x72xf32, #tpu.memory_space<vmem_shared>>)
        tpu.yield
      }) : () -> ()
    } else {
    }
    %eq3A_11 = arith.constant 15 : i32
    %eq3A_12 = arith.cmpi eq, %arg1, %eq3A_11 : i32
    %convert_element_type3A_13 = arith.extui %eq3A_12 : i1 to i32
    %cond3A_14 = arith.constant 0 : i32
    %cond3A_15 = arith.cmpi ne, %convert_element_type3A_13, %cond3A_14 : i32
    scf.if %cond3A_15 {
      "tpu.region"() ({
        %run_scoped3A = tpu.sem_alloc : memref<!tpu.dma_semaphore, #tpu.memory_space<semaphore_mem>>
        %dma_start3A = arith.constant 9600 : i32
        %dma_start3A_26 = arith.constant 0 : i32
        %dma_start3A_27 = tpu.memref_slice %arg10[%dma_start3A, %dma_start3A_26] : memref<10000x72xf32, #tpu.memory_space<vmem_shared>> -> memref<400x72xf32, #tpu.memory_space<vmem_shared>>
        %dma_start3A_28 = arith.constant 0 : i32
        %dma_start3A_29 = arith.constant 0 : i32
        %dma_start3A_30 = tpu.memref_slice %arg5[%dma_start3A_28, %dma_start3A_29] : memref<640x72xf32, #tpu.memory_space<hbm>> -> memref<400x72xf32, #tpu.memory_space<hbm>>
        tpu.enqueue_dma source(%dma_start3A_30 : memref<400x72xf32, #tpu.memory_space<hbm>>) target(%dma_start3A_27 : memref<400x72xf32, #tpu.memory_space<vmem_shared>>) target_semaphore(%run_scoped3A : memref<!tpu.dma_semaphore, #tpu.memory_space<semaphore_mem>>)
        %dma_wait3A = arith.constant 9600 : i32
        %dma_wait3A_31 = arith.constant 0 : i32
        %dma_wait3A_32 = tpu.memref_slice %arg10[%dma_wait3A, %dma_wait3A_31] : memref<10000x72xf32, #tpu.memory_space<vmem_shared>> -> memref<400x72xf32, #tpu.memory_space<vmem_shared>>
        %dma_wait3A_33 = arith.constant 0 : i32
        %dma_wait3A_34 = arith.constant 0 : i32
        %dma_wait3A_35 = tpu.memref_slice %arg5[%dma_wait3A_33, %dma_wait3A_34] : memref<640x72xf32, #tpu.memory_space<hbm>> -> memref<400x72xf32, #tpu.memory_space<hbm>>
        tpu.wait_dma2 semaphore(%run_scoped3A : memref<!tpu.dma_semaphore, #tpu.memory_space<semaphore_mem>>) src(%dma_wait3A_35 : memref<400x72xf32, #tpu.memory_space<hbm>>) dst(%dma_wait3A_32 : memref<400x72xf32, #tpu.memory_space<vmem_shared>>)
        tpu.yield
      }) : () -> ()
    } else {
    }
    %barrier3A = arith.constant 0 : index
    tpu.barrier barrier_id(%barrier3A)
    %eq3A_16 = arith.constant 0 : i32
    %eq3A_17 = arith.cmpi eq, %arg0, %eq3A_16 : i32
    %convert_element_type3A_18 = arith.extui %eq3A_17 : i1 to i32
    %cond3A_19 = arith.constant 0 : i32
    %cond3A_20 = arith.cmpi ne, %convert_element_type3A_18, %cond3A_19 : i32
    scf.if %cond3A_20 {
      %dma_start3A = arith.constant 0 : i32
      %dma_start3A_26 = arith.constant 0 : i32
      %dma_start3A_27 = arith.constant 0 : i32
      %dma_start3A_28 = arith.constant 0 : i32
      %dma_start3A_29 = tpu.memref_slice %arg9[%dma_start3A_26, %dma_start3A_27, %dma_start3A_28] : memref<4x125x72xf32, #tpu.memory_space<vmem>> -> memref<1x125x72xf32, #tpu.memory_space<vmem>>
      %dma_start3A_30 = tpu.memref_squeeze %dma_start3A_29 : memref<1x125x72xf32, #tpu.memory_space<vmem>> -> memref<125x72xf32, #tpu.memory_space<vmem>>
      %dma_start3A_31 = arith.constant 0 : i32
      %dma_start3A_32 = tpu.memref_slice %arg7[%dma_start3A, %dma_start3A_31] : memref<160x125xi32, #tpu.memory_space<vmem>> -> memref<1x125xi32, #tpu.memory_space<vmem>>
      %dma_start3A_33 = tpu.memref_squeeze %dma_start3A_32 : memref<1x125xi32, #tpu.memory_space<vmem>> -> memref<125xi32, #tpu.memory_space<vmem>>
      %dma_start3A_34 = arith.constant 0 : i32
      %dma_start3A_35 = arith.constant 0 : i32
      %dma_start3A_36 = tpu.memref_slice %arg2[%dma_start3A_34, %dma_start3A_35] : memref<10000x72xf32, #tpu.memory_space<hbm>> -> memref<10000x72xf32, #tpu.memory_space<hbm>>
      tpu.enqueue_indirect_dma source(%dma_start3A_36 : memref<10000x72xf32, #tpu.memory_space<hbm>>) target(%dma_start3A_30 : memref<125x72xf32, #tpu.memory_space<vmem>>) offsets(%dma_start3A_33 : memref<125xi32, #tpu.memory_space<vmem>>) semaphore(%arg11 : memref<!tpu.dma_semaphore, #tpu.memory_space<semaphore_mem>>)
      %dma_start3A_37 = arith.constant 1 : i32
      %dma_start3A_38 = arith.constant 1 : i32
      %dma_start3A_39 = arith.constant 0 : i32
      %dma_start3A_40 = arith.constant 0 : i32
      %dma_start3A_41 = tpu.memref_slice %arg9[%dma_start3A_38, %dma_start3A_39, %dma_start3A_40] : memref<4x125x72xf32, #tpu.memory_space<vmem>> -> memref<1x125x72xf32, #tpu.memory_space<vmem>>
      %dma_start3A_42 = tpu.memref_squeeze %dma_start3A_41 : memref<1x125x72xf32, #tpu.memory_space<vmem>> -> memref<125x72xf32, #tpu.memory_space<vmem>>
      %dma_start3A_43 = arith.constant 0 : i32
      %dma_start3A_44 = tpu.memref_slice %arg7[%dma_start3A_37, %dma_start3A_43] : memref<160x125xi32, #tpu.memory_space<vmem>> -> memref<1x125xi32, #tpu.memory_space<vmem>>
      %dma_start3A_45 = tpu.memref_squeeze %dma_start3A_44 : memref<1x125xi32, #tpu.memory_space<vmem>> -> memref<125xi32, #tpu.memory_space<vmem>>
      %dma_start3A_46 = arith.constant 0 : i32
      %dma_start3A_47 = arith.constant 0 : i32
      %dma_start3A_48 = tpu.memref_slice %arg2[%dma_start3A_46, %dma_start3A_47] : memref<10000x72xf32, #tpu.memory_space<hbm>> -> memref<10000x72xf32, #tpu.memory_space<hbm>>
      tpu.enqueue_indirect_dma source(%dma_start3A_48 : memref<10000x72xf32, #tpu.memory_space<hbm>>) target(%dma_start3A_42 : memref<125x72xf32, #tpu.memory_space<vmem>>) offsets(%dma_start3A_45 : memref<125xi32, #tpu.memory_space<vmem>>) semaphore(%arg11 : memref<!tpu.dma_semaphore, #tpu.memory_space<semaphore_mem>>)
      %dma_start3A_49 = arith.constant 2 : i32
      %dma_start3A_50 = arith.constant 2 : i32
      %dma_start3A_51 = arith.constant 0 : i32
      %dma_start3A_52 = arith.constant 0 : i32
      %dma_start3A_53 = tpu.memref_slice %arg9[%dma_start3A_50, %dma_start3A_51, %dma_start3A_52] : memref<4x125x72xf32, #tpu.memory_space<vmem>> -> memref<1x125x72xf32, #tpu.memory_space<vmem>>
      %dma_start3A_54 = tpu.memref_squeeze %dma_start3A_53 : memref<1x125x72xf32, #tpu.memory_space<vmem>> -> memref<125x72xf32, #tpu.memory_space<vmem>>
      %dma_start3A_55 = arith.constant 0 : i32
      %dma_start3A_56 = tpu.memref_slice %arg7[%dma_start3A_49, %dma_start3A_55] : memref<160x125xi32, #tpu.memory_space<vmem>> -> memref<1x125xi32, #tpu.memory_space<vmem>>
      %dma_start3A_57 = tpu.memref_squeeze %dma_start3A_56 : memref<1x125xi32, #tpu.memory_space<vmem>> -> memref<125xi32, #tpu.memory_space<vmem>>
      %dma_start3A_58 = arith.constant 0 : i32
      %dma_start3A_59 = arith.constant 0 : i32
      %dma_start3A_60 = tpu.memref_slice %arg2[%dma_start3A_58, %dma_start3A_59] : memref<10000x72xf32, #tpu.memory_space<hbm>> -> memref<10000x72xf32, #tpu.memory_space<hbm>>
      tpu.enqueue_indirect_dma source(%dma_start3A_60 : memref<10000x72xf32, #tpu.memory_space<hbm>>) target(%dma_start3A_54 : memref<125x72xf32, #tpu.memory_space<vmem>>) offsets(%dma_start3A_57 : memref<125xi32, #tpu.memory_space<vmem>>) semaphore(%arg11 : memref<!tpu.dma_semaphore, #tpu.memory_space<semaphore_mem>>)
      %dma_start3A_61 = arith.constant 3 : i32
      %dma_start3A_62 = arith.constant 3 : i32
      %dma_start3A_63 = arith.constant 0 : i32
      %dma_start3A_64 = arith.constant 0 : i32
      %dma_start3A_65 = tpu.memref_slice %arg9[%dma_start3A_62, %dma_start3A_63, %dma_start3A_64] : memref<4x125x72xf32, #tpu.memory_space<vmem>> -> memref<1x125x72xf32, #tpu.memory_space<vmem>>
      %dma_start3A_66 = tpu.memref_squeeze %dma_start3A_65 : memref<1x125x72xf32, #tpu.memory_space<vmem>> -> memref<125x72xf32, #tpu.memory_space<vmem>>
      %dma_start3A_67 = arith.constant 0 : i32
      %dma_start3A_68 = tpu.memref_slice %arg7[%dma_start3A_61, %dma_start3A_67] : memref<160x125xi32, #tpu.memory_space<vmem>> -> memref<1x125xi32, #tpu.memory_space<vmem>>
      %dma_start3A_69 = tpu.memref_squeeze %dma_start3A_68 : memref<1x125xi32, #tpu.memory_space<vmem>> -> memref<125xi32, #tpu.memory_space<vmem>>
      %dma_start3A_70 = arith.constant 0 : i32
      %dma_start3A_71 = arith.constant 0 : i32
      %dma_start3A_72 = tpu.memref_slice %arg2[%dma_start3A_70, %dma_start3A_71] : memref<10000x72xf32, #tpu.memory_space<hbm>> -> memref<10000x72xf32, #tpu.memory_space<hbm>>
      tpu.enqueue_indirect_dma source(%dma_start3A_72 : memref<10000x72xf32, #tpu.memory_space<hbm>>) target(%dma_start3A_66 : memref<125x72xf32, #tpu.memory_space<vmem>>) offsets(%dma_start3A_69 : memref<125xi32, #tpu.memory_space<vmem>>) semaphore(%arg11 : memref<!tpu.dma_semaphore, #tpu.memory_space<semaphore_mem>>)
      %scan3A = arith.constant 0 : i32
      %scan3A_73 = arith.constant 0 : i32
      %scan3A_74 = arith.constant 40 : i32
      %scan3A_75 = arith.addi %scan3A_73, %scan3A_74 : i32
      %scan3A_76 = arith.constant 1 : i32
      scf.for %scan3A_89 = %scan3A_73 to %scan3A_75 step %scan3A_76  : i32 {
        %mul3A = arith.constant 4 : i32
        %mul3A_90 = arith.muli %scan3A_89, %mul3A : i32
        %add3A = arith.constant 0 : i32
        %add3A_91 = arith.addi %mul3A_90, %add3A : i32
        %dma_wait3A = arith.constant 0 : i32
        %dma_wait3A_92 = arith.constant 0 : i32
        %dma_wait3A_93 = arith.constant 0 : i32
        %dma_wait3A_94 = tpu.memref_slice %arg9[%dma_wait3A, %dma_wait3A_92, %dma_wait3A_93] : memref<4x125x72xf32, #tpu.memory_space<vmem>> -> memref<1x125x72xf32, #tpu.memory_space<vmem>>
        %dma_wait3A_95 = tpu.memref_squeeze %dma_wait3A_94 : memref<1x125x72xf32, #tpu.memory_space<vmem>> -> memref<125x72xf32, #tpu.memory_space<vmem>>
        %dma_wait3A_96 = arith.constant 0 : i32
        %dma_wait3A_97 = tpu.memref_slice %arg7[%add3A_91, %dma_wait3A_96] : memref<160x125xi32, #tpu.memory_space<vmem>> -> memref<1x125xi32, #tpu.memory_space<vmem>>
        %dma_wait3A_98 = tpu.memref_squeeze %dma_wait3A_97 : memref<1x125xi32, #tpu.memory_space<vmem>> -> memref<125xi32, #tpu.memory_space<vmem>>
        %dma_wait3A_99 = arith.constant 0 : i32
        %dma_wait3A_100 = arith.constant 0 : i32
        %dma_wait3A_101 = tpu.memref_slice %arg2[%dma_wait3A_99, %dma_wait3A_100] : memref<10000x72xf32, #tpu.memory_space<hbm>> -> memref<10000x72xf32, #tpu.memory_space<hbm>>
        tpu.wait_indirect_dma semaphore(%arg11 : memref<!tpu.dma_semaphore, #tpu.memory_space<semaphore_mem>>) src(%dma_wait3A_101 : memref<10000x72xf32, #tpu.memory_space<hbm>>) dst(%dma_wait3A_95 : memref<125x72xf32, #tpu.memory_space<vmem>>)
        %dma_start3A_102 = arith.constant 0 : i32
        %dma_start3A_103 = arith.constant 0 : i32
        %dma_start3A_104 = arith.constant 0 : i32
        %dma_start3A_105 = tpu.memref_slice %arg9[%dma_start3A_102, %dma_start3A_103, %dma_start3A_104] : memref<4x125x72xf32, #tpu.memory_space<vmem>> -> memref<1x125x72xf32, #tpu.memory_space<vmem>>
        %dma_start3A_106 = tpu.memref_squeeze %dma_start3A_105 : memref<1x125x72xf32, #tpu.memory_space<vmem>> -> memref<125x72xf32, #tpu.memory_space<vmem>>
        %dma_start3A_107 = arith.constant 0 : i32
        %dma_start3A_108 = tpu.memref_slice %arg8[%add3A_91, %dma_start3A_107] : memref<160x125xi32, #tpu.memory_space<vmem>> -> memref<1x125xi32, #tpu.memory_space<vmem>>
        %dma_start3A_109 = tpu.memref_squeeze %dma_start3A_108 : memref<1x125xi32, #tpu.memory_space<vmem>> -> memref<125xi32, #tpu.memory_space<vmem>>
        %dma_start3A_110 = arith.constant 0 : i32
        %dma_start3A_111 = arith.constant 0 : i32
        %dma_start3A_112 = tpu.memref_slice %arg10[%dma_start3A_110, %dma_start3A_111] : memref<10000x72xf32, #tpu.memory_space<vmem_shared>> -> memref<10000x72xf32, #tpu.memory_space<vmem_shared>>
        tpu.enqueue_indirect_dma source(%dma_start3A_106 : memref<125x72xf32, #tpu.memory_space<vmem>>) target(%dma_start3A_112 : memref<10000x72xf32, #tpu.memory_space<vmem_shared>>) offsets(%dma_start3A_109 : memref<125xi32, #tpu.memory_space<vmem>>) semaphore(%arg12 : memref<!tpu.dma_semaphore, #tpu.memory_space<semaphore_mem>>) {add = true}
        %dma_wait3A_113 = arith.constant 0 : i32
        %dma_wait3A_114 = arith.constant 0 : i32
        %dma_wait3A_115 = arith.constant 0 : i32
        %dma_wait3A_116 = tpu.memref_slice %arg9[%dma_wait3A_113, %dma_wait3A_114, %dma_wait3A_115] : memref<4x125x72xf32, #tpu.memory_space<vmem>> -> memref<1x125x72xf32, #tpu.memory_space<vmem>>
        %dma_wait3A_117 = tpu.memref_squeeze %dma_wait3A_116 : memref<1x125x72xf32, #tpu.memory_space<vmem>> -> memref<125x72xf32, #tpu.memory_space<vmem>>
        %dma_wait3A_118 = arith.constant 0 : i32
        %dma_wait3A_119 = tpu.memref_slice %arg8[%add3A_91, %dma_wait3A_118] : memref<160x125xi32, #tpu.memory_space<vmem>> -> memref<1x125xi32, #tpu.memory_space<vmem>>
        %dma_wait3A_120 = tpu.memref_squeeze %dma_wait3A_119 : memref<1x125xi32, #tpu.memory_space<vmem>> -> memref<125xi32, #tpu.memory_space<vmem>>
        %dma_wait3A_121 = arith.constant 0 : i32
        %dma_wait3A_122 = arith.constant 0 : i32
        %dma_wait3A_123 = tpu.memref_slice %arg10[%dma_wait3A_121, %dma_wait3A_122] : memref<10000x72xf32, #tpu.memory_space<vmem_shared>> -> memref<10000x72xf32, #tpu.memory_space<vmem_shared>>
        tpu.wait_indirect_dma semaphore(%arg12 : memref<!tpu.dma_semaphore, #tpu.memory_space<semaphore_mem>>) src(%dma_wait3A_117 : memref<125x72xf32, #tpu.memory_space<vmem>>) dst(%dma_wait3A_123 : memref<10000x72xf32, #tpu.memory_space<vmem_shared>>)
        %lt3A_124 = arith.constant 156 : i32
        %lt3A_125 = arith.cmpi slt, %add3A_91, %lt3A_124 : i32
        %convert_element_type3A_126 = arith.extui %lt3A_125 : i1 to i32
        %cond3A_127 = arith.constant 0 : i32
        %cond3A_128 = arith.cmpi ne, %convert_element_type3A_126, %cond3A_127 : i32
        scf.if %cond3A_128 {
          %add3A_255 = arith.constant 4 : i32
          %add3A_256 = arith.addi %add3A_91, %add3A_255 : i32
          %dma_start3A_257 = arith.constant 0 : i32
          %dma_start3A_258 = arith.constant 0 : i32
          %dma_start3A_259 = arith.constant 0 : i32
          %dma_start3A_260 = tpu.memref_slice %arg9[%dma_start3A_257, %dma_start3A_258, %dma_start3A_259] : memref<4x125x72xf32, #tpu.memory_space<vmem>> -> memref<1x125x72xf32, #tpu.memory_space<vmem>>
          %dma_start3A_261 = tpu.memref_squeeze %dma_start3A_260 : memref<1x125x72xf32, #tpu.memory_space<vmem>> -> memref<125x72xf32, #tpu.memory_space<vmem>>
          %dma_start3A_262 = arith.constant 0 : i32
          %dma_start3A_263 = tpu.memref_slice %arg7[%add3A_256, %dma_start3A_262] : memref<160x125xi32, #tpu.memory_space<vmem>> -> memref<1x125xi32, #tpu.memory_space<vmem>>
          %dma_start3A_264 = tpu.memref_squeeze %dma_start3A_263 : memref<1x125xi32, #tpu.memory_space<vmem>> -> memref<125xi32, #tpu.memory_space<vmem>>
          %dma_start3A_265 = arith.constant 0 : i32
          %dma_start3A_266 = arith.constant 0 : i32
          %dma_start3A_267 = tpu.memref_slice %arg2[%dma_start3A_265, %dma_start3A_266] : memref<10000x72xf32, #tpu.memory_space<hbm>> -> memref<10000x72xf32, #tpu.memory_space<hbm>>
          tpu.enqueue_indirect_dma source(%dma_start3A_267 : memref<10000x72xf32, #tpu.memory_space<hbm>>) target(%dma_start3A_261 : memref<125x72xf32, #tpu.memory_space<vmem>>) offsets(%dma_start3A_264 : memref<125xi32, #tpu.memory_space<vmem>>) semaphore(%arg11 : memref<!tpu.dma_semaphore, #tpu.memory_space<semaphore_mem>>)
        } else {
        }
        %mul3A_129 = arith.constant 4 : i32
        %mul3A_130 = arith.muli %scan3A_89, %mul3A_129 : i32
        %add3A_131 = arith.constant 1 : i32
        %add3A_132 = arith.addi %mul3A_130, %add3A_131 : i32
        %dma_wait3A_133 = arith.constant 1 : i32
        %dma_wait3A_134 = arith.constant 0 : i32
        %dma_wait3A_135 = arith.constant 0 : i32
        %dma_wait3A_136 = tpu.memref_slice %arg9[%dma_wait3A_133, %dma_wait3A_134, %dma_wait3A_135] : memref<4x125x72xf32, #tpu.memory_space<vmem>> -> memref<1x125x72xf32, #tpu.memory_space<vmem>>
        %dma_wait3A_137 = tpu.memref_squeeze %dma_wait3A_136 : memref<1x125x72xf32, #tpu.memory_space<vmem>> -> memref<125x72xf32, #tpu.memory_space<vmem>>
        %dma_wait3A_138 = arith.constant 0 : i32
        %dma_wait3A_139 = tpu.memref_slice %arg7[%add3A_132, %dma_wait3A_138] : memref<160x125xi32, #tpu.memory_space<vmem>> -> memref<1x125xi32, #tpu.memory_space<vmem>>
        %dma_wait3A_140 = tpu.memref_squeeze %dma_wait3A_139 : memref<1x125xi32, #tpu.memory_space<vmem>> -> memref<125xi32, #tpu.memory_space<vmem>>
        %dma_wait3A_141 = arith.constant 0 : i32
        %dma_wait3A_142 = arith.constant 0 : i32
        %dma_wait3A_143 = tpu.memref_slice %arg2[%dma_wait3A_141, %dma_wait3A_142] : memref<10000x72xf32, #tpu.memory_space<hbm>> -> memref<10000x72xf32, #tpu.memory_space<hbm>>
        tpu.wait_indirect_dma semaphore(%arg11 : memref<!tpu.dma_semaphore, #tpu.memory_space<semaphore_mem>>) src(%dma_wait3A_143 : memref<10000x72xf32, #tpu.memory_space<hbm>>) dst(%dma_wait3A_137 : memref<125x72xf32, #tpu.memory_space<vmem>>)
        %dma_start3A_144 = arith.constant 1 : i32
        %dma_start3A_145 = arith.constant 0 : i32
        %dma_start3A_146 = arith.constant 0 : i32
        %dma_start3A_147 = tpu.memref_slice %arg9[%dma_start3A_144, %dma_start3A_145, %dma_start3A_146] : memref<4x125x72xf32, #tpu.memory_space<vmem>> -> memref<1x125x72xf32, #tpu.memory_space<vmem>>
        %dma_start3A_148 = tpu.memref_squeeze %dma_start3A_147 : memref<1x125x72xf32, #tpu.memory_space<vmem>> -> memref<125x72xf32, #tpu.memory_space<vmem>>
        %dma_start3A_149 = arith.constant 0 : i32
        %dma_start3A_150 = tpu.memref_slice %arg8[%add3A_132, %dma_start3A_149] : memref<160x125xi32, #tpu.memory_space<vmem>> -> memref<1x125xi32, #tpu.memory_space<vmem>>
        %dma_start3A_151 = tpu.memref_squeeze %dma_start3A_150 : memref<1x125xi32, #tpu.memory_space<vmem>> -> memref<125xi32, #tpu.memory_space<vmem>>
        %dma_start3A_152 = arith.constant 0 : i32
        %dma_start3A_153 = arith.constant 0 : i32
        %dma_start3A_154 = tpu.memref_slice %arg10[%dma_start3A_152, %dma_start3A_153] : memref<10000x72xf32, #tpu.memory_space<vmem_shared>> -> memref<10000x72xf32, #tpu.memory_space<vmem_shared>>
        tpu.enqueue_indirect_dma source(%dma_start3A_148 : memref<125x72xf32, #tpu.memory_space<vmem>>) target(%dma_start3A_154 : memref<10000x72xf32, #tpu.memory_space<vmem_shared>>) offsets(%dma_start3A_151 : memref<125xi32, #tpu.memory_space<vmem>>) semaphore(%arg12 : memref<!tpu.dma_semaphore, #tpu.memory_space<semaphore_mem>>) {add = true}
        %dma_wait3A_155 = arith.constant 1 : i32
        %dma_wait3A_156 = arith.constant 0 : i32
        %dma_wait3A_157 = arith.constant 0 : i32
        %dma_wait3A_158 = tpu.memref_slice %arg9[%dma_wait3A_155, %dma_wait3A_156, %dma_wait3A_157] : memref<4x125x72xf32, #tpu.memory_space<vmem>> -> memref<1x125x72xf32, #tpu.memory_space<vmem>>
        %dma_wait3A_159 = tpu.memref_squeeze %dma_wait3A_158 : memref<1x125x72xf32, #tpu.memory_space<vmem>> -> memref<125x72xf32, #tpu.memory_space<vmem>>
        %dma_wait3A_160 = arith.constant 0 : i32
        %dma_wait3A_161 = tpu.memref_slice %arg8[%add3A_132, %dma_wait3A_160] : memref<160x125xi32, #tpu.memory_space<vmem>> -> memref<1x125xi32, #tpu.memory_space<vmem>>
        %dma_wait3A_162 = tpu.memref_squeeze %dma_wait3A_161 : memref<1x125xi32, #tpu.memory_space<vmem>> -> memref<125xi32, #tpu.memory_space<vmem>>
        %dma_wait3A_163 = arith.constant 0 : i32
        %dma_wait3A_164 = arith.constant 0 : i32
        %dma_wait3A_165 = tpu.memref_slice %arg10[%dma_wait3A_163, %dma_wait3A_164] : memref<10000x72xf32, #tpu.memory_space<vmem_shared>> -> memref<10000x72xf32, #tpu.memory_space<vmem_shared>>
        tpu.wait_indirect_dma semaphore(%arg12 : memref<!tpu.dma_semaphore, #tpu.memory_space<semaphore_mem>>) src(%dma_wait3A_159 : memref<125x72xf32, #tpu.memory_space<vmem>>) dst(%dma_wait3A_165 : memref<10000x72xf32, #tpu.memory_space<vmem_shared>>)
        %lt3A_166 = arith.constant 156 : i32
        %lt3A_167 = arith.cmpi slt, %add3A_132, %lt3A_166 : i32
        %convert_element_type3A_168 = arith.extui %lt3A_167 : i1 to i32
        %cond3A_169 = arith.constant 0 : i32
        %cond3A_170 = arith.cmpi ne, %convert_element_type3A_168, %cond3A_169 : i32
        scf.if %cond3A_170 {
          %add3A_255 = arith.constant 4 : i32
          %add3A_256 = arith.addi %add3A_132, %add3A_255 : i32
          %dma_start3A_257 = arith.constant 1 : i32
          %dma_start3A_258 = arith.constant 0 : i32
          %dma_start3A_259 = arith.constant 0 : i32
          %dma_start3A_260 = tpu.memref_slice %arg9[%dma_start3A_257, %dma_start3A_258, %dma_start3A_259] : memref<4x125x72xf32, #tpu.memory_space<vmem>> -> memref<1x125x72xf32, #tpu.memory_space<vmem>>
          %dma_start3A_261 = tpu.memref_squeeze %dma_start3A_260 : memref<1x125x72xf32, #tpu.memory_space<vmem>> -> memref<125x72xf32, #tpu.memory_space<vmem>>
          %dma_start3A_262 = arith.constant 0 : i32
          %dma_start3A_263 = tpu.memref_slice %arg7[%add3A_256, %dma_start3A_262] : memref<160x125xi32, #tpu.memory_space<vmem>> -> memref<1x125xi32, #tpu.memory_space<vmem>>
          %dma_start3A_264 = tpu.memref_squeeze %dma_start3A_263 : memref<1x125xi32, #tpu.memory_space<vmem>> -> memref<125xi32, #tpu.memory_space<vmem>>
          %dma_start3A_265 = arith.constant 0 : i32
          %dma_start3A_266 = arith.constant 0 : i32
          %dma_start3A_267 = tpu.memref_slice %arg2[%dma_start3A_265, %dma_start3A_266] : memref<10000x72xf32, #tpu.memory_space<hbm>> -> memref<10000x72xf32, #tpu.memory_space<hbm>>
          tpu.enqueue_indirect_dma source(%dma_start3A_267 : memref<10000x72xf32, #tpu.memory_space<hbm>>) target(%dma_start3A_261 : memref<125x72xf32, #tpu.memory_space<vmem>>) offsets(%dma_start3A_264 : memref<125xi32, #tpu.memory_space<vmem>>) semaphore(%arg11 : memref<!tpu.dma_semaphore, #tpu.memory_space<semaphore_mem>>)
        } else {
        }
        %mul3A_171 = arith.constant 4 : i32
        %mul3A_172 = arith.muli %scan3A_89, %mul3A_171 : i32
        %add3A_173 = arith.constant 2 : i32
        %add3A_174 = arith.addi %mul3A_172, %add3A_173 : i32
        %dma_wait3A_175 = arith.constant 2 : i32
        %dma_wait3A_176 = arith.constant 0 : i32
        %dma_wait3A_177 = arith.constant 0 : i32
        %dma_wait3A_178 = tpu.memref_slice %arg9[%dma_wait3A_175, %dma_wait3A_176, %dma_wait3A_177] : memref<4x125x72xf32, #tpu.memory_space<vmem>> -> memref<1x125x72xf32, #tpu.memory_space<vmem>>
        %dma_wait3A_179 = tpu.memref_squeeze %dma_wait3A_178 : memref<1x125x72xf32, #tpu.memory_space<vmem>> -> memref<125x72xf32, #tpu.memory_space<vmem>>
        %dma_wait3A_180 = arith.constant 0 : i32
        %dma_wait3A_181 = tpu.memref_slice %arg7[%add3A_174, %dma_wait3A_180] : memref<160x125xi32, #tpu.memory_space<vmem>> -> memref<1x125xi32, #tpu.memory_space<vmem>>
        %dma_wait3A_182 = tpu.memref_squeeze %dma_wait3A_181 : memref<1x125xi32, #tpu.memory_space<vmem>> -> memref<125xi32, #tpu.memory_space<vmem>>
        %dma_wait3A_183 = arith.constant 0 : i32
        %dma_wait3A_184 = arith.constant 0 : i32
        %dma_wait3A_185 = tpu.memref_slice %arg2[%dma_wait3A_183, %dma_wait3A_184] : memref<10000x72xf32, #tpu.memory_space<hbm>> -> memref<10000x72xf32, #tpu.memory_space<hbm>>
        tpu.wait_indirect_dma semaphore(%arg11 : memref<!tpu.dma_semaphore, #tpu.memory_space<semaphore_mem>>) src(%dma_wait3A_185 : memref<10000x72xf32, #tpu.memory_space<hbm>>) dst(%dma_wait3A_179 : memref<125x72xf32, #tpu.memory_space<vmem>>)
        %dma_start3A_186 = arith.constant 2 : i32
        %dma_start3A_187 = arith.constant 0 : i32
        %dma_start3A_188 = arith.constant 0 : i32
        %dma_start3A_189 = tpu.memref_slice %arg9[%dma_start3A_186, %dma_start3A_187, %dma_start3A_188] : memref<4x125x72xf32, #tpu.memory_space<vmem>> -> memref<1x125x72xf32, #tpu.memory_space<vmem>>
        %dma_start3A_190 = tpu.memref_squeeze %dma_start3A_189 : memref<1x125x72xf32, #tpu.memory_space<vmem>> -> memref<125x72xf32, #tpu.memory_space<vmem>>
        %dma_start3A_191 = arith.constant 0 : i32
        %dma_start3A_192 = tpu.memref_slice %arg8[%add3A_174, %dma_start3A_191] : memref<160x125xi32, #tpu.memory_space<vmem>> -> memref<1x125xi32, #tpu.memory_space<vmem>>
        %dma_start3A_193 = tpu.memref_squeeze %dma_start3A_192 : memref<1x125xi32, #tpu.memory_space<vmem>> -> memref<125xi32, #tpu.memory_space<vmem>>
        %dma_start3A_194 = arith.constant 0 : i32
        %dma_start3A_195 = arith.constant 0 : i32
        %dma_start3A_196 = tpu.memref_slice %arg10[%dma_start3A_194, %dma_start3A_195] : memref<10000x72xf32, #tpu.memory_space<vmem_shared>> -> memref<10000x72xf32, #tpu.memory_space<vmem_shared>>
        tpu.enqueue_indirect_dma source(%dma_start3A_190 : memref<125x72xf32, #tpu.memory_space<vmem>>) target(%dma_start3A_196 : memref<10000x72xf32, #tpu.memory_space<vmem_shared>>) offsets(%dma_start3A_193 : memref<125xi32, #tpu.memory_space<vmem>>) semaphore(%arg12 : memref<!tpu.dma_semaphore, #tpu.memory_space<semaphore_mem>>) {add = true}
        %dma_wait3A_197 = arith.constant 2 : i32
        %dma_wait3A_198 = arith.constant 0 : i32
        %dma_wait3A_199 = arith.constant 0 : i32
        %dma_wait3A_200 = tpu.memref_slice %arg9[%dma_wait3A_197, %dma_wait3A_198, %dma_wait3A_199] : memref<4x125x72xf32, #tpu.memory_space<vmem>> -> memref<1x125x72xf32, #tpu.memory_space<vmem>>
        %dma_wait3A_201 = tpu.memref_squeeze %dma_wait3A_200 : memref<1x125x72xf32, #tpu.memory_space<vmem>> -> memref<125x72xf32, #tpu.memory_space<vmem>>
        %dma_wait3A_202 = arith.constant 0 : i32
        %dma_wait3A_203 = tpu.memref_slice %arg8[%add3A_174, %dma_wait3A_202] : memref<160x125xi32, #tpu.memory_space<vmem>> -> memref<1x125xi32, #tpu.memory_space<vmem>>
        %dma_wait3A_204 = tpu.memref_squeeze %dma_wait3A_203 : memref<1x125xi32, #tpu.memory_space<vmem>> -> memref<125xi32, #tpu.memory_space<vmem>>
        %dma_wait3A_205 = arith.constant 0 : i32
        %dma_wait3A_206 = arith.constant 0 : i32
        %dma_wait3A_207 = tpu.memref_slice %arg10[%dma_wait3A_205, %dma_wait3A_206] : memref<10000x72xf32, #tpu.memory_space<vmem_shared>> -> memref<10000x72xf32, #tpu.memory_space<vmem_shared>>
        tpu.wait_indirect_dma semaphore(%arg12 : memref<!tpu.dma_semaphore, #tpu.memory_space<semaphore_mem>>) src(%dma_wait3A_201 : memref<125x72xf32, #tpu.memory_space<vmem>>) dst(%dma_wait3A_207 : memref<10000x72xf32, #tpu.memory_space<vmem_shared>>)
        %lt3A_208 = arith.constant 156 : i32
        %lt3A_209 = arith.cmpi slt, %add3A_174, %lt3A_208 : i32
        %convert_element_type3A_210 = arith.extui %lt3A_209 : i1 to i32
        %cond3A_211 = arith.constant 0 : i32
        %cond3A_212 = arith.cmpi ne, %convert_element_type3A_210, %cond3A_211 : i32
        scf.if %cond3A_212 {
          %add3A_255 = arith.constant 4 : i32
          %add3A_256 = arith.addi %add3A_174, %add3A_255 : i32
          %dma_start3A_257 = arith.constant 2 : i32
          %dma_start3A_258 = arith.constant 0 : i32
          %dma_start3A_259 = arith.constant 0 : i32
          %dma_start3A_260 = tpu.memref_slice %arg9[%dma_start3A_257, %dma_start3A_258, %dma_start3A_259] : memref<4x125x72xf32, #tpu.memory_space<vmem>> -> memref<1x125x72xf32, #tpu.memory_space<vmem>>
          %dma_start3A_261 = tpu.memref_squeeze %dma_start3A_260 : memref<1x125x72xf32, #tpu.memory_space<vmem>> -> memref<125x72xf32, #tpu.memory_space<vmem>>
          %dma_start3A_262 = arith.constant 0 : i32
          %dma_start3A_263 = tpu.memref_slice %arg7[%add3A_256, %dma_start3A_262] : memref<160x125xi32, #tpu.memory_space<vmem>> -> memref<1x125xi32, #tpu.memory_space<vmem>>
          %dma_start3A_264 = tpu.memref_squeeze %dma_start3A_263 : memref<1x125xi32, #tpu.memory_space<vmem>> -> memref<125xi32, #tpu.memory_space<vmem>>
          %dma_start3A_265 = arith.constant 0 : i32
          %dma_start3A_266 = arith.constant 0 : i32
          %dma_start3A_267 = tpu.memref_slice %arg2[%dma_start3A_265, %dma_start3A_266] : memref<10000x72xf32, #tpu.memory_space<hbm>> -> memref<10000x72xf32, #tpu.memory_space<hbm>>
          tpu.enqueue_indirect_dma source(%dma_start3A_267 : memref<10000x72xf32, #tpu.memory_space<hbm>>) target(%dma_start3A_261 : memref<125x72xf32, #tpu.memory_space<vmem>>) offsets(%dma_start3A_264 : memref<125xi32, #tpu.memory_space<vmem>>) semaphore(%arg11 : memref<!tpu.dma_semaphore, #tpu.memory_space<semaphore_mem>>)
        } else {
        }
        %mul3A_213 = arith.constant 4 : i32
        %mul3A_214 = arith.muli %scan3A_89, %mul3A_213 : i32
        %add3A_215 = arith.constant 3 : i32
        %add3A_216 = arith.addi %mul3A_214, %add3A_215 : i32
        %dma_wait3A_217 = arith.constant 3 : i32
        %dma_wait3A_218 = arith.constant 0 : i32
        %dma_wait3A_219 = arith.constant 0 : i32
        %dma_wait3A_220 = tpu.memref_slice %arg9[%dma_wait3A_217, %dma_wait3A_218, %dma_wait3A_219] : memref<4x125x72xf32, #tpu.memory_space<vmem>> -> memref<1x125x72xf32, #tpu.memory_space<vmem>>
        %dma_wait3A_221 = tpu.memref_squeeze %dma_wait3A_220 : memref<1x125x72xf32, #tpu.memory_space<vmem>> -> memref<125x72xf32, #tpu.memory_space<vmem>>
        %dma_wait3A_222 = arith.constant 0 : i32
        %dma_wait3A_223 = tpu.memref_slice %arg7[%add3A_216, %dma_wait3A_222] : memref<160x125xi32, #tpu.memory_space<vmem>> -> memref<1x125xi32, #tpu.memory_space<vmem>>
        %dma_wait3A_224 = tpu.memref_squeeze %dma_wait3A_223 : memref<1x125xi32, #tpu.memory_space<vmem>> -> memref<125xi32, #tpu.memory_space<vmem>>
        %dma_wait3A_225 = arith.constant 0 : i32
        %dma_wait3A_226 = arith.constant 0 : i32
        %dma_wait3A_227 = tpu.memref_slice %arg2[%dma_wait3A_225, %dma_wait3A_226] : memref<10000x72xf32, #tpu.memory_space<hbm>> -> memref<10000x72xf32, #tpu.memory_space<hbm>>
        tpu.wait_indirect_dma semaphore(%arg11 : memref<!tpu.dma_semaphore, #tpu.memory_space<semaphore_mem>>) src(%dma_wait3A_227 : memref<10000x72xf32, #tpu.memory_space<hbm>>) dst(%dma_wait3A_221 : memref<125x72xf32, #tpu.memory_space<vmem>>)
        %dma_start3A_228 = arith.constant 3 : i32
        %dma_start3A_229 = arith.constant 0 : i32
        %dma_start3A_230 = arith.constant 0 : i32
        %dma_start3A_231 = tpu.memref_slice %arg9[%dma_start3A_228, %dma_start3A_229, %dma_start3A_230] : memref<4x125x72xf32, #tpu.memory_space<vmem>> -> memref<1x125x72xf32, #tpu.memory_space<vmem>>
        %dma_start3A_232 = tpu.memref_squeeze %dma_start3A_231 : memref<1x125x72xf32, #tpu.memory_space<vmem>> -> memref<125x72xf32, #tpu.memory_space<vmem>>
        %dma_start3A_233 = arith.constant 0 : i32
        %dma_start3A_234 = tpu.memref_slice %arg8[%add3A_216, %dma_start3A_233] : memref<160x125xi32, #tpu.memory_space<vmem>> -> memref<1x125xi32, #tpu.memory_space<vmem>>
        %dma_start3A_235 = tpu.memref_squeeze %dma_start3A_234 : memref<1x125xi32, #tpu.memory_space<vmem>> -> memref<125xi32, #tpu.memory_space<vmem>>
        %dma_start3A_236 = arith.constant 0 : i32
        %dma_start3A_237 = arith.constant 0 : i32
        %dma_start3A_238 = tpu.memref_slice %arg10[%dma_start3A_236, %dma_start3A_237] : memref<10000x72xf32, #tpu.memory_space<vmem_shared>> -> memref<10000x72xf32, #tpu.memory_space<vmem_shared>>
        tpu.enqueue_indirect_dma source(%dma_start3A_232 : memref<125x72xf32, #tpu.memory_space<vmem>>) target(%dma_start3A_238 : memref<10000x72xf32, #tpu.memory_space<vmem_shared>>) offsets(%dma_start3A_235 : memref<125xi32, #tpu.memory_space<vmem>>) semaphore(%arg12 : memref<!tpu.dma_semaphore, #tpu.memory_space<semaphore_mem>>) {add = true}
        %dma_wait3A_239 = arith.constant 3 : i32
        %dma_wait3A_240 = arith.constant 0 : i32
        %dma_wait3A_241 = arith.constant 0 : i32
        %dma_wait3A_242 = tpu.memref_slice %arg9[%dma_wait3A_239, %dma_wait3A_240, %dma_wait3A_241] : memref<4x125x72xf32, #tpu.memory_space<vmem>> -> memref<1x125x72xf32, #tpu.memory_space<vmem>>
        %dma_wait3A_243 = tpu.memref_squeeze %dma_wait3A_242 : memref<1x125x72xf32, #tpu.memory_space<vmem>> -> memref<125x72xf32, #tpu.memory_space<vmem>>
        %dma_wait3A_244 = arith.constant 0 : i32
        %dma_wait3A_245 = tpu.memref_slice %arg8[%add3A_216, %dma_wait3A_244] : memref<160x125xi32, #tpu.memory_space<vmem>> -> memref<1x125xi32, #tpu.memory_space<vmem>>
        %dma_wait3A_246 = tpu.memref_squeeze %dma_wait3A_245 : memref<1x125xi32, #tpu.memory_space<vmem>> -> memref<125xi32, #tpu.memory_space<vmem>>
        %dma_wait3A_247 = arith.constant 0 : i32
        %dma_wait3A_248 = arith.constant 0 : i32
        %dma_wait3A_249 = tpu.memref_slice %arg10[%dma_wait3A_247, %dma_wait3A_248] : memref<10000x72xf32, #tpu.memory_space<vmem_shared>> -> memref<10000x72xf32, #tpu.memory_space<vmem_shared>>
        tpu.wait_indirect_dma semaphore(%arg12 : memref<!tpu.dma_semaphore, #tpu.memory_space<semaphore_mem>>) src(%dma_wait3A_243 : memref<125x72xf32, #tpu.memory_space<vmem>>) dst(%dma_wait3A_249 : memref<10000x72xf32, #tpu.memory_space<vmem_shared>>)
        %lt3A_250 = arith.constant 156 : i32
        %lt3A_251 = arith.cmpi slt, %add3A_216, %lt3A_250 : i32
        %convert_element_type3A_252 = arith.extui %lt3A_251 : i1 to i32
        %cond3A_253 = arith.constant 0 : i32
        %cond3A_254 = arith.cmpi ne, %convert_element_type3A_252, %cond3A_253 : i32
        scf.if %cond3A_254 {
          %add3A_255 = arith.constant 4 : i32
          %add3A_256 = arith.addi %add3A_216, %add3A_255 : i32
          %dma_start3A_257 = arith.constant 3 : i32
          %dma_start3A_258 = arith.constant 0 : i32
          %dma_start3A_259 = arith.constant 0 : i32
          %dma_start3A_260 = tpu.memref_slice %arg9[%dma_start3A_257, %dma_start3A_258, %dma_start3A_259] : memref<4x125x72xf32, #tpu.memory_space<vmem>> -> memref<1x125x72xf32, #tpu.memory_space<vmem>>
          %dma_start3A_261 = tpu.memref_squeeze %dma_start3A_260 : memref<1x125x72xf32, #tpu.memory_space<vmem>> -> memref<125x72xf32, #tpu.memory_space<vmem>>
          %dma_start3A_262 = arith.constant 0 : i32
          %dma_start3A_263 = tpu.memref_slice %arg7[%add3A_256, %dma_start3A_262] : memref<160x125xi32, #tpu.memory_space<vmem>> -> memref<1x125xi32, #tpu.memory_space<vmem>>
          %dma_start3A_264 = tpu.memref_squeeze %dma_start3A_263 : memref<1x125xi32, #tpu.memory_space<vmem>> -> memref<125xi32, #tpu.memory_space<vmem>>
          %dma_start3A_265 = arith.constant 0 : i32
          %dma_start3A_266 = arith.constant 0 : i32
          %dma_start3A_267 = tpu.memref_slice %arg2[%dma_start3A_265, %dma_start3A_266] : memref<10000x72xf32, #tpu.memory_space<hbm>> -> memref<10000x72xf32, #tpu.memory_space<hbm>>
          tpu.enqueue_indirect_dma source(%dma_start3A_267 : memref<10000x72xf32, #tpu.memory_space<hbm>>) target(%dma_start3A_261 : memref<125x72xf32, #tpu.memory_space<vmem>>) offsets(%dma_start3A_264 : memref<125xi32, #tpu.memory_space<vmem>>) semaphore(%arg11 : memref<!tpu.dma_semaphore, #tpu.memory_space<semaphore_mem>>)
        } else {
        }
      }
      %scan3A_77 = arith.constant 40 : i32
      %barrier3A_78 = arith.constant 0 : index
      tpu.barrier barrier_id(%barrier3A_78)
      %lt3A_79 = arith.constant 15 : i32
      %lt3A_80 = arith.cmpi slt, %arg1, %lt3A_79 : i32
      %convert_element_type3A_81 = arith.extui %lt3A_80 : i1 to i32
      %cond3A_82 = arith.constant 0 : i32
      %cond3A_83 = arith.cmpi ne, %convert_element_type3A_81, %cond3A_82 : i32
      scf.if %cond3A_83 {
        %mul3A = arith.constant 640 : i32
        %mul3A_89 = arith.muli %arg1, %mul3A : i32
        %mul3A_90 = arith.constant 640 : i32
        %mul3A_91 = arith.muli %arg1, %mul3A_90 : i32
        %run_scoped3A = arith.constant 0 : i32
        "tpu.region"() ({
          %run_scoped3A_92 = tpu.sem_alloc : memref<!tpu.dma_semaphore, #tpu.memory_space<semaphore_mem>>
          %dma_start3A_93 = arith.constant 0 : i32
          %dma_start3A_94 = tpu.memref_slice %arg6[%run_scoped3A, %mul3A_91, %dma_start3A_93] : memref<2x10000x72xf32, #tpu.memory_space<hbm>> -> memref<1x640x72xf32, #tpu.memory_space<hbm>>
          %dma_start3A_95 = tpu.memref_squeeze %dma_start3A_94 : memref<1x640x72xf32, #tpu.memory_space<hbm>> -> memref<640x72xf32, #tpu.memory_space<hbm>>
          %dma_start3A_96 = arith.constant 0 : i32
          %dma_start3A_97 = tpu.memref_slice %arg10[%mul3A_89, %dma_start3A_96] : memref<10000x72xf32, #tpu.memory_space<vmem_shared>> -> memref<640x72xf32, #tpu.memory_space<vmem_shared>>
          tpu.enqueue_dma source(%dma_start3A_97 : memref<640x72xf32, #tpu.memory_space<vmem_shared>>) target(%dma_start3A_95 : memref<640x72xf32, #tpu.memory_space<hbm>>) target_semaphore(%run_scoped3A_92 : memref<!tpu.dma_semaphore, #tpu.memory_space<semaphore_mem>>)
          %dma_wait3A = arith.constant 0 : i32
          %dma_wait3A_98 = tpu.memref_slice %arg6[%run_scoped3A, %mul3A_91, %dma_wait3A] : memref<2x10000x72xf32, #tpu.memory_space<hbm>> -> memref<1x640x72xf32, #tpu.memory_space<hbm>>
          %dma_wait3A_99 = tpu.memref_squeeze %dma_wait3A_98 : memref<1x640x72xf32, #tpu.memory_space<hbm>> -> memref<640x72xf32, #tpu.memory_space<hbm>>
          %dma_wait3A_100 = arith.constant 0 : i32
          %dma_wait3A_101 = tpu.memref_slice %arg10[%mul3A_89, %dma_wait3A_100] : memref<10000x72xf32, #tpu.memory_space<vmem_shared>> -> memref<640x72xf32, #tpu.memory_space<vmem_shared>>
          tpu.wait_dma2 semaphore(%run_scoped3A_92 : memref<!tpu.dma_semaphore, #tpu.memory_space<semaphore_mem>>) src(%dma_wait3A_101 : memref<640x72xf32, #tpu.memory_space<vmem_shared>>) dst(%dma_wait3A_99 : memref<640x72xf32, #tpu.memory_space<hbm>>)
          tpu.yield
        }) : () -> ()
      } else {
      }
      %eq3A_84 = arith.constant 15 : i32
      %eq3A_85 = arith.cmpi eq, %arg1, %eq3A_84 : i32
      %convert_element_type3A_86 = arith.extui %eq3A_85 : i1 to i32
      %cond3A_87 = arith.constant 0 : i32
      %cond3A_88 = arith.cmpi ne, %convert_element_type3A_86, %cond3A_87 : i32
      scf.if %cond3A_88 {
        %run_scoped3A = arith.constant 0 : i32
        "tpu.region"() ({
          %run_scoped3A_89 = tpu.sem_alloc : memref<!tpu.dma_semaphore, #tpu.memory_space<semaphore_mem>>
          %dma_start3A_90 = arith.constant 9600 : i32
          %dma_start3A_91 = arith.constant 0 : i32
          %dma_start3A_92 = tpu.memref_slice %arg6[%run_scoped3A, %dma_start3A_90, %dma_start3A_91] : memref<2x10000x72xf32, #tpu.memory_space<hbm>> -> memref<1x400x72xf32, #tpu.memory_space<hbm>>
          %dma_start3A_93 = tpu.memref_squeeze %dma_start3A_92 : memref<1x400x72xf32, #tpu.memory_space<hbm>> -> memref<400x72xf32, #tpu.memory_space<hbm>>
          %dma_start3A_94 = arith.constant 9600 : i32
          %dma_start3A_95 = arith.constant 0 : i32
          %dma_start3A_96 = tpu.memref_slice %arg10[%dma_start3A_94, %dma_start3A_95] : memref<10000x72xf32, #tpu.memory_space<vmem_shared>> -> memref<400x72xf32, #tpu.memory_space<vmem_shared>>
          tpu.enqueue_dma source(%dma_start3A_96 : memref<400x72xf32, #tpu.memory_space<vmem_shared>>) target(%dma_start3A_93 : memref<400x72xf32, #tpu.memory_space<hbm>>) target_semaphore(%run_scoped3A_89 : memref<!tpu.dma_semaphore, #tpu.memory_space<semaphore_mem>>)
          %dma_wait3A = arith.constant 9600 : i32
          %dma_wait3A_97 = arith.constant 0 : i32
          %dma_wait3A_98 = tpu.memref_slice %arg6[%run_scoped3A, %dma_wait3A, %dma_wait3A_97] : memref<2x10000x72xf32, #tpu.memory_space<hbm>> -> memref<1x400x72xf32, #tpu.memory_space<hbm>>
          %dma_wait3A_99 = tpu.memref_squeeze %dma_wait3A_98 : memref<1x400x72xf32, #tpu.memory_space<hbm>> -> memref<400x72xf32, #tpu.memory_space<hbm>>
          %dma_wait3A_100 = arith.constant 9600 : i32
          %dma_wait3A_101 = arith.constant 0 : i32
          %dma_wait3A_102 = tpu.memref_slice %arg10[%dma_wait3A_100, %dma_wait3A_101] : memref<10000x72xf32, #tpu.memory_space<vmem_shared>> -> memref<400x72xf32, #tpu.memory_space<vmem_shared>>
          tpu.wait_dma2 semaphore(%run_scoped3A_89 : memref<!tpu.dma_semaphore, #tpu.memory_space<semaphore_mem>>) src(%dma_wait3A_102 : memref<400x72xf32, #tpu.memory_space<vmem_shared>>) dst(%dma_wait3A_99 : memref<400x72xf32, #tpu.memory_space<hbm>>)
          tpu.yield
        }) : () -> ()
      } else {
      }
    } else {
    }
    %eq3A_21 = arith.constant 1 : i32
    %eq3A_22 = arith.cmpi eq, %arg0, %eq3A_21 : i32
    %convert_element_type3A_23 = arith.extui %eq3A_22 : i1 to i32
    %cond3A_24 = arith.constant 0 : i32
    %cond3A_25 = arith.cmpi ne, %convert_element_type3A_23, %cond3A_24 : i32
    scf.if %cond3A_25 {
      %dma_start3A = arith.constant 0 : i32
      %dma_start3A_26 = arith.constant 0 : i32
      %dma_start3A_27 = arith.constant 0 : i32
      %dma_start3A_28 = arith.constant 0 : i32
      %dma_start3A_29 = tpu.memref_slice %arg9[%dma_start3A_26, %dma_start3A_27, %dma_start3A_28] : memref<4x125x72xf32, #tpu.memory_space<vmem>> -> memref<1x125x72xf32, #tpu.memory_space<vmem>>
      %dma_start3A_30 = tpu.memref_squeeze %dma_start3A_29 : memref<1x125x72xf32, #tpu.memory_space<vmem>> -> memref<125x72xf32, #tpu.memory_space<vmem>>
      %dma_start3A_31 = arith.constant 0 : i32
      %dma_start3A_32 = tpu.memref_slice %arg7[%dma_start3A, %dma_start3A_31] : memref<160x125xi32, #tpu.memory_space<vmem>> -> memref<1x125xi32, #tpu.memory_space<vmem>>
      %dma_start3A_33 = tpu.memref_squeeze %dma_start3A_32 : memref<1x125xi32, #tpu.memory_space<vmem>> -> memref<125xi32, #tpu.memory_space<vmem>>
      %dma_start3A_34 = arith.constant 0 : i32
      %dma_start3A_35 = arith.constant 0 : i32
      %dma_start3A_36 = tpu.memref_slice %arg3[%dma_start3A_34, %dma_start3A_35] : memref<10000x72xf32, #tpu.memory_space<hbm>> -> memref<10000x72xf32, #tpu.memory_space<hbm>>
      tpu.enqueue_indirect_dma source(%dma_start3A_36 : memref<10000x72xf32, #tpu.memory_space<hbm>>) target(%dma_start3A_30 : memref<125x72xf32, #tpu.memory_space<vmem>>) offsets(%dma_start3A_33 : memref<125xi32, #tpu.memory_space<vmem>>) semaphore(%arg11 : memref<!tpu.dma_semaphore, #tpu.memory_space<semaphore_mem>>)
      %dma_start3A_37 = arith.constant 1 : i32
      %dma_start3A_38 = arith.constant 1 : i32
      %dma_start3A_39 = arith.constant 0 : i32
      %dma_start3A_40 = arith.constant 0 : i32
      %dma_start3A_41 = tpu.memref_slice %arg9[%dma_start3A_38, %dma_start3A_39, %dma_start3A_40] : memref<4x125x72xf32, #tpu.memory_space<vmem>> -> memref<1x125x72xf32, #tpu.memory_space<vmem>>
      %dma_start3A_42 = tpu.memref_squeeze %dma_start3A_41 : memref<1x125x72xf32, #tpu.memory_space<vmem>> -> memref<125x72xf32, #tpu.memory_space<vmem>>
      %dma_start3A_43 = arith.constant 0 : i32
      %dma_start3A_44 = tpu.memref_slice %arg7[%dma_start3A_37, %dma_start3A_43] : memref<160x125xi32, #tpu.memory_space<vmem>> -> memref<1x125xi32, #tpu.memory_space<vmem>>
      %dma_start3A_45 = tpu.memref_squeeze %dma_start3A_44 : memref<1x125xi32, #tpu.memory_space<vmem>> -> memref<125xi32, #tpu.memory_space<vmem>>
      %dma_start3A_46 = arith.constant 0 : i32
      %dma_start3A_47 = arith.constant 0 : i32
      %dma_start3A_48 = tpu.memref_slice %arg3[%dma_start3A_46, %dma_start3A_47] : memref<10000x72xf32, #tpu.memory_space<hbm>> -> memref<10000x72xf32, #tpu.memory_space<hbm>>
      tpu.enqueue_indirect_dma source(%dma_start3A_48 : memref<10000x72xf32, #tpu.memory_space<hbm>>) target(%dma_start3A_42 : memref<125x72xf32, #tpu.memory_space<vmem>>) offsets(%dma_start3A_45 : memref<125xi32, #tpu.memory_space<vmem>>) semaphore(%arg11 : memref<!tpu.dma_semaphore, #tpu.memory_space<semaphore_mem>>)
      %dma_start3A_49 = arith.constant 2 : i32
      %dma_start3A_50 = arith.constant 2 : i32
      %dma_start3A_51 = arith.constant 0 : i32
      %dma_start3A_52 = arith.constant 0 : i32
      %dma_start3A_53 = tpu.memref_slice %arg9[%dma_start3A_50, %dma_start3A_51, %dma_start3A_52] : memref<4x125x72xf32, #tpu.memory_space<vmem>> -> memref<1x125x72xf32, #tpu.memory_space<vmem>>
      %dma_start3A_54 = tpu.memref_squeeze %dma_start3A_53 : memref<1x125x72xf32, #tpu.memory_space<vmem>> -> memref<125x72xf32, #tpu.memory_space<vmem>>
      %dma_start3A_55 = arith.constant 0 : i32
      %dma_start3A_56 = tpu.memref_slice %arg7[%dma_start3A_49, %dma_start3A_55] : memref<160x125xi32, #tpu.memory_space<vmem>> -> memref<1x125xi32, #tpu.memory_space<vmem>>
      %dma_start3A_57 = tpu.memref_squeeze %dma_start3A_56 : memref<1x125xi32, #tpu.memory_space<vmem>> -> memref<125xi32, #tpu.memory_space<vmem>>
      %dma_start3A_58 = arith.constant 0 : i32
      %dma_start3A_59 = arith.constant 0 : i32
      %dma_start3A_60 = tpu.memref_slice %arg3[%dma_start3A_58, %dma_start3A_59] : memref<10000x72xf32, #tpu.memory_space<hbm>> -> memref<10000x72xf32, #tpu.memory_space<hbm>>
      tpu.enqueue_indirect_dma source(%dma_start3A_60 : memref<10000x72xf32, #tpu.memory_space<hbm>>) target(%dma_start3A_54 : memref<125x72xf32, #tpu.memory_space<vmem>>) offsets(%dma_start3A_57 : memref<125xi32, #tpu.memory_space<vmem>>) semaphore(%arg11 : memref<!tpu.dma_semaphore, #tpu.memory_space<semaphore_mem>>)
      %dma_start3A_61 = arith.constant 3 : i32
      %dma_start3A_62 = arith.constant 3 : i32
      %dma_start3A_63 = arith.constant 0 : i32
      %dma_start3A_64 = arith.constant 0 : i32
      %dma_start3A_65 = tpu.memref_slice %arg9[%dma_start3A_62, %dma_start3A_63, %dma_start3A_64] : memref<4x125x72xf32, #tpu.memory_space<vmem>> -> memref<1x125x72xf32, #tpu.memory_space<vmem>>
      %dma_start3A_66 = tpu.memref_squeeze %dma_start3A_65 : memref<1x125x72xf32, #tpu.memory_space<vmem>> -> memref<125x72xf32, #tpu.memory_space<vmem>>
      %dma_start3A_67 = arith.constant 0 : i32
      %dma_start3A_68 = tpu.memref_slice %arg7[%dma_start3A_61, %dma_start3A_67] : memref<160x125xi32, #tpu.memory_space<vmem>> -> memref<1x125xi32, #tpu.memory_space<vmem>>
      %dma_start3A_69 = tpu.memref_squeeze %dma_start3A_68 : memref<1x125xi32, #tpu.memory_space<vmem>> -> memref<125xi32, #tpu.memory_space<vmem>>
      %dma_start3A_70 = arith.constant 0 : i32
      %dma_start3A_71 = arith.constant 0 : i32
      %dma_start3A_72 = tpu.memref_slice %arg3[%dma_start3A_70, %dma_start3A_71] : memref<10000x72xf32, #tpu.memory_space<hbm>> -> memref<10000x72xf32, #tpu.memory_space<hbm>>
      tpu.enqueue_indirect_dma source(%dma_start3A_72 : memref<10000x72xf32, #tpu.memory_space<hbm>>) target(%dma_start3A_66 : memref<125x72xf32, #tpu.memory_space<vmem>>) offsets(%dma_start3A_69 : memref<125xi32, #tpu.memory_space<vmem>>) semaphore(%arg11 : memref<!tpu.dma_semaphore, #tpu.memory_space<semaphore_mem>>)
      %scan3A = arith.constant 0 : i32
      %scan3A_73 = arith.constant 0 : i32
      %scan3A_74 = arith.constant 40 : i32
      %scan3A_75 = arith.addi %scan3A_73, %scan3A_74 : i32
      %scan3A_76 = arith.constant 1 : i32
      scf.for %scan3A_89 = %scan3A_73 to %scan3A_75 step %scan3A_76  : i32 {
        %mul3A = arith.constant 4 : i32
        %mul3A_90 = arith.muli %scan3A_89, %mul3A : i32
        %add3A = arith.constant 0 : i32
        %add3A_91 = arith.addi %mul3A_90, %add3A : i32
        %dma_wait3A = arith.constant 0 : i32
        %dma_wait3A_92 = arith.constant 0 : i32
        %dma_wait3A_93 = arith.constant 0 : i32
        %dma_wait3A_94 = tpu.memref_slice %arg9[%dma_wait3A, %dma_wait3A_92, %dma_wait3A_93] : memref<4x125x72xf32, #tpu.memory_space<vmem>> -> memref<1x125x72xf32, #tpu.memory_space<vmem>>
        %dma_wait3A_95 = tpu.memref_squeeze %dma_wait3A_94 : memref<1x125x72xf32, #tpu.memory_space<vmem>> -> memref<125x72xf32, #tpu.memory_space<vmem>>
        %dma_wait3A_96 = arith.constant 0 : i32
        %dma_wait3A_97 = tpu.memref_slice %arg7[%add3A_91, %dma_wait3A_96] : memref<160x125xi32, #tpu.memory_space<vmem>> -> memref<1x125xi32, #tpu.memory_space<vmem>>
        %dma_wait3A_98 = tpu.memref_squeeze %dma_wait3A_97 : memref<1x125xi32, #tpu.memory_space<vmem>> -> memref<125xi32, #tpu.memory_space<vmem>>
        %dma_wait3A_99 = arith.constant 0 : i32
        %dma_wait3A_100 = arith.constant 0 : i32
        %dma_wait3A_101 = tpu.memref_slice %arg3[%dma_wait3A_99, %dma_wait3A_100] : memref<10000x72xf32, #tpu.memory_space<hbm>> -> memref<10000x72xf32, #tpu.memory_space<hbm>>
        tpu.wait_indirect_dma semaphore(%arg11 : memref<!tpu.dma_semaphore, #tpu.memory_space<semaphore_mem>>) src(%dma_wait3A_101 : memref<10000x72xf32, #tpu.memory_space<hbm>>) dst(%dma_wait3A_95 : memref<125x72xf32, #tpu.memory_space<vmem>>)
        %dma_start3A_102 = arith.constant 0 : i32
        %dma_start3A_103 = arith.constant 0 : i32
        %dma_start3A_104 = arith.constant 0 : i32
        %dma_start3A_105 = tpu.memref_slice %arg9[%dma_start3A_102, %dma_start3A_103, %dma_start3A_104] : memref<4x125x72xf32, #tpu.memory_space<vmem>> -> memref<1x125x72xf32, #tpu.memory_space<vmem>>
        %dma_start3A_106 = tpu.memref_squeeze %dma_start3A_105 : memref<1x125x72xf32, #tpu.memory_space<vmem>> -> memref<125x72xf32, #tpu.memory_space<vmem>>
        %dma_start3A_107 = arith.constant 0 : i32
        %dma_start3A_108 = tpu.memref_slice %arg8[%add3A_91, %dma_start3A_107] : memref<160x125xi32, #tpu.memory_space<vmem>> -> memref<1x125xi32, #tpu.memory_space<vmem>>
        %dma_start3A_109 = tpu.memref_squeeze %dma_start3A_108 : memref<1x125xi32, #tpu.memory_space<vmem>> -> memref<125xi32, #tpu.memory_space<vmem>>
        %dma_start3A_110 = arith.constant 0 : i32
        %dma_start3A_111 = arith.constant 0 : i32
        %dma_start3A_112 = tpu.memref_slice %arg10[%dma_start3A_110, %dma_start3A_111] : memref<10000x72xf32, #tpu.memory_space<vmem_shared>> -> memref<10000x72xf32, #tpu.memory_space<vmem_shared>>
        tpu.enqueue_indirect_dma source(%dma_start3A_106 : memref<125x72xf32, #tpu.memory_space<vmem>>) target(%dma_start3A_112 : memref<10000x72xf32, #tpu.memory_space<vmem_shared>>) offsets(%dma_start3A_109 : memref<125xi32, #tpu.memory_space<vmem>>) semaphore(%arg12 : memref<!tpu.dma_semaphore, #tpu.memory_space<semaphore_mem>>) {add = true}
        %dma_wait3A_113 = arith.constant 0 : i32
        %dma_wait3A_114 = arith.constant 0 : i32
        %dma_wait3A_115 = arith.constant 0 : i32
        %dma_wait3A_116 = tpu.memref_slice %arg9[%dma_wait3A_113, %dma_wait3A_114, %dma_wait3A_115] : memref<4x125x72xf32, #tpu.memory_space<vmem>> -> memref<1x125x72xf32, #tpu.memory_space<vmem>>
        %dma_wait3A_117 = tpu.memref_squeeze %dma_wait3A_116 : memref<1x125x72xf32, #tpu.memory_space<vmem>> -> memref<125x72xf32, #tpu.memory_space<vmem>>
        %dma_wait3A_118 = arith.constant 0 : i32
        %dma_wait3A_119 = tpu.memref_slice %arg8[%add3A_91, %dma_wait3A_118] : memref<160x125xi32, #tpu.memory_space<vmem>> -> memref<1x125xi32, #tpu.memory_space<vmem>>
        %dma_wait3A_120 = tpu.memref_squeeze %dma_wait3A_119 : memref<1x125xi32, #tpu.memory_space<vmem>> -> memref<125xi32, #tpu.memory_space<vmem>>
        %dma_wait3A_121 = arith.constant 0 : i32
        %dma_wait3A_122 = arith.constant 0 : i32
        %dma_wait3A_123 = tpu.memref_slice %arg10[%dma_wait3A_121, %dma_wait3A_122] : memref<10000x72xf32, #tpu.memory_space<vmem_shared>> -> memref<10000x72xf32, #tpu.memory_space<vmem_shared>>
        tpu.wait_indirect_dma semaphore(%arg12 : memref<!tpu.dma_semaphore, #tpu.memory_space<semaphore_mem>>) src(%dma_wait3A_117 : memref<125x72xf32, #tpu.memory_space<vmem>>) dst(%dma_wait3A_123 : memref<10000x72xf32, #tpu.memory_space<vmem_shared>>)
        %lt3A_124 = arith.constant 156 : i32
        %lt3A_125 = arith.cmpi slt, %add3A_91, %lt3A_124 : i32
        %convert_element_type3A_126 = arith.extui %lt3A_125 : i1 to i32
        %cond3A_127 = arith.constant 0 : i32
        %cond3A_128 = arith.cmpi ne, %convert_element_type3A_126, %cond3A_127 : i32
        scf.if %cond3A_128 {
          %add3A_255 = arith.constant 4 : i32
          %add3A_256 = arith.addi %add3A_91, %add3A_255 : i32
          %dma_start3A_257 = arith.constant 0 : i32
          %dma_start3A_258 = arith.constant 0 : i32
          %dma_start3A_259 = arith.constant 0 : i32
          %dma_start3A_260 = tpu.memref_slice %arg9[%dma_start3A_257, %dma_start3A_258, %dma_start3A_259] : memref<4x125x72xf32, #tpu.memory_space<vmem>> -> memref<1x125x72xf32, #tpu.memory_space<vmem>>
          %dma_start3A_261 = tpu.memref_squeeze %dma_start3A_260 : memref<1x125x72xf32, #tpu.memory_space<vmem>> -> memref<125x72xf32, #tpu.memory_space<vmem>>
          %dma_start3A_262 = arith.constant 0 : i32
          %dma_start3A_263 = tpu.memref_slice %arg7[%add3A_256, %dma_start3A_262] : memref<160x125xi32, #tpu.memory_space<vmem>> -> memref<1x125xi32, #tpu.memory_space<vmem>>
          %dma_start3A_264 = tpu.memref_squeeze %dma_start3A_263 : memref<1x125xi32, #tpu.memory_space<vmem>> -> memref<125xi32, #tpu.memory_space<vmem>>
          %dma_start3A_265 = arith.constant 0 : i32
          %dma_start3A_266 = arith.constant 0 : i32
          %dma_start3A_267 = tpu.memref_slice %arg3[%dma_start3A_265, %dma_start3A_266] : memref<10000x72xf32, #tpu.memory_space<hbm>> -> memref<10000x72xf32, #tpu.memory_space<hbm>>
          tpu.enqueue_indirect_dma source(%dma_start3A_267 : memref<10000x72xf32, #tpu.memory_space<hbm>>) target(%dma_start3A_261 : memref<125x72xf32, #tpu.memory_space<vmem>>) offsets(%dma_start3A_264 : memref<125xi32, #tpu.memory_space<vmem>>) semaphore(%arg11 : memref<!tpu.dma_semaphore, #tpu.memory_space<semaphore_mem>>)
        } else {
        }
        %mul3A_129 = arith.constant 4 : i32
        %mul3A_130 = arith.muli %scan3A_89, %mul3A_129 : i32
        %add3A_131 = arith.constant 1 : i32
        %add3A_132 = arith.addi %mul3A_130, %add3A_131 : i32
        %dma_wait3A_133 = arith.constant 1 : i32
        %dma_wait3A_134 = arith.constant 0 : i32
        %dma_wait3A_135 = arith.constant 0 : i32
        %dma_wait3A_136 = tpu.memref_slice %arg9[%dma_wait3A_133, %dma_wait3A_134, %dma_wait3A_135] : memref<4x125x72xf32, #tpu.memory_space<vmem>> -> memref<1x125x72xf32, #tpu.memory_space<vmem>>
        %dma_wait3A_137 = tpu.memref_squeeze %dma_wait3A_136 : memref<1x125x72xf32, #tpu.memory_space<vmem>> -> memref<125x72xf32, #tpu.memory_space<vmem>>
        %dma_wait3A_138 = arith.constant 0 : i32
        %dma_wait3A_139 = tpu.memref_slice %arg7[%add3A_132, %dma_wait3A_138] : memref<160x125xi32, #tpu.memory_space<vmem>> -> memref<1x125xi32, #tpu.memory_space<vmem>>
        %dma_wait3A_140 = tpu.memref_squeeze %dma_wait3A_139 : memref<1x125xi32, #tpu.memory_space<vmem>> -> memref<125xi32, #tpu.memory_space<vmem>>
        %dma_wait3A_141 = arith.constant 0 : i32
        %dma_wait3A_142 = arith.constant 0 : i32
        %dma_wait3A_143 = tpu.memref_slice %arg3[%dma_wait3A_141, %dma_wait3A_142] : memref<10000x72xf32, #tpu.memory_space<hbm>> -> memref<10000x72xf32, #tpu.memory_space<hbm>>
        tpu.wait_indirect_dma semaphore(%arg11 : memref<!tpu.dma_semaphore, #tpu.memory_space<semaphore_mem>>) src(%dma_wait3A_143 : memref<10000x72xf32, #tpu.memory_space<hbm>>) dst(%dma_wait3A_137 : memref<125x72xf32, #tpu.memory_space<vmem>>)
        %dma_start3A_144 = arith.constant 1 : i32
        %dma_start3A_145 = arith.constant 0 : i32
        %dma_start3A_146 = arith.constant 0 : i32
        %dma_start3A_147 = tpu.memref_slice %arg9[%dma_start3A_144, %dma_start3A_145, %dma_start3A_146] : memref<4x125x72xf32, #tpu.memory_space<vmem>> -> memref<1x125x72xf32, #tpu.memory_space<vmem>>
        %dma_start3A_148 = tpu.memref_squeeze %dma_start3A_147 : memref<1x125x72xf32, #tpu.memory_space<vmem>> -> memref<125x72xf32, #tpu.memory_space<vmem>>
        %dma_start3A_149 = arith.constant 0 : i32
        %dma_start3A_150 = tpu.memref_slice %arg8[%add3A_132, %dma_start3A_149] : memref<160x125xi32, #tpu.memory_space<vmem>> -> memref<1x125xi32, #tpu.memory_space<vmem>>
        %dma_start3A_151 = tpu.memref_squeeze %dma_start3A_150 : memref<1x125xi32, #tpu.memory_space<vmem>> -> memref<125xi32, #tpu.memory_space<vmem>>
        %dma_start3A_152 = arith.constant 0 : i32
        %dma_start3A_153 = arith.constant 0 : i32
        %dma_start3A_154 = tpu.memref_slice %arg10[%dma_start3A_152, %dma_start3A_153] : memref<10000x72xf32, #tpu.memory_space<vmem_shared>> -> memref<10000x72xf32, #tpu.memory_space<vmem_shared>>
        tpu.enqueue_indirect_dma source(%dma_start3A_148 : memref<125x72xf32, #tpu.memory_space<vmem>>) target(%dma_start3A_154 : memref<10000x72xf32, #tpu.memory_space<vmem_shared>>) offsets(%dma_start3A_151 : memref<125xi32, #tpu.memory_space<vmem>>) semaphore(%arg12 : memref<!tpu.dma_semaphore, #tpu.memory_space<semaphore_mem>>) {add = true}
        %dma_wait3A_155 = arith.constant 1 : i32
        %dma_wait3A_156 = arith.constant 0 : i32
        %dma_wait3A_157 = arith.constant 0 : i32
        %dma_wait3A_158 = tpu.memref_slice %arg9[%dma_wait3A_155, %dma_wait3A_156, %dma_wait3A_157] : memref<4x125x72xf32, #tpu.memory_space<vmem>> -> memref<1x125x72xf32, #tpu.memory_space<vmem>>
        %dma_wait3A_159 = tpu.memref_squeeze %dma_wait3A_158 : memref<1x125x72xf32, #tpu.memory_space<vmem>> -> memref<125x72xf32, #tpu.memory_space<vmem>>
        %dma_wait3A_160 = arith.constant 0 : i32
        %dma_wait3A_161 = tpu.memref_slice %arg8[%add3A_132, %dma_wait3A_160] : memref<160x125xi32, #tpu.memory_space<vmem>> -> memref<1x125xi32, #tpu.memory_space<vmem>>
        %dma_wait3A_162 = tpu.memref_squeeze %dma_wait3A_161 : memref<1x125xi32, #tpu.memory_space<vmem>> -> memref<125xi32, #tpu.memory_space<vmem>>
        %dma_wait3A_163 = arith.constant 0 : i32
        %dma_wait3A_164 = arith.constant 0 : i32
        %dma_wait3A_165 = tpu.memref_slice %arg10[%dma_wait3A_163, %dma_wait3A_164] : memref<10000x72xf32, #tpu.memory_space<vmem_shared>> -> memref<10000x72xf32, #tpu.memory_space<vmem_shared>>
        tpu.wait_indirect_dma semaphore(%arg12 : memref<!tpu.dma_semaphore, #tpu.memory_space<semaphore_mem>>) src(%dma_wait3A_159 : memref<125x72xf32, #tpu.memory_space<vmem>>) dst(%dma_wait3A_165 : memref<10000x72xf32, #tpu.memory_space<vmem_shared>>)
        %lt3A_166 = arith.constant 156 : i32
        %lt3A_167 = arith.cmpi slt, %add3A_132, %lt3A_166 : i32
        %convert_element_type3A_168 = arith.extui %lt3A_167 : i1 to i32
        %cond3A_169 = arith.constant 0 : i32
        %cond3A_170 = arith.cmpi ne, %convert_element_type3A_168, %cond3A_169 : i32
        scf.if %cond3A_170 {
          %add3A_255 = arith.constant 4 : i32
          %add3A_256 = arith.addi %add3A_132, %add3A_255 : i32
          %dma_start3A_257 = arith.constant 1 : i32
          %dma_start3A_258 = arith.constant 0 : i32
          %dma_start3A_259 = arith.constant 0 : i32
          %dma_start3A_260 = tpu.memref_slice %arg9[%dma_start3A_257, %dma_start3A_258, %dma_start3A_259] : memref<4x125x72xf32, #tpu.memory_space<vmem>> -> memref<1x125x72xf32, #tpu.memory_space<vmem>>
          %dma_start3A_261 = tpu.memref_squeeze %dma_start3A_260 : memref<1x125x72xf32, #tpu.memory_space<vmem>> -> memref<125x72xf32, #tpu.memory_space<vmem>>
          %dma_start3A_262 = arith.constant 0 : i32
          %dma_start3A_263 = tpu.memref_slice %arg7[%add3A_256, %dma_start3A_262] : memref<160x125xi32, #tpu.memory_space<vmem>> -> memref<1x125xi32, #tpu.memory_space<vmem>>
          %dma_start3A_264 = tpu.memref_squeeze %dma_start3A_263 : memref<1x125xi32, #tpu.memory_space<vmem>> -> memref<125xi32, #tpu.memory_space<vmem>>
          %dma_start3A_265 = arith.constant 0 : i32
          %dma_start3A_266 = arith.constant 0 : i32
          %dma_start3A_267 = tpu.memref_slice %arg3[%dma_start3A_265, %dma_start3A_266] : memref<10000x72xf32, #tpu.memory_space<hbm>> -> memref<10000x72xf32, #tpu.memory_space<hbm>>
          tpu.enqueue_indirect_dma source(%dma_start3A_267 : memref<10000x72xf32, #tpu.memory_space<hbm>>) target(%dma_start3A_261 : memref<125x72xf32, #tpu.memory_space<vmem>>) offsets(%dma_start3A_264 : memref<125xi32, #tpu.memory_space<vmem>>) semaphore(%arg11 : memref<!tpu.dma_semaphore, #tpu.memory_space<semaphore_mem>>)
        } else {
        }
        %mul3A_171 = arith.constant 4 : i32
        %mul3A_172 = arith.muli %scan3A_89, %mul3A_171 : i32
        %add3A_173 = arith.constant 2 : i32
        %add3A_174 = arith.addi %mul3A_172, %add3A_173 : i32
        %dma_wait3A_175 = arith.constant 2 : i32
        %dma_wait3A_176 = arith.constant 0 : i32
        %dma_wait3A_177 = arith.constant 0 : i32
        %dma_wait3A_178 = tpu.memref_slice %arg9[%dma_wait3A_175, %dma_wait3A_176, %dma_wait3A_177] : memref<4x125x72xf32, #tpu.memory_space<vmem>> -> memref<1x125x72xf32, #tpu.memory_space<vmem>>
        %dma_wait3A_179 = tpu.memref_squeeze %dma_wait3A_178 : memref<1x125x72xf32, #tpu.memory_space<vmem>> -> memref<125x72xf32, #tpu.memory_space<vmem>>
        %dma_wait3A_180 = arith.constant 0 : i32
        %dma_wait3A_181 = tpu.memref_slice %arg7[%add3A_174, %dma_wait3A_180] : memref<160x125xi32, #tpu.memory_space<vmem>> -> memref<1x125xi32, #tpu.memory_space<vmem>>
        %dma_wait3A_182 = tpu.memref_squeeze %dma_wait3A_181 : memref<1x125xi32, #tpu.memory_space<vmem>> -> memref<125xi32, #tpu.memory_space<vmem>>
        %dma_wait3A_183 = arith.constant 0 : i32
        %dma_wait3A_184 = arith.constant 0 : i32
        %dma_wait3A_185 = tpu.memref_slice %arg3[%dma_wait3A_183, %dma_wait3A_184] : memref<10000x72xf32, #tpu.memory_space<hbm>> -> memref<10000x72xf32, #tpu.memory_space<hbm>>
        tpu.wait_indirect_dma semaphore(%arg11 : memref<!tpu.dma_semaphore, #tpu.memory_space<semaphore_mem>>) src(%dma_wait3A_185 : memref<10000x72xf32, #tpu.memory_space<hbm>>) dst(%dma_wait3A_179 : memref<125x72xf32, #tpu.memory_space<vmem>>)
        %dma_start3A_186 = arith.constant 2 : i32
        %dma_start3A_187 = arith.constant 0 : i32
        %dma_start3A_188 = arith.constant 0 : i32
        %dma_start3A_189 = tpu.memref_slice %arg9[%dma_start3A_186, %dma_start3A_187, %dma_start3A_188] : memref<4x125x72xf32, #tpu.memory_space<vmem>> -> memref<1x125x72xf32, #tpu.memory_space<vmem>>
        %dma_start3A_190 = tpu.memref_squeeze %dma_start3A_189 : memref<1x125x72xf32, #tpu.memory_space<vmem>> -> memref<125x72xf32, #tpu.memory_space<vmem>>
        %dma_start3A_191 = arith.constant 0 : i32
        %dma_start3A_192 = tpu.memref_slice %arg8[%add3A_174, %dma_start3A_191] : memref<160x125xi32, #tpu.memory_space<vmem>> -> memref<1x125xi32, #tpu.memory_space<vmem>>
        %dma_start3A_193 = tpu.memref_squeeze %dma_start3A_192 : memref<1x125xi32, #tpu.memory_space<vmem>> -> memref<125xi32, #tpu.memory_space<vmem>>
        %dma_start3A_194 = arith.constant 0 : i32
        %dma_start3A_195 = arith.constant 0 : i32
        %dma_start3A_196 = tpu.memref_slice %arg10[%dma_start3A_194, %dma_start3A_195] : memref<10000x72xf32, #tpu.memory_space<vmem_shared>> -> memref<10000x72xf32, #tpu.memory_space<vmem_shared>>
        tpu.enqueue_indirect_dma source(%dma_start3A_190 : memref<125x72xf32, #tpu.memory_space<vmem>>) target(%dma_start3A_196 : memref<10000x72xf32, #tpu.memory_space<vmem_shared>>) offsets(%dma_start3A_193 : memref<125xi32, #tpu.memory_space<vmem>>) semaphore(%arg12 : memref<!tpu.dma_semaphore, #tpu.memory_space<semaphore_mem>>) {add = true}
        %dma_wait3A_197 = arith.constant 2 : i32
        %dma_wait3A_198 = arith.constant 0 : i32
        %dma_wait3A_199 = arith.constant 0 : i32
        %dma_wait3A_200 = tpu.memref_slice %arg9[%dma_wait3A_197, %dma_wait3A_198, %dma_wait3A_199] : memref<4x125x72xf32, #tpu.memory_space<vmem>> -> memref<1x125x72xf32, #tpu.memory_space<vmem>>
        %dma_wait3A_201 = tpu.memref_squeeze %dma_wait3A_200 : memref<1x125x72xf32, #tpu.memory_space<vmem>> -> memref<125x72xf32, #tpu.memory_space<vmem>>
        %dma_wait3A_202 = arith.constant 0 : i32
        %dma_wait3A_203 = tpu.memref_slice %arg8[%add3A_174, %dma_wait3A_202] : memref<160x125xi32, #tpu.memory_space<vmem>> -> memref<1x125xi32, #tpu.memory_space<vmem>>
        %dma_wait3A_204 = tpu.memref_squeeze %dma_wait3A_203 : memref<1x125xi32, #tpu.memory_space<vmem>> -> memref<125xi32, #tpu.memory_space<vmem>>
        %dma_wait3A_205 = arith.constant 0 : i32
        %dma_wait3A_206 = arith.constant 0 : i32
        %dma_wait3A_207 = tpu.memref_slice %arg10[%dma_wait3A_205, %dma_wait3A_206] : memref<10000x72xf32, #tpu.memory_space<vmem_shared>> -> memref<10000x72xf32, #tpu.memory_space<vmem_shared>>
        tpu.wait_indirect_dma semaphore(%arg12 : memref<!tpu.dma_semaphore, #tpu.memory_space<semaphore_mem>>) src(%dma_wait3A_201 : memref<125x72xf32, #tpu.memory_space<vmem>>) dst(%dma_wait3A_207 : memref<10000x72xf32, #tpu.memory_space<vmem_shared>>)
        %lt3A_208 = arith.constant 156 : i32
        %lt3A_209 = arith.cmpi slt, %add3A_174, %lt3A_208 : i32
        %convert_element_type3A_210 = arith.extui %lt3A_209 : i1 to i32
        %cond3A_211 = arith.constant 0 : i32
        %cond3A_212 = arith.cmpi ne, %convert_element_type3A_210, %cond3A_211 : i32
        scf.if %cond3A_212 {
          %add3A_255 = arith.constant 4 : i32
          %add3A_256 = arith.addi %add3A_174, %add3A_255 : i32
          %dma_start3A_257 = arith.constant 2 : i32
          %dma_start3A_258 = arith.constant 0 : i32
          %dma_start3A_259 = arith.constant 0 : i32
          %dma_start3A_260 = tpu.memref_slice %arg9[%dma_start3A_257, %dma_start3A_258, %dma_start3A_259] : memref<4x125x72xf32, #tpu.memory_space<vmem>> -> memref<1x125x72xf32, #tpu.memory_space<vmem>>
          %dma_start3A_261 = tpu.memref_squeeze %dma_start3A_260 : memref<1x125x72xf32, #tpu.memory_space<vmem>> -> memref<125x72xf32, #tpu.memory_space<vmem>>
          %dma_start3A_262 = arith.constant 0 : i32
          %dma_start3A_263 = tpu.memref_slice %arg7[%add3A_256, %dma_start3A_262] : memref<160x125xi32, #tpu.memory_space<vmem>> -> memref<1x125xi32, #tpu.memory_space<vmem>>
          %dma_start3A_264 = tpu.memref_squeeze %dma_start3A_263 : memref<1x125xi32, #tpu.memory_space<vmem>> -> memref<125xi32, #tpu.memory_space<vmem>>
          %dma_start3A_265 = arith.constant 0 : i32
          %dma_start3A_266 = arith.constant 0 : i32
          %dma_start3A_267 = tpu.memref_slice %arg3[%dma_start3A_265, %dma_start3A_266] : memref<10000x72xf32, #tpu.memory_space<hbm>> -> memref<10000x72xf32, #tpu.memory_space<hbm>>
          tpu.enqueue_indirect_dma source(%dma_start3A_267 : memref<10000x72xf32, #tpu.memory_space<hbm>>) target(%dma_start3A_261 : memref<125x72xf32, #tpu.memory_space<vmem>>) offsets(%dma_start3A_264 : memref<125xi32, #tpu.memory_space<vmem>>) semaphore(%arg11 : memref<!tpu.dma_semaphore, #tpu.memory_space<semaphore_mem>>)
        } else {
        }
        %mul3A_213 = arith.constant 4 : i32
        %mul3A_214 = arith.muli %scan3A_89, %mul3A_213 : i32
        %add3A_215 = arith.constant 3 : i32
        %add3A_216 = arith.addi %mul3A_214, %add3A_215 : i32
        %dma_wait3A_217 = arith.constant 3 : i32
        %dma_wait3A_218 = arith.constant 0 : i32
        %dma_wait3A_219 = arith.constant 0 : i32
        %dma_wait3A_220 = tpu.memref_slice %arg9[%dma_wait3A_217, %dma_wait3A_218, %dma_wait3A_219] : memref<4x125x72xf32, #tpu.memory_space<vmem>> -> memref<1x125x72xf32, #tpu.memory_space<vmem>>
        %dma_wait3A_221 = tpu.memref_squeeze %dma_wait3A_220 : memref<1x125x72xf32, #tpu.memory_space<vmem>> -> memref<125x72xf32, #tpu.memory_space<vmem>>
        %dma_wait3A_222 = arith.constant 0 : i32
        %dma_wait3A_223 = tpu.memref_slice %arg7[%add3A_216, %dma_wait3A_222] : memref<160x125xi32, #tpu.memory_space<vmem>> -> memref<1x125xi32, #tpu.memory_space<vmem>>
        %dma_wait3A_224 = tpu.memref_squeeze %dma_wait3A_223 : memref<1x125xi32, #tpu.memory_space<vmem>> -> memref<125xi32, #tpu.memory_space<vmem>>
        %dma_wait3A_225 = arith.constant 0 : i32
        %dma_wait3A_226 = arith.constant 0 : i32
        %dma_wait3A_227 = tpu.memref_slice %arg3[%dma_wait3A_225, %dma_wait3A_226] : memref<10000x72xf32, #tpu.memory_space<hbm>> -> memref<10000x72xf32, #tpu.memory_space<hbm>>
        tpu.wait_indirect_dma semaphore(%arg11 : memref<!tpu.dma_semaphore, #tpu.memory_space<semaphore_mem>>) src(%dma_wait3A_227 : memref<10000x72xf32, #tpu.memory_space<hbm>>) dst(%dma_wait3A_221 : memref<125x72xf32, #tpu.memory_space<vmem>>)
        %dma_start3A_228 = arith.constant 3 : i32
        %dma_start3A_229 = arith.constant 0 : i32
        %dma_start3A_230 = arith.constant 0 : i32
        %dma_start3A_231 = tpu.memref_slice %arg9[%dma_start3A_228, %dma_start3A_229, %dma_start3A_230] : memref<4x125x72xf32, #tpu.memory_space<vmem>> -> memref<1x125x72xf32, #tpu.memory_space<vmem>>
        %dma_start3A_232 = tpu.memref_squeeze %dma_start3A_231 : memref<1x125x72xf32, #tpu.memory_space<vmem>> -> memref<125x72xf32, #tpu.memory_space<vmem>>
        %dma_start3A_233 = arith.constant 0 : i32
        %dma_start3A_234 = tpu.memref_slice %arg8[%add3A_216, %dma_start3A_233] : memref<160x125xi32, #tpu.memory_space<vmem>> -> memref<1x125xi32, #tpu.memory_space<vmem>>
        %dma_start3A_235 = tpu.memref_squeeze %dma_start3A_234 : memref<1x125xi32, #tpu.memory_space<vmem>> -> memref<125xi32, #tpu.memory_space<vmem>>
        %dma_start3A_236 = arith.constant 0 : i32
        %dma_start3A_237 = arith.constant 0 : i32
        %dma_start3A_238 = tpu.memref_slice %arg10[%dma_start3A_236, %dma_start3A_237] : memref<10000x72xf32, #tpu.memory_space<vmem_shared>> -> memref<10000x72xf32, #tpu.memory_space<vmem_shared>>
        tpu.enqueue_indirect_dma source(%dma_start3A_232 : memref<125x72xf32, #tpu.memory_space<vmem>>) target(%dma_start3A_238 : memref<10000x72xf32, #tpu.memory_space<vmem_shared>>) offsets(%dma_start3A_235 : memref<125xi32, #tpu.memory_space<vmem>>) semaphore(%arg12 : memref<!tpu.dma_semaphore, #tpu.memory_space<semaphore_mem>>) {add = true}
        %dma_wait3A_239 = arith.constant 3 : i32
        %dma_wait3A_240 = arith.constant 0 : i32
        %dma_wait3A_241 = arith.constant 0 : i32
        %dma_wait3A_242 = tpu.memref_slice %arg9[%dma_wait3A_239, %dma_wait3A_240, %dma_wait3A_241] : memref<4x125x72xf32, #tpu.memory_space<vmem>> -> memref<1x125x72xf32, #tpu.memory_space<vmem>>
        %dma_wait3A_243 = tpu.memref_squeeze %dma_wait3A_242 : memref<1x125x72xf32, #tpu.memory_space<vmem>> -> memref<125x72xf32, #tpu.memory_space<vmem>>
        %dma_wait3A_244 = arith.constant 0 : i32
        %dma_wait3A_245 = tpu.memref_slice %arg8[%add3A_216, %dma_wait3A_244] : memref<160x125xi32, #tpu.memory_space<vmem>> -> memref<1x125xi32, #tpu.memory_space<vmem>>
        %dma_wait3A_246 = tpu.memref_squeeze %dma_wait3A_245 : memref<1x125xi32, #tpu.memory_space<vmem>> -> memref<125xi32, #tpu.memory_space<vmem>>
        %dma_wait3A_247 = arith.constant 0 : i32
        %dma_wait3A_248 = arith.constant 0 : i32
        %dma_wait3A_249 = tpu.memref_slice %arg10[%dma_wait3A_247, %dma_wait3A_248] : memref<10000x72xf32, #tpu.memory_space<vmem_shared>> -> memref<10000x72xf32, #tpu.memory_space<vmem_shared>>
        tpu.wait_indirect_dma semaphore(%arg12 : memref<!tpu.dma_semaphore, #tpu.memory_space<semaphore_mem>>) src(%dma_wait3A_243 : memref<125x72xf32, #tpu.memory_space<vmem>>) dst(%dma_wait3A_249 : memref<10000x72xf32, #tpu.memory_space<vmem_shared>>)
        %lt3A_250 = arith.constant 156 : i32
        %lt3A_251 = arith.cmpi slt, %add3A_216, %lt3A_250 : i32
        %convert_element_type3A_252 = arith.extui %lt3A_251 : i1 to i32
        %cond3A_253 = arith.constant 0 : i32
        %cond3A_254 = arith.cmpi ne, %convert_element_type3A_252, %cond3A_253 : i32
        scf.if %cond3A_254 {
          %add3A_255 = arith.constant 4 : i32
          %add3A_256 = arith.addi %add3A_216, %add3A_255 : i32
          %dma_start3A_257 = arith.constant 3 : i32
          %dma_start3A_258 = arith.constant 0 : i32
          %dma_start3A_259 = arith.constant 0 : i32
          %dma_start3A_260 = tpu.memref_slice %arg9[%dma_start3A_257, %dma_start3A_258, %dma_start3A_259] : memref<4x125x72xf32, #tpu.memory_space<vmem>> -> memref<1x125x72xf32, #tpu.memory_space<vmem>>
          %dma_start3A_261 = tpu.memref_squeeze %dma_start3A_260 : memref<1x125x72xf32, #tpu.memory_space<vmem>> -> memref<125x72xf32, #tpu.memory_space<vmem>>
          %dma_start3A_262 = arith.constant 0 : i32
          %dma_start3A_263 = tpu.memref_slice %arg7[%add3A_256, %dma_start3A_262] : memref<160x125xi32, #tpu.memory_space<vmem>> -> memref<1x125xi32, #tpu.memory_space<vmem>>
          %dma_start3A_264 = tpu.memref_squeeze %dma_start3A_263 : memref<1x125xi32, #tpu.memory_space<vmem>> -> memref<125xi32, #tpu.memory_space<vmem>>
          %dma_start3A_265 = arith.constant 0 : i32
          %dma_start3A_266 = arith.constant 0 : i32
          %dma_start3A_267 = tpu.memref_slice %arg3[%dma_start3A_265, %dma_start3A_266] : memref<10000x72xf32, #tpu.memory_space<hbm>> -> memref<10000x72xf32, #tpu.memory_space<hbm>>
          tpu.enqueue_indirect_dma source(%dma_start3A_267 : memref<10000x72xf32, #tpu.memory_space<hbm>>) target(%dma_start3A_261 : memref<125x72xf32, #tpu.memory_space<vmem>>) offsets(%dma_start3A_264 : memref<125xi32, #tpu.memory_space<vmem>>) semaphore(%arg11 : memref<!tpu.dma_semaphore, #tpu.memory_space<semaphore_mem>>)
        } else {
        }
      }
      %scan3A_77 = arith.constant 40 : i32
      %barrier3A_78 = arith.constant 0 : index
      tpu.barrier barrier_id(%barrier3A_78)
      %lt3A_79 = arith.constant 15 : i32
      %lt3A_80 = arith.cmpi slt, %arg1, %lt3A_79 : i32
      %convert_element_type3A_81 = arith.extui %lt3A_80 : i1 to i32
      %cond3A_82 = arith.constant 0 : i32
      %cond3A_83 = arith.cmpi ne, %convert_element_type3A_81, %cond3A_82 : i32
      scf.if %cond3A_83 {
        %mul3A = arith.constant 640 : i32
        %mul3A_89 = arith.muli %arg1, %mul3A : i32
        %mul3A_90 = arith.constant 640 : i32
        %mul3A_91 = arith.muli %arg1, %mul3A_90 : i32
        %run_scoped3A = arith.constant 1 : i32
        "tpu.region"() ({
          %run_scoped3A_92 = tpu.sem_alloc : memref<!tpu.dma_semaphore, #tpu.memory_space<semaphore_mem>>
          %dma_start3A_93 = arith.constant 0 : i32
          %dma_start3A_94 = tpu.memref_slice %arg6[%run_scoped3A, %mul3A_91, %dma_start3A_93] : memref<2x10000x72xf32, #tpu.memory_space<hbm>> -> memref<1x640x72xf32, #tpu.memory_space<hbm>>
          %dma_start3A_95 = tpu.memref_squeeze %dma_start3A_94 : memref<1x640x72xf32, #tpu.memory_space<hbm>> -> memref<640x72xf32, #tpu.memory_space<hbm>>
          %dma_start3A_96 = arith.constant 0 : i32
          %dma_start3A_97 = tpu.memref_slice %arg10[%mul3A_89, %dma_start3A_96] : memref<10000x72xf32, #tpu.memory_space<vmem_shared>> -> memref<640x72xf32, #tpu.memory_space<vmem_shared>>
          tpu.enqueue_dma source(%dma_start3A_97 : memref<640x72xf32, #tpu.memory_space<vmem_shared>>) target(%dma_start3A_95 : memref<640x72xf32, #tpu.memory_space<hbm>>) target_semaphore(%run_scoped3A_92 : memref<!tpu.dma_semaphore, #tpu.memory_space<semaphore_mem>>)
          %dma_wait3A = arith.constant 0 : i32
          %dma_wait3A_98 = tpu.memref_slice %arg6[%run_scoped3A, %mul3A_91, %dma_wait3A] : memref<2x10000x72xf32, #tpu.memory_space<hbm>> -> memref<1x640x72xf32, #tpu.memory_space<hbm>>
          %dma_wait3A_99 = tpu.memref_squeeze %dma_wait3A_98 : memref<1x640x72xf32, #tpu.memory_space<hbm>> -> memref<640x72xf32, #tpu.memory_space<hbm>>
          %dma_wait3A_100 = arith.constant 0 : i32
          %dma_wait3A_101 = tpu.memref_slice %arg10[%mul3A_89, %dma_wait3A_100] : memref<10000x72xf32, #tpu.memory_space<vmem_shared>> -> memref<640x72xf32, #tpu.memory_space<vmem_shared>>
          tpu.wait_dma2 semaphore(%run_scoped3A_92 : memref<!tpu.dma_semaphore, #tpu.memory_space<semaphore_mem>>) src(%dma_wait3A_101 : memref<640x72xf32, #tpu.memory_space<vmem_shared>>) dst(%dma_wait3A_99 : memref<640x72xf32, #tpu.memory_space<hbm>>)
          tpu.yield
        }) : () -> ()
      } else {
      }
      %eq3A_84 = arith.constant 15 : i32
      %eq3A_85 = arith.cmpi eq, %arg1, %eq3A_84 : i32
      %convert_element_type3A_86 = arith.extui %eq3A_85 : i1 to i32
      %cond3A_87 = arith.constant 0 : i32
      %cond3A_88 = arith.cmpi ne, %convert_element_type3A_86, %cond3A_87 : i32
      scf.if %cond3A_88 {
        %run_scoped3A = arith.constant 1 : i32
        "tpu.region"() ({
          %run_scoped3A_89 = tpu.sem_alloc : memref<!tpu.dma_semaphore, #tpu.memory_space<semaphore_mem>>
          %dma_start3A_90 = arith.constant 9600 : i32
          %dma_start3A_91 = arith.constant 0 : i32
          %dma_start3A_92 = tpu.memref_slice %arg6[%run_scoped3A, %dma_start3A_90, %dma_start3A_91] : memref<2x10000x72xf32, #tpu.memory_space<hbm>> -> memref<1x400x72xf32, #tpu.memory_space<hbm>>
          %dma_start3A_93 = tpu.memref_squeeze %dma_start3A_92 : memref<1x400x72xf32, #tpu.memory_space<hbm>> -> memref<400x72xf32, #tpu.memory_space<hbm>>
          %dma_start3A_94 = arith.constant 9600 : i32
          %dma_start3A_95 = arith.constant 0 : i32
          %dma_start3A_96 = tpu.memref_slice %arg10[%dma_start3A_94, %dma_start3A_95] : memref<10000x72xf32, #tpu.memory_space<vmem_shared>> -> memref<400x72xf32, #tpu.memory_space<vmem_shared>>
          tpu.enqueue_dma source(%dma_start3A_96 : memref<400x72xf32, #tpu.memory_space<vmem_shared>>) target(%dma_start3A_93 : memref<400x72xf32, #tpu.memory_space<hbm>>) target_semaphore(%run_scoped3A_89 : memref<!tpu.dma_semaphore, #tpu.memory_space<semaphore_mem>>)
          %dma_wait3A = arith.constant 9600 : i32
          %dma_wait3A_97 = arith.constant 0 : i32
          %dma_wait3A_98 = tpu.memref_slice %arg6[%run_scoped3A, %dma_wait3A, %dma_wait3A_97] : memref<2x10000x72xf32, #tpu.memory_space<hbm>> -> memref<1x400x72xf32, #tpu.memory_space<hbm>>
          %dma_wait3A_99 = tpu.memref_squeeze %dma_wait3A_98 : memref<1x400x72xf32, #tpu.memory_space<hbm>> -> memref<400x72xf32, #tpu.memory_space<hbm>>
          %dma_wait3A_100 = arith.constant 9600 : i32
          %dma_wait3A_101 = arith.constant 0 : i32
          %dma_wait3A_102 = tpu.memref_slice %arg10[%dma_wait3A_100, %dma_wait3A_101] : memref<10000x72xf32, #tpu.memory_space<vmem_shared>> -> memref<400x72xf32, #tpu.memory_space<vmem_shared>>
          tpu.wait_dma2 semaphore(%run_scoped3A_89 : memref<!tpu.dma_semaphore, #tpu.memory_space<semaphore_mem>>) src(%dma_wait3A_102 : memref<400x72xf32, #tpu.memory_space<vmem_shared>>) dst(%dma_wait3A_99 : memref<400x72xf32, #tpu.memory_space<hbm>>)
          tpu.yield
        }) : () -> ()
      } else {
      }
    } else {
    }
    return
  }
}

module attributes {stable_mosaic.version = 14 : i64} {
  func.func @_tc_body0(%arg0: i32, %arg1: memref<2000x128xf32, #tpu.memory_space<vmem>>, %arg2: memref<1x2000x72xf32, #tpu.memory_space<vmem>>, %arg3: memref<1x2000x72xf32, #tpu.memory_space<vmem>>, %arg4: memref<1x128x128xf32, #tpu.memory_space<vmem>>, %arg5: memref<1x192x128xf32, #tpu.memory_space<vmem>>, %arg6: memref<1x192x64xf32, #tpu.memory_space<vmem>>, %arg7: memref<2x128xf32, #tpu.memory_space<vmem>>, %arg8: memref<2x192xf32, #tpu.memory_space<vmem>>, %arg9: memref<2x192xf32, #tpu.memory_space<vmem>>, %arg10: memref<1x128x128xf32, #tpu.memory_space<vmem>>, %arg11: memref<1x192x128xf32, #tpu.memory_space<vmem>>, %arg12: memref<1x192x64xf32, #tpu.memory_space<vmem>>, %arg13: memref<2x128xf32, #tpu.memory_space<vmem>>, %arg14: memref<2x192xf32, #tpu.memory_space<vmem>>, %arg15: memref<2x192xf32, #tpu.memory_space<vmem>>, %arg16: memref<2000x128xf32, #tpu.memory_space<vmem>>, %arg17: memref<2000x128xf32, #tpu.memory_space<vmem>>, %arg18: memref<2000x64xf32, #tpu.memory_space<vmem>>, %arg19: memref<2000x64xf32, #tpu.memory_space<vmem>>) attributes {dimension_semantics = [#tpu.dimension_semantics<arbitrary>], iteration_bounds = array<i64: 5>, scalar_prefetch = 0 : i64, scratch_operands = 0 : i64, tpu.core_type = #tpu.core_type<tc>, window_params = [{transform_indices = @transform_0, window_bounds = array<i64: 2000, 128>}, {transform_indices = @transform_1, window_bounds = array<i64: 1, 2000, 72>}, {transform_indices = @transform_2, window_bounds = array<i64: 1, 2000, 72>}, {transform_indices = @transform_3, window_bounds = array<i64: 1, 128, 128>}, {transform_indices = @transform_4, window_bounds = array<i64: 1, 192, 128>}, {transform_indices = @transform_5, window_bounds = array<i64: 1, 192, 64>}, {pipeline_mode = #tpu.pipeline_mode<synchronous>, transform_indices = @transform_6, window_bounds = array<i64: 2, 128>}, {pipeline_mode = #tpu.pipeline_mode<synchronous>, transform_indices = @transform_7, window_bounds = array<i64: 2, 192>}, {pipeline_mode = #tpu.pipeline_mode<synchronous>, transform_indices = @transform_8, window_bounds = array<i64: 2, 192>}, {transform_indices = @transform_9, window_bounds = array<i64: 1, 128, 128>}, {transform_indices = @transform_10, window_bounds = array<i64: 1, 192, 128>}, {transform_indices = @transform_11, window_bounds = array<i64: 1, 192, 64>}, {pipeline_mode = #tpu.pipeline_mode<synchronous>, transform_indices = @transform_12, window_bounds = array<i64: 2, 128>}, {pipeline_mode = #tpu.pipeline_mode<synchronous>, transform_indices = @transform_13, window_bounds = array<i64: 2, 192>}, {pipeline_mode = #tpu.pipeline_mode<synchronous>, transform_indices = @transform_14, window_bounds = array<i64: 2, 192>}, {transform_indices = @transform_15, window_bounds = array<i64: 2000, 128>}, {transform_indices = @transform_16, window_bounds = array<i64: 2000, 128>}, {transform_indices = @transform_17, window_bounds = array<i64: 2000, 64>}, {transform_indices = @transform_18, window_bounds = array<i64: 2000, 64>}]} {
    %get3A = arith.constant 0 : index
    %get3A_0 = arith.constant 0 : index
    %get3A_1 = vector.load %arg1[%get3A, %get3A_0] : memref<2000x128xf32, #tpu.memory_space<vmem>>, vector<2000x128xf32>
    %broadcast_in_dim3A = arith.constant 0.000000e+00 : f32
    %broadcast_in_dim3A_2 = vector.broadcast %broadcast_in_dim3A : f32 to vector<2000x63xf32>
    %get3A_3 = arith.constant 0 : index
    %get3A_4 = arith.constant 0 : index
    %get3A_5 = arith.constant 0 : index
    %get3A_6 = vector.load %arg2[%get3A_3, %get3A_4, %get3A_5] : memref<1x2000x72xf32, #tpu.memory_space<vmem>>, vector<1x2000x72xf32>
    %reshape3A = vector.shape_cast %get3A_6 : vector<1x2000x72xf32> to vector<2000x72xf32>
    %slice3A = vector.extract_strided_slice %get3A_1 {offsets = [0, 0], sizes = [2000, 64], strides = [1, 1]} : vector<2000x128xf32> to vector<2000x64xf32>
    %slice3A_7 = vector.extract_strided_slice %reshape3A {offsets = [0, 0], sizes = [2000, 64], strides = [1, 1]} : vector<2000x72xf32> to vector<2000x64xf32>
    %slice3A_8 = vector.extract_strided_slice %reshape3A {offsets = [0, 64], sizes = [2000, 1], strides = [1, 1]} : vector<2000x72xf32> to vector<2000x1xf32>
    %get3A_9 = arith.constant 0 : index
    %get3A_10 = arith.constant 0 : index
    %get3A_11 = arith.constant 0 : index
    %get3A_12 = vector.load %arg4[%get3A_9, %get3A_10, %get3A_11] : memref<1x128x128xf32, #tpu.memory_space<vmem>>, vector<1x128x128xf32>
    %reshape3A_13 = vector.shape_cast %get3A_12 : vector<1x128x128xf32> to vector<128x128xf32>
    %slice3A_14 = vector.extract_strided_slice %reshape3A_13 {offsets = [0, 0], sizes = [128, 64], strides = [1, 1]} : vector<128x128xf32> to vector<128x64xf32>
    %convert_element_type3A = arith.truncf %slice3A_14 : vector<128x64xf32> to vector<128x64xbf16>
    %convert_element_type3A_15 = arith.extf %convert_element_type3A : vector<128x64xbf16> to vector<128x64xf32>
    %slice3A_16 = vector.extract_strided_slice %reshape3A_13 {offsets = [0, 64], sizes = [128, 64], strides = [1, 1]} : vector<128x128xf32> to vector<128x64xf32>
    %convert_element_type3A_17 = arith.truncf %slice3A_16 : vector<128x64xf32> to vector<128x64xbf16>
    %convert_element_type3A_18 = arith.truncf %slice3A : vector<2000x64xf32> to vector<2000x64xbf16>
    %dot_general3A = arith.constant dense<0.000000e+00> : vector<2000x128xf32>
    %dot_general3A_19 = tpu.matmul %convert_element_type3A_18, %convert_element_type3A_17, %dot_general3A {dimension_numbers = #tpu.dot_dimension_numbers<[1], [1], [0], [0], [0, 0, 1, 0], [], []>, transpose_lhs_hint = false} : vector<2000x64xbf16>, vector<128x64xbf16>, vector<2000x128xf32> -> vector<2000x128xf32>
    %get3A_20 = arith.constant 0 : index
    %get3A_21 = arith.constant 0 : index
    %get3A_22 = vector.load %arg7[%get3A_20, %get3A_21] : memref<2x128xf32, #tpu.memory_space<vmem>>, vector<2x128xf32>
    %slice3A_23 = vector.extract_strided_slice %get3A_22 {offsets = [0, 0], sizes = [1, 128], strides = [1, 1]} : vector<2x128xf32> to vector<1x128xf32>
    %add3A = vector.broadcast %slice3A_23 : vector<1x128xf32> to vector<2000x128xf32>
    %add3A_24 = arith.addf %dot_general3A_19, %add3A : vector<2000x128xf32>
    %dot_general3A_25 = arith.constant dense<0.000000e+00> : vector<2000x128xf32>
    %dot_general3A_26 = tpu.matmul %slice3A_7, %convert_element_type3A_15, %dot_general3A_25 {dimension_numbers = #tpu.dot_dimension_numbers<[1], [1], [0], [0], [0, 0, 1, 0], [], []>, precision = #tpu.contract_precision<fp32>, transpose_lhs_hint = false} : vector<2000x64xf32>, vector<128x64xf32>, vector<2000x128xf32> -> vector<2000x128xf32>
    %mul3A = vector.broadcast %slice3A_8 : vector<2000x1xf32> to vector<2000x128xf32>
    %mul3A_27 = arith.mulf %mul3A, %add3A_24 : vector<2000x128xf32>
    %add3A_28 = arith.addf %dot_general3A_26, %mul3A_27 : vector<2000x128xf32>
    %convert_element_type3A_29 = arith.truncf %add3A_28 : vector<2000x128xf32> to vector<2000x128xbf16>
    %get3A_30 = arith.constant 0 : index
    %get3A_31 = arith.constant 0 : index
    %get3A_32 = arith.constant 0 : index
    %get3A_33 = vector.load %arg5[%get3A_30, %get3A_31, %get3A_32] : memref<1x192x128xf32, #tpu.memory_space<vmem>>, vector<1x192x128xf32>
    %reshape3A_34 = vector.shape_cast %get3A_33 : vector<1x192x128xf32> to vector<192x128xf32>
    %convert_element_type3A_35 = arith.truncf %reshape3A_34 : vector<192x128xf32> to vector<192x128xbf16>
    %dot_general3A_36 = arith.constant dense<0.000000e+00> : vector<2000x192xf32>
    %dot_general3A_37 = tpu.matmul %convert_element_type3A_29, %convert_element_type3A_35, %dot_general3A_36 {dimension_numbers = #tpu.dot_dimension_numbers<[1], [1], [0], [0], [0, 0, 1, 0], [], []>, transpose_lhs_hint = false} : vector<2000x128xbf16>, vector<192x128xbf16>, vector<2000x192xf32> -> vector<2000x192xf32>
    %get3A_38 = arith.constant 0 : index
    %get3A_39 = arith.constant 0 : index
    %get3A_40 = vector.load %arg8[%get3A_38, %get3A_39] : memref<2x192xf32, #tpu.memory_space<vmem>>, vector<2x192xf32>
    %slice3A_41 = vector.extract_strided_slice %get3A_40 {offsets = [0, 0], sizes = [1, 192], strides = [1, 1]} : vector<2x192xf32> to vector<1x192xf32>
    %add3A_42 = vector.broadcast %slice3A_41 : vector<1x192xf32> to vector<2000x192xf32>
    %add3A_43 = arith.addf %dot_general3A_37, %add3A_42 : vector<2000x192xf32>
    %get3A_44 = arith.constant 0 : index
    %get3A_45 = arith.constant 0 : index
    %get3A_46 = arith.constant 0 : index
    %get3A_47 = vector.load %arg6[%get3A_44, %get3A_45, %get3A_46] : memref<1x192x64xf32, #tpu.memory_space<vmem>>, vector<1x192x64xf32>
    %reshape3A_48 = vector.shape_cast %get3A_47 : vector<1x192x64xf32> to vector<192x64xf32>
    %convert_element_type3A_49 = arith.truncf %reshape3A_48 : vector<192x64xf32> to vector<192x64xbf16>
    %dot_general3A_50 = arith.constant dense<0.000000e+00> : vector<2000x192xf32>
    %dot_general3A_51 = tpu.matmul %convert_element_type3A_18, %convert_element_type3A_49, %dot_general3A_50 {dimension_numbers = #tpu.dot_dimension_numbers<[1], [1], [0], [0], [0, 0, 1, 0], [], []>, transpose_lhs_hint = false} : vector<2000x64xbf16>, vector<192x64xbf16>, vector<2000x192xf32> -> vector<2000x192xf32>
    %get3A_52 = arith.constant 0 : index
    %get3A_53 = arith.constant 0 : index
    %get3A_54 = vector.load %arg9[%get3A_52, %get3A_53] : memref<2x192xf32, #tpu.memory_space<vmem>>, vector<2x192xf32>
    %slice3A_55 = vector.extract_strided_slice %get3A_54 {offsets = [0, 0], sizes = [1, 192], strides = [1, 1]} : vector<2x192xf32> to vector<1x192xf32>
    %add3A_56 = vector.broadcast %slice3A_55 : vector<1x192xf32> to vector<2000x192xf32>
    %add3A_57 = arith.addf %dot_general3A_51, %add3A_56 : vector<2000x192xf32>
    %slice3A_58 = vector.extract_strided_slice %add3A_43 {offsets = [0, 0], sizes = [2000, 64], strides = [1, 1]} : vector<2000x192xf32> to vector<2000x64xf32>
    %slice3A_59 = vector.extract_strided_slice %add3A_57 {offsets = [0, 0], sizes = [2000, 64], strides = [1, 1]} : vector<2000x192xf32> to vector<2000x64xf32>
    %add3A_60 = arith.addf %slice3A_58, %slice3A_59 : vector<2000x64xf32>
    %logistic3A = arith.negf %add3A_60 : vector<2000x64xf32>
    %logistic3A_61 = math.exp %logistic3A : vector<2000x64xf32>
    %logistic3A_62 = arith.constant 1.000000e+00 : f32
    %logistic3A_63 = vector.broadcast %logistic3A_62 : f32 to vector<2000x64xf32>
    %logistic3A_64 = arith.addf %logistic3A_63, %logistic3A_61 : vector<2000x64xf32>
    %logistic3A_65 = arith.divf %logistic3A_63, %logistic3A_64 : vector<2000x64xf32>
    %slice3A_66 = vector.extract_strided_slice %add3A_43 {offsets = [0, 64], sizes = [2000, 64], strides = [1, 1]} : vector<2000x192xf32> to vector<2000x64xf32>
    %slice3A_67 = vector.extract_strided_slice %add3A_57 {offsets = [0, 64], sizes = [2000, 64], strides = [1, 1]} : vector<2000x192xf32> to vector<2000x64xf32>
    %add3A_68 = arith.addf %slice3A_66, %slice3A_67 : vector<2000x64xf32>
    %logistic3A_69 = arith.negf %add3A_68 : vector<2000x64xf32>
    %logistic3A_70 = math.exp %logistic3A_69 : vector<2000x64xf32>
    %logistic3A_71 = arith.constant 1.000000e+00 : f32
    %logistic3A_72 = vector.broadcast %logistic3A_71 : f32 to vector<2000x64xf32>
    %logistic3A_73 = arith.addf %logistic3A_72, %logistic3A_70 : vector<2000x64xf32>
    %logistic3A_74 = arith.divf %logistic3A_72, %logistic3A_73 : vector<2000x64xf32>
    %slice3A_75 = vector.extract_strided_slice %add3A_43 {offsets = [0, 128], sizes = [2000, 64], strides = [1, 1]} : vector<2000x192xf32> to vector<2000x64xf32>
    %slice3A_76 = vector.extract_strided_slice %add3A_57 {offsets = [0, 128], sizes = [2000, 64], strides = [1, 1]} : vector<2000x192xf32> to vector<2000x64xf32>
    %mul3A_77 = arith.mulf %logistic3A_65, %slice3A_76 : vector<2000x64xf32>
    %add3A_78 = arith.addf %slice3A_75, %mul3A_77 : vector<2000x64xf32>
    %tanh3A = math.tanh %add3A_78 : vector<2000x64xf32>
    %sub3A = arith.constant 1.000000e+00 : f32
    %sub3A_79 = vector.broadcast %sub3A : f32 to vector<2000x64xf32>
    %sub3A_80 = arith.subf %sub3A_79, %logistic3A_74 : vector<2000x64xf32>
    %mul3A_81 = arith.mulf %sub3A_80, %tanh3A : vector<2000x64xf32>
    %mul3A_82 = arith.mulf %logistic3A_74, %slice3A : vector<2000x64xf32>
    %add3A_83 = arith.addf %mul3A_81, %mul3A_82 : vector<2000x64xf32>
    %slice3A_84 = vector.extract_strided_slice %reshape3A {offsets = [0, 64], sizes = [2000, 1], strides = [1, 1]} : vector<2000x72xf32> to vector<2000x1xf32>
    %concatenate3A = tpu.concatenate %add3A_83, %slice3A_84, %broadcast_in_dim3A_2 in 1 : vector<2000x64xf32>, vector<2000x1xf32>, vector<2000x63xf32> -> vector<2000x128xf32>
    %swap3A = arith.constant 0 : index
    %swap3A_85 = arith.constant 0 : index
    %swap3A_86 = vector.load %arg16[%swap3A, %swap3A_85] : memref<2000x128xf32, #tpu.memory_space<vmem>>, vector<2000x128xf32>
    tpu.vector_store %arg16[%swap3A, %swap3A_85], %concatenate3A {strides = array<i32>} : memref<2000x128xf32, #tpu.memory_space<vmem>>, vector<2000x128xf32>,
    %convert_element_type3A_87 = arith.truncf %add3A_83 : vector<2000x64xf32> to vector<2000x64xbf16>
    %convert_element_type3A_88 = arith.extf %convert_element_type3A_87 : vector<2000x64xbf16> to vector<2000x64xf32>
    %swap3A_89 = arith.constant 0 : index
    %swap3A_90 = arith.constant 0 : index
    %swap3A_91 = vector.load %arg18[%swap3A_89, %swap3A_90] : memref<2000x64xf32, #tpu.memory_space<vmem>>, vector<2000x64xf32>
    tpu.vector_store %arg18[%swap3A_89, %swap3A_90], %convert_element_type3A_88 {strides = array<i32>} : memref<2000x64xf32, #tpu.memory_space<vmem>>, vector<2000x64xf32>,
    %get3A_92 = arith.constant 0 : index
    %get3A_93 = arith.constant 0 : index
    %get3A_94 = arith.constant 0 : index
    %get3A_95 = vector.load %arg3[%get3A_92, %get3A_93, %get3A_94] : memref<1x2000x72xf32, #tpu.memory_space<vmem>>, vector<1x2000x72xf32>
    %reshape3A_96 = vector.shape_cast %get3A_95 : vector<1x2000x72xf32> to vector<2000x72xf32>
    %slice3A_97 = vector.extract_strided_slice %get3A_1 {offsets = [0, 64], sizes = [2000, 64], strides = [1, 1]} : vector<2000x128xf32> to vector<2000x64xf32>
    %slice3A_98 = vector.extract_strided_slice %reshape3A_96 {offsets = [0, 0], sizes = [2000, 64], strides = [1, 1]} : vector<2000x72xf32> to vector<2000x64xf32>
    %slice3A_99 = vector.extract_strided_slice %reshape3A_96 {offsets = [0, 64], sizes = [2000, 1], strides = [1, 1]} : vector<2000x72xf32> to vector<2000x1xf32>
    %get3A_100 = arith.constant 0 : index
    %get3A_101 = arith.constant 0 : index
    %get3A_102 = arith.constant 0 : index
    %get3A_103 = vector.load %arg10[%get3A_100, %get3A_101, %get3A_102] : memref<1x128x128xf32, #tpu.memory_space<vmem>>, vector<1x128x128xf32>
    %reshape3A_104 = vector.shape_cast %get3A_103 : vector<1x128x128xf32> to vector<128x128xf32>
    %slice3A_105 = vector.extract_strided_slice %reshape3A_104 {offsets = [0, 0], sizes = [128, 64], strides = [1, 1]} : vector<128x128xf32> to vector<128x64xf32>
    %convert_element_type3A_106 = arith.truncf %slice3A_105 : vector<128x64xf32> to vector<128x64xbf16>
    %convert_element_type3A_107 = arith.extf %convert_element_type3A_106 : vector<128x64xbf16> to vector<128x64xf32>
    %slice3A_108 = vector.extract_strided_slice %reshape3A_104 {offsets = [0, 64], sizes = [128, 64], strides = [1, 1]} : vector<128x128xf32> to vector<128x64xf32>
    %convert_element_type3A_109 = arith.truncf %slice3A_108 : vector<128x64xf32> to vector<128x64xbf16>
    %convert_element_type3A_110 = arith.truncf %slice3A_97 : vector<2000x64xf32> to vector<2000x64xbf16>
    %dot_general3A_111 = arith.constant dense<0.000000e+00> : vector<2000x128xf32>
    %dot_general3A_112 = tpu.matmul %convert_element_type3A_110, %convert_element_type3A_109, %dot_general3A_111 {dimension_numbers = #tpu.dot_dimension_numbers<[1], [1], [0], [0], [0, 0, 1, 0], [], []>, transpose_lhs_hint = false} : vector<2000x64xbf16>, vector<128x64xbf16>, vector<2000x128xf32> -> vector<2000x128xf32>
    %get3A_113 = arith.constant 0 : index
    %get3A_114 = arith.constant 0 : index
    %get3A_115 = vector.load %arg13[%get3A_113, %get3A_114] : memref<2x128xf32, #tpu.memory_space<vmem>>, vector<2x128xf32>
    %slice3A_116 = vector.extract_strided_slice %get3A_115 {offsets = [0, 0], sizes = [1, 128], strides = [1, 1]} : vector<2x128xf32> to vector<1x128xf32>
    %add3A_117 = vector.broadcast %slice3A_116 : vector<1x128xf32> to vector<2000x128xf32>
    %add3A_118 = arith.addf %dot_general3A_112, %add3A_117 : vector<2000x128xf32>
    %dot_general3A_119 = arith.constant dense<0.000000e+00> : vector<2000x128xf32>
    %dot_general3A_120 = tpu.matmul %slice3A_98, %convert_element_type3A_107, %dot_general3A_119 {dimension_numbers = #tpu.dot_dimension_numbers<[1], [1], [0], [0], [0, 0, 1, 0], [], []>, precision = #tpu.contract_precision<fp32>, transpose_lhs_hint = false} : vector<2000x64xf32>, vector<128x64xf32>, vector<2000x128xf32> -> vector<2000x128xf32>
    %mul3A_121 = vector.broadcast %slice3A_99 : vector<2000x1xf32> to vector<2000x128xf32>
    %mul3A_122 = arith.mulf %mul3A_121, %add3A_118 : vector<2000x128xf32>
    %add3A_123 = arith.addf %dot_general3A_120, %mul3A_122 : vector<2000x128xf32>
    %convert_element_type3A_124 = arith.truncf %add3A_123 : vector<2000x128xf32> to vector<2000x128xbf16>
    %get3A_125 = arith.constant 0 : index
    %get3A_126 = arith.constant 0 : index
    %get3A_127 = arith.constant 0 : index
    %get3A_128 = vector.load %arg11[%get3A_125, %get3A_126, %get3A_127] : memref<1x192x128xf32, #tpu.memory_space<vmem>>, vector<1x192x128xf32>
    %reshape3A_129 = vector.shape_cast %get3A_128 : vector<1x192x128xf32> to vector<192x128xf32>
    %convert_element_type3A_130 = arith.truncf %reshape3A_129 : vector<192x128xf32> to vector<192x128xbf16>
    %dot_general3A_131 = arith.constant dense<0.000000e+00> : vector<2000x192xf32>
    %dot_general3A_132 = tpu.matmul %convert_element_type3A_124, %convert_element_type3A_130, %dot_general3A_131 {dimension_numbers = #tpu.dot_dimension_numbers<[1], [1], [0], [0], [0, 0, 1, 0], [], []>, transpose_lhs_hint = false} : vector<2000x128xbf16>, vector<192x128xbf16>, vector<2000x192xf32> -> vector<2000x192xf32>
    %get3A_133 = arith.constant 0 : index
    %get3A_134 = arith.constant 0 : index
    %get3A_135 = vector.load %arg14[%get3A_133, %get3A_134] : memref<2x192xf32, #tpu.memory_space<vmem>>, vector<2x192xf32>
    %slice3A_136 = vector.extract_strided_slice %get3A_135 {offsets = [0, 0], sizes = [1, 192], strides = [1, 1]} : vector<2x192xf32> to vector<1x192xf32>
    %add3A_137 = vector.broadcast %slice3A_136 : vector<1x192xf32> to vector<2000x192xf32>
    %add3A_138 = arith.addf %dot_general3A_132, %add3A_137 : vector<2000x192xf32>
    %get3A_139 = arith.constant 0 : index
    %get3A_140 = arith.constant 0 : index
    %get3A_141 = arith.constant 0 : index
    %get3A_142 = vector.load %arg12[%get3A_139, %get3A_140, %get3A_141] : memref<1x192x64xf32, #tpu.memory_space<vmem>>, vector<1x192x64xf32>
    %reshape3A_143 = vector.shape_cast %get3A_142 : vector<1x192x64xf32> to vector<192x64xf32>
    %convert_element_type3A_144 = arith.truncf %reshape3A_143 : vector<192x64xf32> to vector<192x64xbf16>
    %dot_general3A_145 = arith.constant dense<0.000000e+00> : vector<2000x192xf32>
    %dot_general3A_146 = tpu.matmul %convert_element_type3A_110, %convert_element_type3A_144, %dot_general3A_145 {dimension_numbers = #tpu.dot_dimension_numbers<[1], [1], [0], [0], [0, 0, 1, 0], [], []>, transpose_lhs_hint = false} : vector<2000x64xbf16>, vector<192x64xbf16>, vector<2000x192xf32> -> vector<2000x192xf32>
    %get3A_147 = arith.constant 0 : index
    %get3A_148 = arith.constant 0 : index
    %get3A_149 = vector.load %arg15[%get3A_147, %get3A_148] : memref<2x192xf32, #tpu.memory_space<vmem>>, vector<2x192xf32>
    %slice3A_150 = vector.extract_strided_slice %get3A_149 {offsets = [0, 0], sizes = [1, 192], strides = [1, 1]} : vector<2x192xf32> to vector<1x192xf32>
    %add3A_151 = vector.broadcast %slice3A_150 : vector<1x192xf32> to vector<2000x192xf32>
    %add3A_152 = arith.addf %dot_general3A_146, %add3A_151 : vector<2000x192xf32>
    %slice3A_153 = vector.extract_strided_slice %add3A_138 {offsets = [0, 0], sizes = [2000, 64], strides = [1, 1]} : vector<2000x192xf32> to vector<2000x64xf32>
    %slice3A_154 = vector.extract_strided_slice %add3A_152 {offsets = [0, 0], sizes = [2000, 64], strides = [1, 1]} : vector<2000x192xf32> to vector<2000x64xf32>
    %add3A_155 = arith.addf %slice3A_153, %slice3A_154 : vector<2000x64xf32>
    %logistic3A_156 = arith.negf %add3A_155 : vector<2000x64xf32>
    %logistic3A_157 = math.exp %logistic3A_156 : vector<2000x64xf32>
    %logistic3A_158 = arith.constant 1.000000e+00 : f32
    %logistic3A_159 = vector.broadcast %logistic3A_158 : f32 to vector<2000x64xf32>
    %logistic3A_160 = arith.addf %logistic3A_159, %logistic3A_157 : vector<2000x64xf32>
    %logistic3A_161 = arith.divf %logistic3A_159, %logistic3A_160 : vector<2000x64xf32>
    %slice3A_162 = vector.extract_strided_slice %add3A_138 {offsets = [0, 64], sizes = [2000, 64], strides = [1, 1]} : vector<2000x192xf32> to vector<2000x64xf32>
    %slice3A_163 = vector.extract_strided_slice %add3A_152 {offsets = [0, 64], sizes = [2000, 64], strides = [1, 1]} : vector<2000x192xf32> to vector<2000x64xf32>
    %add3A_164 = arith.addf %slice3A_162, %slice3A_163 : vector<2000x64xf32>
    %logistic3A_165 = arith.negf %add3A_164 : vector<2000x64xf32>
    %logistic3A_166 = math.exp %logistic3A_165 : vector<2000x64xf32>
    %logistic3A_167 = arith.constant 1.000000e+00 : f32
    %logistic3A_168 = vector.broadcast %logistic3A_167 : f32 to vector<2000x64xf32>
    %logistic3A_169 = arith.addf %logistic3A_168, %logistic3A_166 : vector<2000x64xf32>
    %logistic3A_170 = arith.divf %logistic3A_168, %logistic3A_169 : vector<2000x64xf32>
    %slice3A_171 = vector.extract_strided_slice %add3A_138 {offsets = [0, 128], sizes = [2000, 64], strides = [1, 1]} : vector<2000x192xf32> to vector<2000x64xf32>
    %slice3A_172 = vector.extract_strided_slice %add3A_152 {offsets = [0, 128], sizes = [2000, 64], strides = [1, 1]} : vector<2000x192xf32> to vector<2000x64xf32>
    %mul3A_173 = arith.mulf %logistic3A_161, %slice3A_172 : vector<2000x64xf32>
    %add3A_174 = arith.addf %slice3A_171, %mul3A_173 : vector<2000x64xf32>
    %tanh3A_175 = math.tanh %add3A_174 : vector<2000x64xf32>
    %sub3A_176 = arith.constant 1.000000e+00 : f32
    %sub3A_177 = vector.broadcast %sub3A_176 : f32 to vector<2000x64xf32>
    %sub3A_178 = arith.subf %sub3A_177, %logistic3A_170 : vector<2000x64xf32>
    %mul3A_179 = arith.mulf %sub3A_178, %tanh3A_175 : vector<2000x64xf32>
    %mul3A_180 = arith.mulf %logistic3A_170, %slice3A_97 : vector<2000x64xf32>
    %add3A_181 = arith.addf %mul3A_179, %mul3A_180 : vector<2000x64xf32>
    %slice3A_182 = vector.extract_strided_slice %reshape3A_96 {offsets = [0, 64], sizes = [2000, 1], strides = [1, 1]} : vector<2000x72xf32> to vector<2000x1xf32>
    %concatenate3A_183 = tpu.concatenate %add3A_181, %slice3A_182, %broadcast_in_dim3A_2 in 1 : vector<2000x64xf32>, vector<2000x1xf32>, vector<2000x63xf32> -> vector<2000x128xf32>
    %swap3A_184 = arith.constant 0 : index
    %swap3A_185 = arith.constant 0 : index
    %swap3A_186 = vector.load %arg17[%swap3A_184, %swap3A_185] : memref<2000x128xf32, #tpu.memory_space<vmem>>, vector<2000x128xf32>
    tpu.vector_store %arg17[%swap3A_184, %swap3A_185], %concatenate3A_183 {strides = array<i32>} : memref<2000x128xf32, #tpu.memory_space<vmem>>, vector<2000x128xf32>,
    %convert_element_type3A_187 = arith.truncf %add3A_181 : vector<2000x64xf32> to vector<2000x64xbf16>
    %convert_element_type3A_188 = arith.extf %convert_element_type3A_187 : vector<2000x64xbf16> to vector<2000x64xf32>
    %swap3A_189 = arith.constant 0 : index
    %swap3A_190 = arith.constant 0 : index
    %swap3A_191 = vector.load %arg19[%swap3A_189, %swap3A_190] : memref<2000x64xf32, #tpu.memory_space<vmem>>, vector<2000x64xf32>
    tpu.vector_store %arg19[%swap3A_189, %swap3A_190], %convert_element_type3A_188 {strides = array<i32>} : memref<2000x64xf32, #tpu.memory_space<vmem>>, vector<2000x64xf32>,
    return
  }
  func.func @transform_0(%arg0: i32) -> (i32, i32) {
    %c0_i32 = arith.constant 0 : i32
    %c0_i32_0 = arith.constant 0 : i32
    return %arg0, %c0_i32 : i32, i32
  }
  func.func @transform_1(%arg0: i32) -> (i32, i32, i32) {
    %c0_i32 = arith.constant 0 : i32
    %c0_i32_0 = arith.constant 0 : i32
    %c0_i32_1 = arith.constant 0 : i32
    return %c0_i32, %arg0, %c0_i32_0 : i32, i32, i32
  }
  func.func @transform_2(%arg0: i32) -> (i32, i32, i32) {
    %c1_i32 = arith.constant 1 : i32
    %c0_i32 = arith.constant 0 : i32
    %c0_i32_0 = arith.constant 0 : i32
    return %c1_i32, %arg0, %c0_i32 : i32, i32, i32
  }
  func.func @transform_3(%arg0: i32) -> (i32, i32, i32) {
    %c0_i32 = arith.constant 0 : i32
    %c0_i32_0 = arith.constant 0 : i32
    %c0_i32_1 = arith.constant 0 : i32
    %c0_i32_2 = arith.constant 0 : i32
    return %c0_i32, %c0_i32_0, %c0_i32_1 : i32, i32, i32
  }
  func.func @transform_4(%arg0: i32) -> (i32, i32, i32) {
    %c0_i32 = arith.constant 0 : i32
    %c0_i32_0 = arith.constant 0 : i32
    %c0_i32_1 = arith.constant 0 : i32
    %c0_i32_2 = arith.constant 0 : i32
    return %c0_i32, %c0_i32_0, %c0_i32_1 : i32, i32, i32
  }
  func.func @transform_5(%arg0: i32) -> (i32, i32, i32) {
    %c0_i32 = arith.constant 0 : i32
    %c0_i32_0 = arith.constant 0 : i32
    %c0_i32_1 = arith.constant 0 : i32
    %c0_i32_2 = arith.constant 0 : i32
    return %c0_i32, %c0_i32_0, %c0_i32_1 : i32, i32, i32
  }
  func.func @transform_6(%arg0: i32) -> (i32, i32) {
    %c0_i32 = arith.constant 0 : i32
    %c0_i32_0 = arith.constant 0 : i32
    %c0_i32_1 = arith.constant 0 : i32
    return %c0_i32, %c0_i32_0 : i32, i32
  }
  func.func @transform_7(%arg0: i32) -> (i32, i32) {
    %c0_i32 = arith.constant 0 : i32
    %c0_i32_0 = arith.constant 0 : i32
    %c0_i32_1 = arith.constant 0 : i32
    return %c0_i32, %c0_i32_0 : i32, i32
  }
  func.func @transform_8(%arg0: i32) -> (i32, i32) {
    %c0_i32 = arith.constant 0 : i32
    %c0_i32_0 = arith.constant 0 : i32
    %c0_i32_1 = arith.constant 0 : i32
    return %c0_i32, %c0_i32_0 : i32, i32
  }
  func.func @transform_9(%arg0: i32) -> (i32, i32, i32) {
    %c0_i32 = arith.constant 0 : i32
    %c0_i32_0 = arith.constant 0 : i32
    %c0_i32_1 = arith.constant 0 : i32
    %c0_i32_2 = arith.constant 0 : i32
    return %c0_i32, %c0_i32_0, %c0_i32_1 : i32, i32, i32
  }
  func.func @transform_10(%arg0: i32) -> (i32, i32, i32) {
    %c0_i32 = arith.constant 0 : i32
    %c0_i32_0 = arith.constant 0 : i32
    %c0_i32_1 = arith.constant 0 : i32
    %c0_i32_2 = arith.constant 0 : i32
    return %c0_i32, %c0_i32_0, %c0_i32_1 : i32, i32, i32
  }
  func.func @transform_11(%arg0: i32) -> (i32, i32, i32) {
    %c0_i32 = arith.constant 0 : i32
    %c0_i32_0 = arith.constant 0 : i32
    %c0_i32_1 = arith.constant 0 : i32
    %c0_i32_2 = arith.constant 0 : i32
    return %c0_i32, %c0_i32_0, %c0_i32_1 : i32, i32, i32
  }
  func.func @transform_12(%arg0: i32) -> (i32, i32) {
    %c0_i32 = arith.constant 0 : i32
    %c0_i32_0 = arith.constant 0 : i32
    %c0_i32_1 = arith.constant 0 : i32
    return %c0_i32, %c0_i32_0 : i32, i32
  }
  func.func @transform_13(%arg0: i32) -> (i32, i32) {
    %c0_i32 = arith.constant 0 : i32
    %c0_i32_0 = arith.constant 0 : i32
    %c0_i32_1 = arith.constant 0 : i32
    return %c0_i32, %c0_i32_0 : i32, i32
  }
  func.func @transform_14(%arg0: i32) -> (i32, i32) {
    %c0_i32 = arith.constant 0 : i32
    %c0_i32_0 = arith.constant 0 : i32
    %c0_i32_1 = arith.constant 0 : i32
    return %c0_i32, %c0_i32_0 : i32, i32
  }
  func.func @transform_15(%arg0: i32) -> (i32, i32) {
    %c0_i32 = arith.constant 0 : i32
    %c0_i32_0 = arith.constant 0 : i32
    return %arg0, %c0_i32 : i32, i32
  }
  func.func @transform_16(%arg0: i32) -> (i32, i32) {
    %c0_i32 = arith.constant 0 : i32
    %c0_i32_0 = arith.constant 0 : i32
    return %arg0, %c0_i32 : i32, i32
  }
  func.func @transform_17(%arg0: i32) -> (i32, i32) {
    %c0_i32 = arith.constant 0 : i32
    %c0_i32_0 = arith.constant 0 : i32
    return %arg0, %c0_i32 : i32, i32
  }
  func.func @transform_18(%arg0: i32) -> (i32, i32) {
    %c0_i32 = arith.constant 0 : i32
    %c0_i32_0 = arith.constant 0 : i32
    return %arg0, %c0_i32 : i32, i32
  }
}

module attributes {stable_mosaic.version = 14 : i64} {
  func.func @_tc_body1(%arg0: i32, %arg1: memref<2000x128xf32, #tpu.memory_space<vmem>>, %arg2: memref<2000x128xf32, #tpu.memory_space<vmem>>, %arg3: memref<1x2000x64xf32, #tpu.memory_space<vmem>>, %arg4: memref<1x2000x64xf32, #tpu.memory_space<vmem>>, %arg5: memref<1x128x128xf32, #tpu.memory_space<vmem>>, %arg6: memref<1x192x128xf32, #tpu.memory_space<vmem>>, %arg7: memref<1x192x64xf32, #tpu.memory_space<vmem>>, %arg8: memref<2x128xf32, #tpu.memory_space<vmem>>, %arg9: memref<2x192xf32, #tpu.memory_space<vmem>>, %arg10: memref<2x192xf32, #tpu.memory_space<vmem>>, %arg11: memref<1x128x128xf32, #tpu.memory_space<vmem>>, %arg12: memref<1x192x128xf32, #tpu.memory_space<vmem>>, %arg13: memref<1x192x64xf32, #tpu.memory_space<vmem>>, %arg14: memref<2x128xf32, #tpu.memory_space<vmem>>, %arg15: memref<2x192xf32, #tpu.memory_space<vmem>>, %arg16: memref<2x192xf32, #tpu.memory_space<vmem>>, %arg17: memref<2000x128xf32, #tpu.memory_space<vmem>>) attributes {dimension_semantics = [#tpu.dimension_semantics<arbitrary>], iteration_bounds = array<i64: 5>, scalar_prefetch = 0 : i64, scratch_operands = 0 : i64, tpu.core_type = #tpu.core_type<tc>, window_params = [{transform_indices = @transform_0, window_bounds = array<i64: 2000, 128>}, {transform_indices = @transform_1, window_bounds = array<i64: 2000, 128>}, {transform_indices = @transform_2, window_bounds = array<i64: 1, 2000, 64>}, {transform_indices = @transform_3, window_bounds = array<i64: 1, 2000, 64>}, {transform_indices = @transform_4, window_bounds = array<i64: 1, 128, 128>}, {transform_indices = @transform_5, window_bounds = array<i64: 1, 192, 128>}, {transform_indices = @transform_6, window_bounds = array<i64: 1, 192, 64>}, {pipeline_mode = #tpu.pipeline_mode<synchronous>, transform_indices = @transform_7, window_bounds = array<i64: 2, 128>}, {pipeline_mode = #tpu.pipeline_mode<synchronous>, transform_indices = @transform_8, window_bounds = array<i64: 2, 192>}, {pipeline_mode = #tpu.pipeline_mode<synchronous>, transform_indices = @transform_9, window_bounds = array<i64: 2, 192>}, {transform_indices = @transform_10, window_bounds = array<i64: 1, 128, 128>}, {transform_indices = @transform_11, window_bounds = array<i64: 1, 192, 128>}, {transform_indices = @transform_12, window_bounds = array<i64: 1, 192, 64>}, {pipeline_mode = #tpu.pipeline_mode<synchronous>, transform_indices = @transform_13, window_bounds = array<i64: 2, 128>}, {pipeline_mode = #tpu.pipeline_mode<synchronous>, transform_indices = @transform_14, window_bounds = array<i64: 2, 192>}, {pipeline_mode = #tpu.pipeline_mode<synchronous>, transform_indices = @transform_15, window_bounds = array<i64: 2, 192>}, {transform_indices = @transform_16, window_bounds = array<i64: 2000, 128>}]} {
    %get3A = arith.constant 0 : index
    %get3A_0 = arith.constant 0 : index
    %get3A_1 = vector.load %arg1[%get3A, %get3A_0] : memref<2000x128xf32, #tpu.memory_space<vmem>>, vector<2000x128xf32>
    %get3A_2 = arith.constant 0 : index
    %get3A_3 = arith.constant 0 : index
    %get3A_4 = arith.constant 0 : index
    %get3A_5 = vector.load %arg3[%get3A_2, %get3A_3, %get3A_4] : memref<1x2000x64xf32, #tpu.memory_space<vmem>>, vector<1x2000x64xf32>
    %reshape3A = vector.shape_cast %get3A_5 : vector<1x2000x64xf32> to vector<2000x64xf32>
    %slice3A = vector.extract_strided_slice %get3A_1 {offsets = [0, 0], sizes = [2000, 64], strides = [1, 1]} : vector<2000x128xf32> to vector<2000x64xf32>
    %slice3A_6 = vector.extract_strided_slice %get3A_1 {offsets = [0, 64], sizes = [2000, 1], strides = [1, 1]} : vector<2000x128xf32> to vector<2000x1xf32>
    %get3A_7 = arith.constant 0 : index
    %get3A_8 = arith.constant 0 : index
    %get3A_9 = arith.constant 0 : index
    %get3A_10 = vector.load %arg5[%get3A_7, %get3A_8, %get3A_9] : memref<1x128x128xf32, #tpu.memory_space<vmem>>, vector<1x128x128xf32>
    %reshape3A_11 = vector.shape_cast %get3A_10 : vector<1x128x128xf32> to vector<128x128xf32>
    %slice3A_12 = vector.extract_strided_slice %reshape3A_11 {offsets = [0, 0], sizes = [128, 64], strides = [1, 1]} : vector<128x128xf32> to vector<128x64xf32>
    %convert_element_type3A = arith.truncf %slice3A_12 : vector<128x64xf32> to vector<128x64xbf16>
    %convert_element_type3A_13 = arith.extf %convert_element_type3A : vector<128x64xbf16> to vector<128x64xf32>
    %slice3A_14 = vector.extract_strided_slice %reshape3A_11 {offsets = [0, 64], sizes = [128, 64], strides = [1, 1]} : vector<128x128xf32> to vector<128x64xf32>
    %convert_element_type3A_15 = arith.truncf %slice3A_14 : vector<128x64xf32> to vector<128x64xbf16>
    %convert_element_type3A_16 = arith.truncf %slice3A : vector<2000x64xf32> to vector<2000x64xbf16>
    %dot_general3A = arith.constant dense<0.000000e+00> : vector<2000x128xf32>
    %dot_general3A_17 = tpu.matmul %convert_element_type3A_16, %convert_element_type3A_15, %dot_general3A {dimension_numbers = #tpu.dot_dimension_numbers<[1], [1], [0], [0], [0, 0, 1, 0], [], []>, transpose_lhs_hint = false} : vector<2000x64xbf16>, vector<128x64xbf16>, vector<2000x128xf32> -> vector<2000x128xf32>
    %get3A_18 = arith.constant 0 : index
    %get3A_19 = arith.constant 0 : index
    %get3A_20 = vector.load %arg8[%get3A_18, %get3A_19] : memref<2x128xf32, #tpu.memory_space<vmem>>, vector<2x128xf32>
    %slice3A_21 = vector.extract_strided_slice %get3A_20 {offsets = [1, 0], sizes = [1, 128], strides = [1, 1]} : vector<2x128xf32> to vector<1x128xf32>
    %add3A = vector.broadcast %slice3A_21 : vector<1x128xf32> to vector<2000x128xf32>
    %add3A_22 = arith.addf %dot_general3A_17, %add3A : vector<2000x128xf32>
    %dot_general3A_23 = arith.constant dense<0.000000e+00> : vector<2000x128xf32>
    %dot_general3A_24 = tpu.matmul %reshape3A, %convert_element_type3A_13, %dot_general3A_23 {dimension_numbers = #tpu.dot_dimension_numbers<[1], [1], [0], [0], [0, 0, 1, 0], [], []>, precision = #tpu.contract_precision<fp32>, transpose_lhs_hint = false} : vector<2000x64xf32>, vector<128x64xf32>, vector<2000x128xf32> -> vector<2000x128xf32>
    %mul3A = vector.broadcast %slice3A_6 : vector<2000x1xf32> to vector<2000x128xf32>
    %mul3A_25 = arith.mulf %mul3A, %add3A_22 : vector<2000x128xf32>
    %add3A_26 = arith.addf %dot_general3A_24, %mul3A_25 : vector<2000x128xf32>
    %convert_element_type3A_27 = arith.truncf %add3A_26 : vector<2000x128xf32> to vector<2000x128xbf16>
    %get3A_28 = arith.constant 0 : index
    %get3A_29 = arith.constant 0 : index
    %get3A_30 = arith.constant 0 : index
    %get3A_31 = vector.load %arg6[%get3A_28, %get3A_29, %get3A_30] : memref<1x192x128xf32, #tpu.memory_space<vmem>>, vector<1x192x128xf32>
    %reshape3A_32 = vector.shape_cast %get3A_31 : vector<1x192x128xf32> to vector<192x128xf32>
    %convert_element_type3A_33 = arith.truncf %reshape3A_32 : vector<192x128xf32> to vector<192x128xbf16>
    %dot_general3A_34 = arith.constant dense<0.000000e+00> : vector<2000x192xf32>
    %dot_general3A_35 = tpu.matmul %convert_element_type3A_27, %convert_element_type3A_33, %dot_general3A_34 {dimension_numbers = #tpu.dot_dimension_numbers<[1], [1], [0], [0], [0, 0, 1, 0], [], []>, transpose_lhs_hint = false} : vector<2000x128xbf16>, vector<192x128xbf16>, vector<2000x192xf32> -> vector<2000x192xf32>
    %get3A_36 = arith.constant 0 : index
    %get3A_37 = arith.constant 0 : index
    %get3A_38 = vector.load %arg9[%get3A_36, %get3A_37] : memref<2x192xf32, #tpu.memory_space<vmem>>, vector<2x192xf32>
    %slice3A_39 = vector.extract_strided_slice %get3A_38 {offsets = [1, 0], sizes = [1, 192], strides = [1, 1]} : vector<2x192xf32> to vector<1x192xf32>
    %add3A_40 = vector.broadcast %slice3A_39 : vector<1x192xf32> to vector<2000x192xf32>
    %add3A_41 = arith.addf %dot_general3A_35, %add3A_40 : vector<2000x192xf32>
    %get3A_42 = arith.constant 0 : index
    %get3A_43 = arith.constant 0 : index
    %get3A_44 = arith.constant 0 : index
    %get3A_45 = vector.load %arg7[%get3A_42, %get3A_43, %get3A_44] : memref<1x192x64xf32, #tpu.memory_space<vmem>>, vector<1x192x64xf32>
    %reshape3A_46 = vector.shape_cast %get3A_45 : vector<1x192x64xf32> to vector<192x64xf32>
    %convert_element_type3A_47 = arith.truncf %reshape3A_46 : vector<192x64xf32> to vector<192x64xbf16>
    %dot_general3A_48 = arith.constant dense<0.000000e+00> : vector<2000x192xf32>
    %dot_general3A_49 = tpu.matmul %convert_element_type3A_16, %convert_element_type3A_47, %dot_general3A_48 {dimension_numbers = #tpu.dot_dimension_numbers<[1], [1], [0], [0], [0, 0, 1, 0], [], []>, transpose_lhs_hint = false} : vector<2000x64xbf16>, vector<192x64xbf16>, vector<2000x192xf32> -> vector<2000x192xf32>
    %get3A_50 = arith.constant 0 : index
    %get3A_51 = arith.constant 0 : index
    %get3A_52 = vector.load %arg10[%get3A_50, %get3A_51] : memref<2x192xf32, #tpu.memory_space<vmem>>, vector<2x192xf32>
    %slice3A_53 = vector.extract_strided_slice %get3A_52 {offsets = [1, 0], sizes = [1, 192], strides = [1, 1]} : vector<2x192xf32> to vector<1x192xf32>
    %add3A_54 = vector.broadcast %slice3A_53 : vector<1x192xf32> to vector<2000x192xf32>
    %add3A_55 = arith.addf %dot_general3A_49, %add3A_54 : vector<2000x192xf32>
    %slice3A_56 = vector.extract_strided_slice %add3A_41 {offsets = [0, 0], sizes = [2000, 64], strides = [1, 1]} : vector<2000x192xf32> to vector<2000x64xf32>
    %slice3A_57 = vector.extract_strided_slice %add3A_55 {offsets = [0, 0], sizes = [2000, 64], strides = [1, 1]} : vector<2000x192xf32> to vector<2000x64xf32>
    %add3A_58 = arith.addf %slice3A_56, %slice3A_57 : vector<2000x64xf32>
    %logistic3A = arith.negf %add3A_58 : vector<2000x64xf32>
    %logistic3A_59 = math.exp %logistic3A : vector<2000x64xf32>
    %logistic3A_60 = arith.constant 1.000000e+00 : f32
    %logistic3A_61 = vector.broadcast %logistic3A_60 : f32 to vector<2000x64xf32>
    %logistic3A_62 = arith.addf %logistic3A_61, %logistic3A_59 : vector<2000x64xf32>
    %logistic3A_63 = arith.divf %logistic3A_61, %logistic3A_62 : vector<2000x64xf32>
    %slice3A_64 = vector.extract_strided_slice %add3A_41 {offsets = [0, 64], sizes = [2000, 64], strides = [1, 1]} : vector<2000x192xf32> to vector<2000x64xf32>
    %slice3A_65 = vector.extract_strided_slice %add3A_55 {offsets = [0, 64], sizes = [2000, 64], strides = [1, 1]} : vector<2000x192xf32> to vector<2000x64xf32>
    %add3A_66 = arith.addf %slice3A_64, %slice3A_65 : vector<2000x64xf32>
    %logistic3A_67 = arith.negf %add3A_66 : vector<2000x64xf32>
    %logistic3A_68 = math.exp %logistic3A_67 : vector<2000x64xf32>
    %logistic3A_69 = arith.constant 1.000000e+00 : f32
    %logistic3A_70 = vector.broadcast %logistic3A_69 : f32 to vector<2000x64xf32>
    %logistic3A_71 = arith.addf %logistic3A_70, %logistic3A_68 : vector<2000x64xf32>
    %logistic3A_72 = arith.divf %logistic3A_70, %logistic3A_71 : vector<2000x64xf32>
    %slice3A_73 = vector.extract_strided_slice %add3A_41 {offsets = [0, 128], sizes = [2000, 64], strides = [1, 1]} : vector<2000x192xf32> to vector<2000x64xf32>
    %slice3A_74 = vector.extract_strided_slice %add3A_55 {offsets = [0, 128], sizes = [2000, 64], strides = [1, 1]} : vector<2000x192xf32> to vector<2000x64xf32>
    %mul3A_75 = arith.mulf %logistic3A_63, %slice3A_74 : vector<2000x64xf32>
    %add3A_76 = arith.addf %slice3A_73, %mul3A_75 : vector<2000x64xf32>
    %tanh3A = math.tanh %add3A_76 : vector<2000x64xf32>
    %sub3A = arith.constant 1.000000e+00 : f32
    %sub3A_77 = vector.broadcast %sub3A : f32 to vector<2000x64xf32>
    %sub3A_78 = arith.subf %sub3A_77, %logistic3A_72 : vector<2000x64xf32>
    %mul3A_79 = arith.mulf %sub3A_78, %tanh3A : vector<2000x64xf32>
    %mul3A_80 = arith.mulf %logistic3A_72, %slice3A : vector<2000x64xf32>
    %add3A_81 = arith.addf %mul3A_79, %mul3A_80 : vector<2000x64xf32>
    %get3A_82 = arith.constant 0 : index
    %get3A_83 = arith.constant 0 : index
    %get3A_84 = vector.load %arg2[%get3A_82, %get3A_83] : memref<2000x128xf32, #tpu.memory_space<vmem>>, vector<2000x128xf32>
    %get3A_85 = arith.constant 0 : index
    %get3A_86 = arith.constant 0 : index
    %get3A_87 = arith.constant 0 : index
    %get3A_88 = vector.load %arg4[%get3A_85, %get3A_86, %get3A_87] : memref<1x2000x64xf32, #tpu.memory_space<vmem>>, vector<1x2000x64xf32>
    %reshape3A_89 = vector.shape_cast %get3A_88 : vector<1x2000x64xf32> to vector<2000x64xf32>
    %slice3A_90 = vector.extract_strided_slice %get3A_84 {offsets = [0, 0], sizes = [2000, 64], strides = [1, 1]} : vector<2000x128xf32> to vector<2000x64xf32>
    %slice3A_91 = vector.extract_strided_slice %get3A_84 {offsets = [0, 64], sizes = [2000, 1], strides = [1, 1]} : vector<2000x128xf32> to vector<2000x1xf32>
    %get3A_92 = arith.constant 0 : index
    %get3A_93 = arith.constant 0 : index
    %get3A_94 = arith.constant 0 : index
    %get3A_95 = vector.load %arg11[%get3A_92, %get3A_93, %get3A_94] : memref<1x128x128xf32, #tpu.memory_space<vmem>>, vector<1x128x128xf32>
    %reshape3A_96 = vector.shape_cast %get3A_95 : vector<1x128x128xf32> to vector<128x128xf32>
    %slice3A_97 = vector.extract_strided_slice %reshape3A_96 {offsets = [0, 0], sizes = [128, 64], strides = [1, 1]} : vector<128x128xf32> to vector<128x64xf32>
    %convert_element_type3A_98 = arith.truncf %slice3A_97 : vector<128x64xf32> to vector<128x64xbf16>
    %convert_element_type3A_99 = arith.extf %convert_element_type3A_98 : vector<128x64xbf16> to vector<128x64xf32>
    %slice3A_100 = vector.extract_strided_slice %reshape3A_96 {offsets = [0, 64], sizes = [128, 64], strides = [1, 1]} : vector<128x128xf32> to vector<128x64xf32>
    %convert_element_type3A_101 = arith.truncf %slice3A_100 : vector<128x64xf32> to vector<128x64xbf16>
    %convert_element_type3A_102 = arith.truncf %slice3A_90 : vector<2000x64xf32> to vector<2000x64xbf16>
    %dot_general3A_103 = arith.constant dense<0.000000e+00> : vector<2000x128xf32>
    %dot_general3A_104 = tpu.matmul %convert_element_type3A_102, %convert_element_type3A_101, %dot_general3A_103 {dimension_numbers = #tpu.dot_dimension_numbers<[1], [1], [0], [0], [0, 0, 1, 0], [], []>, transpose_lhs_hint = false} : vector<2000x64xbf16>, vector<128x64xbf16>, vector<2000x128xf32> -> vector<2000x128xf32>
    %get3A_105 = arith.constant 0 : index
    %get3A_106 = arith.constant 0 : index
    %get3A_107 = vector.load %arg14[%get3A_105, %get3A_106] : memref<2x128xf32, #tpu.memory_space<vmem>>, vector<2x128xf32>
    %slice3A_108 = vector.extract_strided_slice %get3A_107 {offsets = [1, 0], sizes = [1, 128], strides = [1, 1]} : vector<2x128xf32> to vector<1x128xf32>
    %add3A_109 = vector.broadcast %slice3A_108 : vector<1x128xf32> to vector<2000x128xf32>
    %add3A_110 = arith.addf %dot_general3A_104, %add3A_109 : vector<2000x128xf32>
    %dot_general3A_111 = arith.constant dense<0.000000e+00> : vector<2000x128xf32>
    %dot_general3A_112 = tpu.matmul %reshape3A_89, %convert_element_type3A_99, %dot_general3A_111 {dimension_numbers = #tpu.dot_dimension_numbers<[1], [1], [0], [0], [0, 0, 1, 0], [], []>, precision = #tpu.contract_precision<fp32>, transpose_lhs_hint = false} : vector<2000x64xf32>, vector<128x64xf32>, vector<2000x128xf32> -> vector<2000x128xf32>
    %mul3A_113 = vector.broadcast %slice3A_91 : vector<2000x1xf32> to vector<2000x128xf32>
    %mul3A_114 = arith.mulf %mul3A_113, %add3A_110 : vector<2000x128xf32>
    %add3A_115 = arith.addf %dot_general3A_112, %mul3A_114 : vector<2000x128xf32>
    %convert_element_type3A_116 = arith.truncf %add3A_115 : vector<2000x128xf32> to vector<2000x128xbf16>
    %get3A_117 = arith.constant 0 : index
    %get3A_118 = arith.constant 0 : index
    %get3A_119 = arith.constant 0 : index
    %get3A_120 = vector.load %arg12[%get3A_117, %get3A_118, %get3A_119] : memref<1x192x128xf32, #tpu.memory_space<vmem>>, vector<1x192x128xf32>
    %reshape3A_121 = vector.shape_cast %get3A_120 : vector<1x192x128xf32> to vector<192x128xf32>
    %convert_element_type3A_122 = arith.truncf %reshape3A_121 : vector<192x128xf32> to vector<192x128xbf16>
    %dot_general3A_123 = arith.constant dense<0.000000e+00> : vector<2000x192xf32>
    %dot_general3A_124 = tpu.matmul %convert_element_type3A_116, %convert_element_type3A_122, %dot_general3A_123 {dimension_numbers = #tpu.dot_dimension_numbers<[1], [1], [0], [0], [0, 0, 1, 0], [], []>, transpose_lhs_hint = false} : vector<2000x128xbf16>, vector<192x128xbf16>, vector<2000x192xf32> -> vector<2000x192xf32>
    %get3A_125 = arith.constant 0 : index
    %get3A_126 = arith.constant 0 : index
    %get3A_127 = vector.load %arg15[%get3A_125, %get3A_126] : memref<2x192xf32, #tpu.memory_space<vmem>>, vector<2x192xf32>
    %slice3A_128 = vector.extract_strided_slice %get3A_127 {offsets = [1, 0], sizes = [1, 192], strides = [1, 1]} : vector<2x192xf32> to vector<1x192xf32>
    %add3A_129 = vector.broadcast %slice3A_128 : vector<1x192xf32> to vector<2000x192xf32>
    %add3A_130 = arith.addf %dot_general3A_124, %add3A_129 : vector<2000x192xf32>
    %get3A_131 = arith.constant 0 : index
    %get3A_132 = arith.constant 0 : index
    %get3A_133 = arith.constant 0 : index
    %get3A_134 = vector.load %arg13[%get3A_131, %get3A_132, %get3A_133] : memref<1x192x64xf32, #tpu.memory_space<vmem>>, vector<1x192x64xf32>
    %reshape3A_135 = vector.shape_cast %get3A_134 : vector<1x192x64xf32> to vector<192x64xf32>
    %convert_element_type3A_136 = arith.truncf %reshape3A_135 : vector<192x64xf32> to vector<192x64xbf16>
    %dot_general3A_137 = arith.constant dense<0.000000e+00> : vector<2000x192xf32>
    %dot_general3A_138 = tpu.matmul %convert_element_type3A_102, %convert_element_type3A_136, %dot_general3A_137 {dimension_numbers = #tpu.dot_dimension_numbers<[1], [1], [0], [0], [0, 0, 1, 0], [], []>, transpose_lhs_hint = false} : vector<2000x64xbf16>, vector<192x64xbf16>, vector<2000x192xf32> -> vector<2000x192xf32>
    %get3A_139 = arith.constant 0 : index
    %get3A_140 = arith.constant 0 : index
    %get3A_141 = vector.load %arg16[%get3A_139, %get3A_140] : memref<2x192xf32, #tpu.memory_space<vmem>>, vector<2x192xf32>
    %slice3A_142 = vector.extract_strided_slice %get3A_141 {offsets = [1, 0], sizes = [1, 192], strides = [1, 1]} : vector<2x192xf32> to vector<1x192xf32>
    %add3A_143 = vector.broadcast %slice3A_142 : vector<1x192xf32> to vector<2000x192xf32>
    %add3A_144 = arith.addf %dot_general3A_138, %add3A_143 : vector<2000x192xf32>
    %slice3A_145 = vector.extract_strided_slice %add3A_130 {offsets = [0, 0], sizes = [2000, 64], strides = [1, 1]} : vector<2000x192xf32> to vector<2000x64xf32>
    %slice3A_146 = vector.extract_strided_slice %add3A_144 {offsets = [0, 0], sizes = [2000, 64], strides = [1, 1]} : vector<2000x192xf32> to vector<2000x64xf32>
    %add3A_147 = arith.addf %slice3A_145, %slice3A_146 : vector<2000x64xf32>
    %logistic3A_148 = arith.negf %add3A_147 : vector<2000x64xf32>
    %logistic3A_149 = math.exp %logistic3A_148 : vector<2000x64xf32>
    %logistic3A_150 = arith.constant 1.000000e+00 : f32
    %logistic3A_151 = vector.broadcast %logistic3A_150 : f32 to vector<2000x64xf32>
    %logistic3A_152 = arith.addf %logistic3A_151, %logistic3A_149 : vector<2000x64xf32>
    %logistic3A_153 = arith.divf %logistic3A_151, %logistic3A_152 : vector<2000x64xf32>
    %slice3A_154 = vector.extract_strided_slice %add3A_130 {offsets = [0, 64], sizes = [2000, 64], strides = [1, 1]} : vector<2000x192xf32> to vector<2000x64xf32>
    %slice3A_155 = vector.extract_strided_slice %add3A_144 {offsets = [0, 64], sizes = [2000, 64], strides = [1, 1]} : vector<2000x192xf32> to vector<2000x64xf32>
    %add3A_156 = arith.addf %slice3A_154, %slice3A_155 : vector<2000x64xf32>
    %logistic3A_157 = arith.negf %add3A_156 : vector<2000x64xf32>
    %logistic3A_158 = math.exp %logistic3A_157 : vector<2000x64xf32>
    %logistic3A_159 = arith.constant 1.000000e+00 : f32
    %logistic3A_160 = vector.broadcast %logistic3A_159 : f32 to vector<2000x64xf32>
    %logistic3A_161 = arith.addf %logistic3A_160, %logistic3A_158 : vector<2000x64xf32>
    %logistic3A_162 = arith.divf %logistic3A_160, %logistic3A_161 : vector<2000x64xf32>
    %slice3A_163 = vector.extract_strided_slice %add3A_130 {offsets = [0, 128], sizes = [2000, 64], strides = [1, 1]} : vector<2000x192xf32> to vector<2000x64xf32>
    %slice3A_164 = vector.extract_strided_slice %add3A_144 {offsets = [0, 128], sizes = [2000, 64], strides = [1, 1]} : vector<2000x192xf32> to vector<2000x64xf32>
    %mul3A_165 = arith.mulf %logistic3A_153, %slice3A_164 : vector<2000x64xf32>
    %add3A_166 = arith.addf %slice3A_163, %mul3A_165 : vector<2000x64xf32>
    %tanh3A_167 = math.tanh %add3A_166 : vector<2000x64xf32>
    %sub3A_168 = arith.constant 1.000000e+00 : f32
    %sub3A_169 = vector.broadcast %sub3A_168 : f32 to vector<2000x64xf32>
    %sub3A_170 = arith.subf %sub3A_169, %logistic3A_162 : vector<2000x64xf32>
    %mul3A_171 = arith.mulf %sub3A_170, %tanh3A_167 : vector<2000x64xf32>
    %mul3A_172 = arith.mulf %logistic3A_162, %slice3A_90 : vector<2000x64xf32>
    %add3A_173 = arith.addf %mul3A_171, %mul3A_172 : vector<2000x64xf32>
    %concatenate3A = tpu.concatenate %add3A_81, %add3A_173 in 1 : vector<2000x64xf32>, vector<2000x64xf32> -> vector<2000x128xf32>
    %swap3A = arith.constant 0 : index
    %swap3A_174 = arith.constant 0 : index
    %swap3A_175 = vector.load %arg17[%swap3A, %swap3A_174] : memref<2000x128xf32, #tpu.memory_space<vmem>>, vector<2000x128xf32>
    tpu.vector_store %arg17[%swap3A, %swap3A_174], %concatenate3A {strides = array<i32>} : memref<2000x128xf32, #tpu.memory_space<vmem>>, vector<2000x128xf32>,
    return
  }
  func.func @transform_0(%arg0: i32) -> (i32, i32) {
    %c0_i32 = arith.constant 0 : i32
    %c0_i32_0 = arith.constant 0 : i32
    return %arg0, %c0_i32 : i32, i32
  }
  func.func @transform_1(%arg0: i32) -> (i32, i32) {
    %c0_i32 = arith.constant 0 : i32
    %c0_i32_0 = arith.constant 0 : i32
    return %arg0, %c0_i32 : i32, i32
  }
  func.func @transform_2(%arg0: i32) -> (i32, i32, i32) {
    %c0_i32 = arith.constant 0 : i32
    %c0_i32_0 = arith.constant 0 : i32
    %c0_i32_1 = arith.constant 0 : i32
    return %c0_i32, %arg0, %c0_i32_0 : i32, i32, i32
  }
  func.func @transform_3(%arg0: i32) -> (i32, i32, i32) {
    %c1_i32 = arith.constant 1 : i32
    %c0_i32 = arith.constant 0 : i32
    %c0_i32_0 = arith.constant 0 : i32
    return %c1_i32, %arg0, %c0_i32 : i32, i32, i32
  }
  func.func @transform_4(%arg0: i32) -> (i32, i32, i32) {
    %c1_i32 = arith.constant 1 : i32
    %c0_i32 = arith.constant 0 : i32
    %c0_i32_0 = arith.constant 0 : i32
    %c0_i32_1 = arith.constant 0 : i32
    return %c1_i32, %c0_i32, %c0_i32_0 : i32, i32, i32
  }
  func.func @transform_5(%arg0: i32) -> (i32, i32, i32) {
    %c1_i32 = arith.constant 1 : i32
    %c0_i32 = arith.constant 0 : i32
    %c0_i32_0 = arith.constant 0 : i32
    %c0_i32_1 = arith.constant 0 : i32
    return %c1_i32, %c0_i32, %c0_i32_0 : i32, i32, i32
  }
  func.func @transform_6(%arg0: i32) -> (i32, i32, i32) {
    %c1_i32 = arith.constant 1 : i32
    %c0_i32 = arith.constant 0 : i32
    %c0_i32_0 = arith.constant 0 : i32
    %c0_i32_1 = arith.constant 0 : i32
    return %c1_i32, %c0_i32, %c0_i32_0 : i32, i32, i32
  }
  func.func @transform_7(%arg0: i32) -> (i32, i32) {
    %c0_i32 = arith.constant 0 : i32
    %c0_i32_0 = arith.constant 0 : i32
    %c0_i32_1 = arith.constant 0 : i32
    return %c0_i32, %c0_i32_0 : i32, i32
  }
  func.func @transform_8(%arg0: i32) -> (i32, i32) {
    %c0_i32 = arith.constant 0 : i32
    %c0_i32_0 = arith.constant 0 : i32
    %c0_i32_1 = arith.constant 0 : i32
    return %c0_i32, %c0_i32_0 : i32, i32
  }
  func.func @transform_9(%arg0: i32) -> (i32, i32) {
    %c0_i32 = arith.constant 0 : i32
    %c0_i32_0 = arith.constant 0 : i32
    %c0_i32_1 = arith.constant 0 : i32
    return %c0_i32, %c0_i32_0 : i32, i32
  }
  func.func @transform_10(%arg0: i32) -> (i32, i32, i32) {
    %c1_i32 = arith.constant 1 : i32
    %c0_i32 = arith.constant 0 : i32
    %c0_i32_0 = arith.constant 0 : i32
    %c0_i32_1 = arith.constant 0 : i32
    return %c1_i32, %c0_i32, %c0_i32_0 : i32, i32, i32
  }
  func.func @transform_11(%arg0: i32) -> (i32, i32, i32) {
    %c1_i32 = arith.constant 1 : i32
    %c0_i32 = arith.constant 0 : i32
    %c0_i32_0 = arith.constant 0 : i32
    %c0_i32_1 = arith.constant 0 : i32
    return %c1_i32, %c0_i32, %c0_i32_0 : i32, i32, i32
  }
  func.func @transform_12(%arg0: i32) -> (i32, i32, i32) {
    %c1_i32 = arith.constant 1 : i32
    %c0_i32 = arith.constant 0 : i32
    %c0_i32_0 = arith.constant 0 : i32
    %c0_i32_1 = arith.constant 0 : i32
    return %c1_i32, %c0_i32, %c0_i32_0 : i32, i32, i32
  }
  func.func @transform_13(%arg0: i32) -> (i32, i32) {
    %c0_i32 = arith.constant 0 : i32
    %c0_i32_0 = arith.constant 0 : i32
    %c0_i32_1 = arith.constant 0 : i32
    return %c0_i32, %c0_i32_0 : i32, i32
  }
  func.func @transform_14(%arg0: i32) -> (i32, i32) {
    %c0_i32 = arith.constant 0 : i32
    %c0_i32_0 = arith.constant 0 : i32
    %c0_i32_1 = arith.constant 0 : i32
    return %c0_i32, %c0_i32_0 : i32, i32
  }
  func.func @transform_15(%arg0: i32) -> (i32, i32) {
    %c0_i32 = arith.constant 0 : i32
    %c0_i32_0 = arith.constant 0 : i32
    %c0_i32_1 = arith.constant 0 : i32
    return %c0_i32, %c0_i32_0 : i32, i32
  }
  func.func @transform_16(%arg0: i32) -> (i32, i32) {
    %c0_i32 = arith.constant 0 : i32
    %c0_i32_0 = arith.constant 0 : i32
    return %arg0, %c0_i32 : i32, i32
  }
}

</mosaic_0001>

<sc_bundles>
// kernel: kernel.6.cloned.1.call-start
scs
__scs_entry_jumppad:
0x0: {  	(pc) =	sbr.rel $0x88, $3  }
0x1: {  	(tag) =	ssettag $0x0;
	lr =	simm.s32 $0x1  }
0x2: {  	[smem:$0x3F93] =	sst lr;
	_ =	strace $0xD0000000  }
0x3: {  	_ = 	snop  }
0x4: {  	_ = 	snop  }
0x5: {  	_ = 	snop  }
0x6: {  	_ = 	snop  }
0x7: {  	_ = 	snop  }
__scs_overlays_trampoline_lowered:
0x8: {  	[smem:$0x3FA2] =	sst s0  }
0x9: {  	[smem:$0x3FA3] =	sst s1  }
0xa: {  	[smem:$0x3FA4] =	sst s2  }
0xb: {  	[smem:$0x3FA5] =	sst s3  }
0xc: {  	[smem:$0x3FA6] =	sst s4  }
0xd: {  	[smem:$0x3FA7] =	sst s5  }
0xe: {  	[smem:$0x3FA8] =	sst s6  }
0xf: {  	[smem:$0x3FA9] =	sst s7  }
0x10: {  	[smem:$0x3FAA] =	sst s8  }
0x11: {  	[smem:$0x3FAB] =	sst s9;
	s0 =	simm.s32 @!p0 $0x0  }
0x12: {  	s1 =	sld [smem:$0x3F91];
	s0 =	simm.s32 @p0 $0x1  }
0x13: {  	[smem:$0x3FAC] =	sst s0;
	s0 =	simm.s32 @!p1 $0x0  }
0x14: {  	s2 =	sld [smem:$0x3F90];
	s0 =	simm.s32 @p1 $0x1  }
0x15: {  	[smem:$0x3FAD] =	sst s0;
	s0 =	simm.s32 @!p2 $0x0  }
0x16: {  	s3 =	sld [smem:$0x3FDB];
	s0 =	simm.s32 @p2 $0x1  }
0x17: {  	s4 =	simm.s32 $0x1BF5;
	[smem:$0x3FAF] =	sst s0  }
0x18: {  	s0 =	sld [smem:$0x3F92];
	_ =	swait.ge [sflag:s4], $0x0  }
0x19: {  	s7 =	sld [smem:$0x3F93]  }
0x1a: {  	s8 =	sadd.s32 $0xFFFFE003, lr  }
0x1b: {  	s9 =	sadd.s32 $0xFFFFFEF7, lr;
	s5 =	simm.s32 $0xFFFFFFFF;
	p2 =	slt.u32 s8, $0xFFFFF086  }
0x1c: {  	p1 =	slt.u32 s9, $0xF7A;
	s5 =	simm.s32 @!p2 $0x0  }
0x1d: {  	s5 =	simm.s32 @p1 $0x1;
	p0 =	seq.s32 s7, s2  }
0x1e: {  	s7 =	smul.u32 @!p0 $0xF7A, s2;
	p2 =	seq.s32 @!p0 s5, $0x0  }
0x1f: {  	s9 =	smul.u32 $0xF7A, s1;
	s8 =	simm.s32 @!p0 $0x1BF5;
	p2 =	por !p2, p0  }
0x20: {  	[sflag:s8] =	ssyncset.s32 @!p0 $0xFFFFF086;
	s6 =	sadd.s32 @!p0 s3, s7;
	s7 =	simm.s32 @!p0 $0x108  }
0x21: {  	s3 =	sadd.s32 s3, s9;
	s6 =	sadd.s32 @!p0 $0x88, s6;
	s7 =	simm.s32 @p2 $0x1082  }
0x22: {  	[simem:s7], [sflag:s8] =	dma.local @!p0 [hbm:s6], $0xF7A  }
0x23: {  	s9 =	sor.u32 $0xD0000000, s2;
	s6 =	simm.s32 $0x108;
	_ =	swait.ge @!p0 [sflag:s8], $0x0  }
0x24: {  	s3 =	sadd.s32 $0x88, s3;
	s6 =	simm.s32 @!p1 $0x1082;
	[sflag:s4] =	ssyncset.s32 $0xFFFFF086  }
0x25: {  	[simem:s6], [sflag:s4] =	dma.local [hbm:s3], $0xF7A  }
0x26: {  	[smem:$0x3F93] =	sst s1;
	(tag) =	ssettag s2;
	_ =	strace s9  }
0x27: {  	s1 =	sld [smem:$0x3FA3]  }
0x28: {  	s2 =	sld [smem:$0x3FA4]  }
0x29: {  	s4 =	sld [smem:$0x3FA6]  }
0x2a: {  	p0 =	seq.s32 s5, $0x0;
	s5 =	sld [smem:$0x3FA7]  }
0x2b: {  	s6 =	sld [smem:$0x3FA8]  }
0x2c: {  	s7 =	sld [smem:$0x3FA9]  }
0x2d: {  	s3 =	simm.s32 $0x108;
	s8 =	sld [smem:$0x3FAA]  }
0x2e: {  	s3 =	simm.s32 @!p0 $0x1082;
	s9 =	sld [smem:$0x3FAB]  }
0x2f: {  	lr =	sadd.s32 s0, s3;
	s0 =	sld [smem:$0x3FA2]  }
0x30: {  	s3 =	sld [smem:$0x3FA5]  }
0x31: {  	[smem:$0x3FAE] =	sst s10  }
0x32: {  	s10 =	sld [smem:$0x3FAC];
	_ =	sdelay $0x3  }
0x33: {  	p0 =	seq.s32 s10, $0x1;
	s10 =	sld [smem:$0x3FAE];
	_ =	sdelay $0x3  }
0x34: {  	[smem:$0x3FAE] =	sst s10  }
0x35: {  	s10 =	sld [smem:$0x3FAD];
	_ =	sdelay $0x3  }
0x36: {  	p1 =	seq.s32 s10, $0x1;
	s10 =	sld [smem:$0x3FAE];
	_ =	sdelay $0x3  }
0x37: {  	[smem:$0x3FAE] =	sst s10  }
0x38: {  	s10 =	sld [smem:$0x3FAF]  }
0x39: {  	_ = 	snop;
	(pc) =	sbr.ind lr, $3  }
0x3a: {  	_ = 	snop  }
0x3b: {  	_ = 	snop  }
0x3c: {  	p2 =	seq.s32 s10, $0x1;
	s10 =	sld [smem:$0x3FAE]  }
0x3d: {  	_ =	shalt  }
0x3e: {  	_ =	shalt  }
0x3f: {  	_ =	shalt  }
0x40: {  	_ =	shalt  }
0x41: {  	_ =	shalt  }
0x42: {  	_ =	shalt  }
0x43: {  	_ =	shalt  }
0x44: {  	_ =	shalt  }
0x45: {  	_ =	shalt  }
0x46: {  	_ =	shalt  }
0x47: {  	_ =	shalt  }
0x48: {  	_ =	shalt  }
0x49: {  	_ =	shalt  }
0x4a: {  	_ =	shalt  }
0x4b: {  	_ =	shalt  }
0x4c: {  	_ =	shalt  }
0x4d: {  	_ =	shalt  }
0x4e: {  	_ =	shalt  }
0x4f: {  	_ =	shalt  }
0x50: {  	_ =	shalt  }
0x51: {  	_ =	shalt  }
0x52: {  	_ =	shalt  }
0x53: {  	_ =	shalt  }
0x54: {  	_ =	shalt  }
0x55: {  	_ =	shalt  }
0x56: {  	_ =	shalt  }
0x57: {  	_ =	shalt  }
0x58: {  	_ =	shalt  }
0x59: {  	_ =	shalt  }
0x5a: {  	_ =	shalt  }
0x5b: {  	_ =	shalt  }
0x5c: {  	_ =	shalt  }
0x5d: {  	_ =	shalt  }
0x5e: {  	_ =	shalt  }
0x5f: {  	_ =	shalt  }
0x60: {  	_ =	shalt  }
0x61: {  	_ =	shalt  }
0x62: {  	_ =	shalt  }
0x63: {  	_ =	shalt  }
0x64: {  	_ =	shalt  }
0x65: {  	_ =	shalt  }
0x66: {  	_ =	shalt  }
0x67: {  	_ =	shalt  }
0x68: {  	_ =	shalt  }
0x69: {  	_ =	shalt  }
0x6a: {  	_ =	shalt  }
0x6b: {  	_ =	shalt  }
0x6c: {  	_ =	shalt  }
0x6d: {  	_ =	shalt  }
0x6e: {  	_ =	shalt  }
0x6f: {  	_ =	shalt  }
0x70: {  	_ =	shalt  }
0x71: {  	_ =	shalt  }
0x72: {  	_ =	shalt  }
0x73: {  	_ =	shalt  }
0x74: {  	_ =	shalt  }
0x75: {  	_ =	shalt  }
0x76: {  	_ =	shalt  }
0x77: {  	_ =	shalt  }
0x78: {  	_ =	shalt  }
0x79: {  	_ =	shalt  }
0x7a: {  	_ =	shalt  }
0x7b: {  	_ =	shalt  }
0x7c: {  	_ =	shalt  }
0x7d: {  	_ =	shalt  }
0x7e: {  	_ =	shalt  }
0x7f: {  	_ =	shalt  }
0x80: {  	_ =	shalt  }
0x81: {  	_ =	shalt  }
0x82: {  	_ =	shalt  }
0x83: {  	_ =	shalt  }
0x84: {  	_ =	shalt  }
0x85: {  	_ =	shalt  }
0x86: {  	_ =	shalt  }
0x87: {  	_ =	shalt  }
.Lfunc_end0:
.L_simem_size_0:
called_computation_lowered:
.L_overlay_start_0:
0x88: {  	s2 =	sld [smem:$0x3FD9]  }
0x89: {  	s3 =	sld [smem:$0x3FFE];
	_ =	sdelay $0x1  }
0x8a: {  	s1 =	srdreg.scid  }
0x8b: {  	s0 =	sand.u32 $0x1, s1  }
0x8c: {  	s17 =	sshll.u32 s0, $0xA;
	s2 =	sadd.s32 s3, s2  }
0x8d: {  	s2 =	sadd.s32 s2, s17  }
0x8e: {  	[smem:$0x3FBA] =	sst s2  }
0x8f: {  	_ = 	snop  }
0x90: {  	s2 =	sld [smem:$0x3FD0];
	(tm) =	ssettm $0x1  }
0x91: {  	s18 =	sld [smem:$0x3FFB];
	_ =	sdelay $0x3  }
0x92: {  	_ =	strace s18  }
0x93: {  	s3 =	sld [smem:$0x3FFC];
	_ =	sdelay $0x3  }
0x94: {  	_ =	strace s3  }
0x95: {  	s3 =	sld [smem:$0x3FFD];
	_ =	sdelay $0x3  }
0x96: {  	_ =	strace s3  }
0x97: {  	_ =	strace $0x8FFFFFFF  }
0x98: {  	s19 =	sld [smem:$0x3FDB];
	_ =	sdelay $0x1  }
0x99: {  	s4 =	simm.s32 $_scs_section_size  }
0x9a: {  	s5 =	simm.s32 $_size__tile_overlayer_lowered;
	s6 =	simm.s32 $_tile_overlayer_lowered  }
0x9b: {  	s22 =	simm.s32 $0x1BFF;
	s21 =	sshll.u32 s6, $0x1;
	s3 =	sadd.s32 s4, s19  }
0x9c: {  	s7 =	simm.s32 $0x0;
	s20 =	sshll.u32 s5, $0x1;
	s5 =	sadd.s32 s21, s3  }
0x9d: {  	[timem:s7], [sflag:s22] =	dma.local [hbm:s5], s20  }
0x9e: {  	_ =	swait.ge [sflag:s22], s20  }
0x9f: {  	s4 =	ssub.s32 $0x0, s20;
	[sflag:s22] =	ssyncset.done $0x0  }
0xa0: {  	[sflag:s22] =	ssyncadd.s32 s4;
	_ =	sdelay $0x1  }
0xa1: {  	s23 =	simm.s32 $0x1B8B  }
0xa2: {  	_ =	swait.ge [sflag:s23], $0x1  }
0xa3: {  	[sflag:s23] =	ssyncset.done $0x0  }
0xa4: {  	s25 =	simm.s32 $0x1B8E;
	s24 =	sld [smem:$0x3FFE];
	[sflag:s23] =	ssyncadd.s32 $0xFFFFFFFF  }
0xa5: {  	s26 =	simm.s32 $execute0_lowered;
	[smem:$0x3FD2] =	sst s25  }
0xa6: {  	s5 =	sshll.u32 s26, $0x1;
	_ =	strace $0x80000046;
	[dreg:$0x1] =	wrdreg $0xFFFFFFFF  }
0xa7: {  	s28 =	simm.s32 $_size_execute0_lowered;
	s3 =	sadd.s32 s3, s5;
	[dreg:$0x0] =	wrdreg $0x0  }
0xa8: {  	s5 =	sshll.u32 s28, $0x1;
	[dreg:$0x2] =	wrdreg s3  }
0xa9: {  	[dreg:$0x3] =	wrdreg s5  }
0xaa: {  	[dreg:$0x4] =	wrdreg $0xC0  }
0xab: {  	_ =	task [dreg:s7], $0x5FFFF  }
0xac: {  	[dreg:$0x1] =	wrdreg $0xFFFFFFFF  }
0xad: {  	[dreg:$0x0] =	wrdreg $0x60  }
0xae: {  	[dreg:$0x2] =	wrdreg s2  }
0xaf: {  	[dreg:$0x3] =	wrdreg s24  }
0xb0: {  	[dreg:$0x4] =	wrdreg $0x12CA00  }
0xb1: {  	[dreg:$0x5] =	wrdreg $0x9  }
0xb2: {  	_ =	task.clear_ibuf [dreg:s7], $0x6FFFF;
	_ =	strace $0x90000046  }
0xb3: {  	s29 =	simm.s32 $0x9;
	_ =	strace $0x80000048  }
0xb4: {  	_ =	swait.ge [sflag:s29], $0x1  }
0xb5: {  	[sflag:s29] =	ssyncadd.s32 $0xFFFFFFFF  }
0xb6: {  	_ =	strace $0x90000048  }
0xb7: {  	_ =	sfence  }
0xb8: {  	s30 =	sld [smem:$0x0];
	_ =	sdelay $0x2  }
0xb9: {  	s31 =	sshll.u32 s1, $0xD;
	s1 =	sshrl.u32 s1, $0x2  }
0xba: {  	s3 =	sand.u32 $0x4000, s31;
	s1 =	sadd.s32 s1, s30  }
0xbb: {  	s0 =	sor.u32 s3, s0;
	s1 =	sshll.u32 s1, $0x11  }
0xbc: {  	s0 =	sor.u32 s1, s0  }
0xbd: {  	s0 =	sadd.s32 $0x8F2B, s0  }
0xbe: {  	[sflag:s0] =	ssyncadd.remote.s32 $0x1  }
0xbf: {  	_ =	sfence.sel $0xFFFF  }
0xc0: {  	[dreg:$0x0] =	wrdreg $0xFFFFFFFF;
	(pc) =	sbr.abs _section_cstart, $3  }
0xc1: {  	[dreg:$0x1] =	wrdreg $0xFFFFFFFF  }
0xc2: {  	_ =	task.clear_ibuf [dreg:s7], $0x2FFFF;
	_ =	strace $0x9FFFFFFF  }
0xc3: {  	(tm) =	ssettm $0x7FFFFFFF  }
tec
execute0_lowered:
.L_overlay_start_1:
0x0: {  	(tag) =	ssettag $0x1  }
0x1: {  	s1 =	rddreg [dreg:$0x0]  }
0x2: {  	s0 =	rddreg [dreg:$0x1]  }
0x3: {  	s3 =	rddreg [dreg:$0x2];
	s4 =	simm.s32 $0x0;
	s18 =	stileid.u32  }
0x4: {  	s6 =	srdreg.scid;
	s20 =	simm.s32 $0x7D;
	s21 =	simm.s32 $0xA000  }
0x5: {  	s23 =	simm.s32 $0xC328;
	s28 =	simm.s32 $0x10978;
	s29 =	simm.s32 $0x1  }
0x6: {  	s30 =	simm.s32 $0x2;
	s31 =	simm.s32 $0x9E00;
	s2 =	smul.u32 $0x5000, s18  }
0x7: {  	[smem:$0x7FF] =	sst s4;
	s5 =	sadd.s32 $0x2800, s0;
	s8 =	smul.u32 $0xB400, s18  }
0x8: {  	s10 =	sand.u32 $0x1, s6;
	s6 =	sadd.s32 $0x2C800, s0;
	s12 =	smul.u32 $0x2D000, s18  }
0x9: {  	s16 =	sadd.s32 $0xA8C00, s3;
	s25 =	sadd.s32 $0x59110, s0;
	_ =	strace $0x80000047  }
0xa: {  	s7 =	ssub.s32 $0x2, s10;
	p0 =	seq.s32 s10, $0x0;
	[dreg:$0x5] =	wrdreg s25  }
0xb: {  	p1 =	sne.s32 s10, $0x0;
	s25 =	simm.s32 $0xE650;
	s2 =	sshrl.u32 s2, $0x3  }
0xc: {  	s9 =	sshrl.u32 s8, $0x3;
	s11 =	sshrl.u32 s7, $0x1;
	s24 =	sshrl.u32 s12, $0x2  }
0xd: {  	s2 =	sadd.s32 s2, s0;
	s13 =	sadd.s32 s9, s0;
	s11 =	ssub.s32 s7, s11  }
0xe: {  	s0 =	sadd.s32 $0x43180, s0;
	s15 =	sadd.s32 $0x22800, s2;
	s7 =	sadd.s32 $0x18800, s2  }
0xf: {  	s2 =	sadd.s32 s24, s3;
	s9 =	sadd.s32 $0x43F90, s13;
	[dreg:$0x7] =	wrdreg s0  }
0x10: {  	s26 =	sadd.s32 $0x2E000, s13;
	s14 =	smax.u32 s11, $0x1;
	[dreg:$0x4] =	wrdreg s9  }
0x11: {  	s24 =	simm.s32 $0x100;
	s9 =	sadd.s32 s8, s3;
	[dreg:$0x6] =	wrdreg s26  }
.Ltmp0:
0x12: {  	s12 =	smov.u32 s15;
	s26 =	simm.s32 $0x180;
	(pc) =	sbr.rel .LBB2_1-.Ltmp0, $4  }
0x13: {  	s12 =	smov.u32 @p0 s7;
	s7 =	smov.u32 @p0 s15;
	p0 =	seq.s32 s18, $0xF  }
0x14: {  	s8 =	simm.s32 $0x0;
	s15 =	simm.s32 $0x3;
	s17 =	sshrl.u32 @p0 s16, $0x3  }
0x15: {  	s0 =	sshll.u32 @!p0 s18, $0x6;
	s19 =	sshrl.u32 @!p0 s2, $0x3;
	s2 =	simm.s32 $0x9F00  }
0x16: {  	s16 =	simm.s32 $0x9F80;
	s18 =	sor.u32 @!p0 $0x1C03, s0;
	s0 =	simm.s32 $0x9E80  }
.LBB2_7:
0x17: {  	[tilespmem:s28], [sflag:$0x1] =	stream.indirect.gather [hbm4b:s5+s20], $0x48, s13, s20, $0xb8;
	[tilespmem:$0x1DC68] =	vst v63  }
0x18: {  	_ =	swait.ge [sflag:s29], $0x2328  }
0x19: {  	[sflag:s29] =	ssyncset.done $0x0  }
0x1a: {  	[sflag:s29] =	ssyncadd.s32 $0xFFFFDCD8  }
0x1b: {  	[spmem:s3] =	stream.indirect.scatter.add.f32 [tilespmem:s21], [sflag:$0x2], $0x48, s31, s20, $0xb8;
	[tilespmem:$0x1DC68] =	vst v63  }
0x1c: {  	_ =	swait.ge [sflag:s30], $0x2328  }
0x1d: {  	[sflag:s30] =	ssyncset.done $0x0  }
0x1e: {  	[sflag:s30] =	ssyncadd.s32 $0xFFFFDCD8  }
0x1f: {  	_ =	swait.ge [sflag:s29], $0x2328  }
0x20: {  	[sflag:s29] =	ssyncset.done $0x0  }
0x21: {  	[sflag:s29] =	ssyncadd.s32 $0xFFFFDCD8  }
0x22: {  	[spmem:s3] =	stream.indirect.scatter.add.f32 [tilespmem:s23], [sflag:$0x2], $0x48, s0, s20, $0xb8;
	[tilespmem:$0x1DC68] =	vst v63  }
0x23: {  	_ =	swait.ge [sflag:s30], $0x2328  }
0x24: {  	[sflag:s30] =	ssyncset.done $0x0  }
0x25: {  	[sflag:s30] =	ssyncadd.s32 $0xFFFFDCD8  }
0x26: {  	_ =	swait.ge [sflag:s29], $0x2328  }
0x27: {  	[sflag:s29] =	ssyncset.done $0x0  }
0x28: {  	[sflag:s29] =	ssyncadd.s32 $0xFFFFDCD8  }
0x29: {  	[spmem:s3] =	stream.indirect.scatter.add.f32 [tilespmem:s25], [sflag:$0x2], $0x48, s2, s20, $0xb8;
	[tilespmem:$0x1DC68] =	vst v63  }
0x2a: {  	_ =	swait.ge [sflag:s30], $0x2328  }
0x2b: {  	[sflag:s30] =	ssyncset.done $0x0  }
0x2c: {  	[sflag:s30] =	ssyncadd.s32 $0xFFFFDCD8  }
0x2d: {  	_ =	swait.ge [sflag:s29], $0x2328  }
0x2e: {  	[sflag:s29] =	ssyncset.done $0x0  }
0x2f: {  	[sflag:s29] =	ssyncadd.s32 $0xFFFFDCD8  }
0x30: {  	[spmem:s3] =	stream.indirect.scatter.add.f32 [tilespmem:s28], [sflag:$0x2], $0x48, s16, s20, $0xb8;
	[tilespmem:$0x1DC68] =	vst v63  }
0x31: {  	_ =	swait.ge [sflag:s30], $0x2328  }
0x32: {  	[sflag:s30] =	ssyncset.done $0x0  }
0x33: {  	[sflag:s30] =	ssyncadd.s32 $0xFFFFDCD8  }
0x34: {  	[bflag:$0x0] =	sbarrier.arrive $0xFFFF  }
0x35: {  	s11 =	simm.s32 @p0 $0x1FC3;
	s13 =	rddreg [dreg:$0x5]  }
0x36: {  	[hbm:s13], [sflag:s11] =	dma.local @p0 [spmem:s17], $0xE10  }
0x37: {  	s11 =	simm.s32 @p0 $0x3  }
0x38: {  	_ =	swait.ge @p0 [sflag:s11], $0xE10  }
0x39: {  	[sflag:s11] =	ssyncset.done @p0 $0x0  }
0x3a: {  	[sflag:s11] =	ssyncadd.s32 @p0 $0xFFFFF1F0;
	s11 =	rddreg [dreg:$0x4]  }
0x3b: {  	[hbm:s11], [sflag:s18] =	dma.local @!p0 [spmem:s10], $0x1680  }
0x3c: {  	s10 =	simm.s32 @!p0 $0x3  }
0x3d: {  	_ =	swait.ge @!p0 [sflag:s10], $0x1680  }
0x3e: {  	[sflag:s10] =	ssyncset.done @!p0 $0x0  }
0x3f: {  	[sflag:s10] =	ssyncadd.s32 @!p0 $0xFFFFE980  }
.LBB2_8:
0x40: {  	s8 =	sadd.s32 $0x1, s8  }
0x41: {  	p2 =	sne.s32 s8, s14  }
.Ltmp1:
0x42: {  	_ = 	snop;
	(pc) =	sbr.rel @!p2 .LBB2_9-.Ltmp1, $1  }
0x43: {  	_ =	sdelay $0x3  }
.LBB2_1:
0x44: {  	[tilespmem:s4], [sflag:$0x3] =	stream.linear.gather [hbm4b:s12+s4], $0x5000, $0x38;
	[tilespmem:$0x1DC68] =	vst v63  }
0x45: {  	_ =	swait.ge [sflag:s15], $0x5000  }
0x46: {  	[sflag:s15] =	ssyncset.done $0x0  }
0x47: {  	s10 =	simm.s32 $0x5000;
	[sflag:s15] =	ssyncadd.s32 $0xFFFFB000  }
0x48: {  	[tilespmem:s10], [sflag:$0x3] =	stream.linear.gather [hbm4b:s7+s4], $0x5000, $0x38;
	[tilespmem:$0x1DC68] =	vst v63  }
0x49: {  	_ =	swait.ge [sflag:s15], $0x5000  }
0x4a: {  	[sflag:s15] =	ssyncset.done $0x0  }
0x4b: {  	s10 =	simm.s32 @p0 $0x1FC3;
	[sflag:s15] =	ssyncadd.s32 $0xFFFFB000  }
0x4c: {  	[spmem:s17], [sflag:s10] =	dma.local @p0 [hbm:s6], $0xE10  }
0x4d: {  	s10 =	simm.s32 @p0 $0x3  }
0x4e: {  	_ =	swait.ge @p0 [sflag:s10], $0xE10  }
0x4f: {  	[sflag:s10] =	ssyncset.done @p0 $0x0  }
0x50: {  	[sflag:s10] =	ssyncadd.s32 @p0 $0xFFFFF1F0;
	s10 =	simm.s32 @!p0 $0x3  }
0x51: {  	[spmem:s19], [sflag:s18] =	dma.local @!p0 [hbm:s6], $0x1680  }
.Ltmp2:
0x52: {  	_ =	swait.ge @!p0 [sflag:s10], $0x1680;
	(pc) =	sbr.rel @p1 .LBB2_5-.Ltmp2, $4  }
0x53: {  	[sflag:s10] =	ssyncset.done @!p0 $0x0  }
0x54: {  	[sflag:s10] =	ssyncadd.s32 @!p0 $0xFFFFE980  }
0x55: {  	[bflag:$0x0] =	sbarrier.arrive $0xFFFF  }
0x56: {  	s11 =	simm.s32 $0x0;
	s10 =	sshrl.u32 @!p0 s9, $0x3  }
0x57: {  	[tilespmem:s21], [sflag:$0x1] =	stream.indirect.gather [hbm4b:s1+s20], $0x48, s11, s20, $0xb8;
	[tilespmem:$0x1DC68] =	vst v63  }
0x58: {  	s13 =	simm.s32 $0x80  }
0x59: {  	[tilespmem:s23], [sflag:$0x1] =	stream.indirect.gather [hbm4b:s1+s20], $0x48, s13, s20, $0xb8;
	[tilespmem:$0x1DC68] =	vst v63  }
0x5a: {  	_ = 	snop  }
0x5b: {  	[tilespmem:s25], [sflag:$0x1] =	stream.indirect.gather [hbm4b:s1+s20], $0x48, s24, s20, $0xb8;
	[tilespmem:$0x1DC68] =	vst v63  }
0x5c: {  	_ = 	snop  }
0x5d: {  	[tilespmem:s28], [sflag:$0x1] =	stream.indirect.gather [hbm4b:s1+s20], $0x48, s26, s20, $0xb8;
	[tilespmem:$0x1DC68] =	vst v63  }
0x5e: {  	_ =	swait.ge [sflag:s29], $0x2328  }
0x5f: {  	[sflag:s29] =	ssyncset.done $0x0  }
0x60: {  	s22 =	simm.s32 $0x5000;
	[sflag:s29] =	ssyncadd.s32 $0xFFFFDCD8  }
0x61: {  	[spmem:s3] =	stream.indirect.scatter.add.f32 [tilespmem:s21], [sflag:$0x2], $0x48, s22, s20, $0xb8;
	[tilespmem:$0x1DC68] =	vst v63  }
0x62: {  	_ =	swait.ge [sflag:s30], $0x2328  }
0x63: {  	[sflag:s30] =	ssyncset.done $0x0  }
0x64: {  	s13 =	simm.s32 $0x200;
	[sflag:s30] =	ssyncadd.s32 $0xFFFFDCD8  }
0x65: {  	[tilespmem:s21], [sflag:$0x1] =	stream.indirect.gather [hbm4b:s1+s20], $0x48, s13, s20, $0xb8;
	[tilespmem:$0x1DC68] =	vst v63  }
0x66: {  	_ =	swait.ge [sflag:s29], $0x2328  }
0x67: {  	[sflag:s29] =	ssyncset.done $0x0  }
0x68: {  	s22 =	simm.s32 $0x5080;
	[sflag:s29] =	ssyncadd.s32 $0xFFFFDCD8  }
0x69: {  	[spmem:s3] =	stream.indirect.scatter.add.f32 [tilespmem:s23], [sflag:$0x2], $0x48, s22, s20, $0xb8;
	[tilespmem:$0x1DC68] =	vst v63  }
0x6a: {  	_ =	swait.ge [sflag:s30], $0x2328  }
0x6b: {  	[sflag:s30] =	ssyncset.done $0x0  }
0x6c: {  	s13 =	simm.s32 $0x280;
	[sflag:s30] =	ssyncadd.s32 $0xFFFFDCD8  }
0x6d: {  	[tilespmem:s23], [sflag:$0x1] =	stream.indirect.gather [hbm4b:s1+s20], $0x48, s13, s20, $0xb8;
	[tilespmem:$0x1DC68] =	vst v63  }
0x6e: {  	_ =	swait.ge [sflag:s29], $0x2328  }
0x6f: {  	[sflag:s29] =	ssyncset.done $0x0  }
0x70: {  	s22 =	simm.s32 $0x5100;
	[sflag:s29] =	ssyncadd.s32 $0xFFFFDCD8  }
0x71: {  	[spmem:s3] =	stream.indirect.scatter.add.f32 [tilespmem:s25], [sflag:$0x2], $0x48, s22, s20, $0xb8;
	[tilespmem:$0x1DC68] =	vst v63  }
0x72: {  	_ =	swait.ge [sflag:s30], $0x2328  }
0x73: {  	[sflag:s30] =	ssyncset.done $0x0  }
0x74: {  	s13 =	simm.s32 $0x300;
	[sflag:s30] =	ssyncadd.s32 $0xFFFFDCD8  }
0x75: {  	[tilespmem:s25], [sflag:$0x1] =	stream.indirect.gather [hbm4b:s1+s20], $0x48, s13, s20, $0xb8;
	[tilespmem:$0x1DC68] =	vst v63  }
0x76: {  	_ =	swait.ge [sflag:s29], $0x2328  }
0x77: {  	[sflag:s29] =	ssyncset.done $0x0  }
0x78: {  	s22 =	simm.s32 $0x5180;
	[sflag:s29] =	ssyncadd.s32 $0xFFFFDCD8  }
0x79: {  	[spmem:s3] =	stream.indirect.scatter.add.f32 [tilespmem:s28], [sflag:$0x2], $0x48, s22, s20, $0xb8;
	[tilespmem:$0x1DC68] =	vst v63  }
0x7a: {  	_ =	swait.ge [sflag:s30], $0x2328  }
0x7b: {  	[sflag:s30] =	ssyncset.done $0x0  }
0x7c: {  	s11 =	simm.s32 $0x800;
	s13 =	simm.s32 $0x380;
	[sflag:s30] =	ssyncadd.s32 $0xFFFFDCD8  }
.LBB2_3:
0x7d: {  	[tilespmem:s28], [sflag:$0x1] =	stream.indirect.gather [hbm4b:s1+s20], $0x48, s13, s20, $0xb8;
	[tilespmem:$0x1DC68] =	vst v63  }
0x7e: {  	s13 =	smov.u32 s11  }
0x7f: {  	p2 =	sne.s32 s11, $0x13000;
	s11 =	sadd.s32 $0x800, s11;
	_ =	swait.ge [sflag:s29], $0x2328  }
0x80: {  	s13 =	sshra.s32 s13, $0x2;
	[sflag:s29] =	ssyncset.done $0x0  }
0x81: {  	s22 =	sadd.s32 $0x5000, s13;
	[sflag:s29] =	ssyncadd.s32 $0xFFFFDCD8  }
0x82: {  	[spmem:s3] =	stream.indirect.scatter.add.f32 [tilespmem:s21], [sflag:$0x2], $0x48, s22, s20, $0xb8;
	[tilespmem:$0x1DC68] =	vst v63  }
0x83: {  	_ =	swait.ge [sflag:s30], $0x2328  }
0x84: {  	[sflag:s30] =	ssyncset.done $0x0  }
0x85: {  	s22 =	sadd.s32 $0x200, s13;
	[sflag:s30] =	ssyncadd.s32 $0xFFFFDCD8  }
0x86: {  	[tilespmem:s21], [sflag:$0x1] =	stream.indirect.gather [hbm4b:s1+s20], $0x48, s22, s20, $0xb8;
	[tilespmem:$0x1DC68] =	vst v63  }
0x87: {  	_ =	swait.ge [sflag:s29], $0x2328  }
0x88: {  	[sflag:s29] =	ssyncset.done $0x0  }
0x89: {  	s22 =	sadd.s32 $0x5080, s13;
	[sflag:s29] =	ssyncadd.s32 $0xFFFFDCD8  }
0x8a: {  	[spmem:s3] =	stream.indirect.scatter.add.f32 [tilespmem:s23], [sflag:$0x2], $0x48, s22, s20, $0xb8;
	[tilespmem:$0x1DC68] =	vst v63  }
0x8b: {  	_ =	swait.ge [sflag:s30], $0x2328  }
0x8c: {  	[sflag:s30] =	ssyncset.done $0x0  }
0x8d: {  	s22 =	sadd.s32 $0x280, s13;
	[sflag:s30] =	ssyncadd.s32 $0xFFFFDCD8  }
0x8e: {  	[tilespmem:s23], [sflag:$0x1] =	stream.indirect.gather [hbm4b:s1+s20], $0x48, s22, s20, $0xb8;
	[tilespmem:$0x1DC68] =	vst v63  }
0x8f: {  	_ =	swait.ge [sflag:s29], $0x2328  }
0x90: {  	[sflag:s29] =	ssyncset.done $0x0  }
0x91: {  	s22 =	sadd.s32 $0x5100, s13;
	[sflag:s29] =	ssyncadd.s32 $0xFFFFDCD8  }
0x92: {  	[spmem:s3] =	stream.indirect.scatter.add.f32 [tilespmem:s25], [sflag:$0x2], $0x48, s22, s20, $0xb8;
	[tilespmem:$0x1DC68] =	vst v63  }
0x93: {  	_ =	swait.ge [sflag:s30], $0x2328  }
0x94: {  	[sflag:s30] =	ssyncset.done $0x0  }
0x95: {  	s22 =	sadd.s32 $0x300, s13;
	[sflag:s30] =	ssyncadd.s32 $0xFFFFDCD8  }
0x96: {  	[tilespmem:s25], [sflag:$0x1] =	stream.indirect.gather [hbm4b:s1+s20], $0x48, s22, s20, $0xb8;
	[tilespmem:$0x1DC68] =	vst v63  }
0x97: {  	_ =	swait.ge [sflag:s29], $0x2328  }
0x98: {  	[sflag:s29] =	ssyncset.done $0x0  }
.Ltmp3:
0x99: {  	s22 =	sadd.s32 $0x5180, s13;
	[sflag:s29] =	ssyncadd.s32 $0xFFFFDCD8;
	(pc) =	sbr.rel @p2 .LBB2_3-.Ltmp3, $4  }
0x9a: {  	[spmem:s3] =	stream.indirect.scatter.add.f32 [tilespmem:s28], [sflag:$0x2], $0x48, s22, s20, $0xb8;
	[tilespmem:$0x1DC68] =	vst v63  }
0x9b: {  	_ =	swait.ge [sflag:s30], $0x2328  }
0x9c: {  	[sflag:s30] =	ssyncset.done $0x0  }
0x9d: {  	s13 =	sadd.s32 $0x380, s13;
	[sflag:s30] =	ssyncadd.s32 $0xFFFFDCD8  }
0x9e: {  	[tilespmem:s28], [sflag:$0x1] =	stream.indirect.gather [hbm4b:s1+s20], $0x48, s13, s20, $0xb8;
	[tilespmem:$0x1DC68] =	vst v63  }
0x9f: {  	_ =	swait.ge [sflag:s29], $0x2328  }
0xa0: {  	[sflag:s29] =	ssyncset.done $0x0  }
0xa1: {  	[sflag:s29] =	ssyncadd.s32 $0xFFFFDCD8  }
0xa2: {  	[spmem:s3] =	stream.indirect.scatter.add.f32 [tilespmem:s21], [sflag:$0x2], $0x48, s31, s20, $0xb8;
	[tilespmem:$0x1DC68] =	vst v63  }
0xa3: {  	_ =	swait.ge [sflag:s30], $0x2328  }
0xa4: {  	[sflag:s30] =	ssyncset.done $0x0  }
0xa5: {  	[sflag:s30] =	ssyncadd.s32 $0xFFFFDCD8  }
0xa6: {  	_ =	swait.ge [sflag:s29], $0x2328  }
0xa7: {  	[sflag:s29] =	ssyncset.done $0x0  }
0xa8: {  	[sflag:s29] =	ssyncadd.s32 $0xFFFFDCD8  }
0xa9: {  	[spmem:s3] =	stream.indirect.scatter.add.f32 [tilespmem:s23], [sflag:$0x2], $0x48, s0, s20, $0xb8;
	[tilespmem:$0x1DC68] =	vst v63  }
0xaa: {  	_ =	swait.ge [sflag:s30], $0x2328  }
0xab: {  	[sflag:s30] =	ssyncset.done $0x0  }
0xac: {  	[sflag:s30] =	ssyncadd.s32 $0xFFFFDCD8  }
0xad: {  	_ =	swait.ge [sflag:s29], $0x2328  }
0xae: {  	[sflag:s29] =	ssyncset.done $0x0  }
0xaf: {  	[sflag:s29] =	ssyncadd.s32 $0xFFFFDCD8  }
0xb0: {  	[spmem:s3] =	stream.indirect.scatter.add.f32 [tilespmem:s25], [sflag:$0x2], $0x48, s2, s20, $0xb8;
	[tilespmem:$0x1DC68] =	vst v63  }
0xb1: {  	_ =	swait.ge [sflag:s30], $0x2328  }
0xb2: {  	[sflag:s30] =	ssyncset.done $0x0  }
0xb3: {  	[sflag:s30] =	ssyncadd.s32 $0xFFFFDCD8  }
0xb4: {  	_ =	swait.ge [sflag:s29], $0x2328  }
0xb5: {  	[sflag:s29] =	ssyncset.done $0x0  }
0xb6: {  	[sflag:s29] =	ssyncadd.s32 $0xFFFFDCD8  }
0xb7: {  	[spmem:s3] =	stream.indirect.scatter.add.f32 [tilespmem:s28], [sflag:$0x2], $0x48, s16, s20, $0xb8;
	[tilespmem:$0x1DC68] =	vst v63  }
0xb8: {  	_ =	swait.ge [sflag:s30], $0x2328  }
0xb9: {  	[sflag:s30] =	ssyncset.done $0x0  }
0xba: {  	[sflag:s30] =	ssyncadd.s32 $0xFFFFDCD8  }
0xbb: {  	[bflag:$0x0] =	sbarrier.arrive $0xFFFF  }
0xbc: {  	s11 =	simm.s32 @p0 $0x1FC3;
	s13 =	rddreg [dreg:$0x7]  }
0xbd: {  	[hbm:s13], [sflag:s11] =	dma.local @p0 [spmem:s17], $0xE10  }
0xbe: {  	s11 =	simm.s32 @p0 $0x3  }
0xbf: {  	_ =	swait.ge @p0 [sflag:s11], $0xE10  }
0xc0: {  	[sflag:s11] =	ssyncset.done @p0 $0x0  }
0xc1: {  	[sflag:s11] =	ssyncadd.s32 @p0 $0xFFFFF1F0;
	s11 =	rddreg [dreg:$0x6]  }
0xc2: {  	[hbm:s11], [sflag:s18] =	dma.local @!p0 [spmem:s10], $0x1680  }
.Ltmp4:
0xc3: {  	_ = 	snop;
	(pc) =	sbr.rel .LBB2_8-.Ltmp4, $4  }
0xc4: {  	s10 =	simm.s32 @!p0 $0x3  }
0xc5: {  	_ =	swait.ge @!p0 [sflag:s10], $0x1680  }
0xc6: {  	[sflag:s10] =	ssyncset.done @!p0 $0x0  }
0xc7: {  	[sflag:s10] =	ssyncadd.s32 @!p0 $0xFFFFE980  }
.LBB2_5:
0xc8: {  	[tilespmem:s21], [sflag:$0x1] =	stream.indirect.gather [hbm4b:s5+s20], $0x48, s11, s20, $0xb8;
	[tilespmem:$0x1DC68] =	vst v63  }
0xc9: {  	s13 =	simm.s32 $0x80  }
0xca: {  	[tilespmem:s23], [sflag:$0x1] =	stream.indirect.gather [hbm4b:s5+s20], $0x48, s13, s20, $0xb8;
	[tilespmem:$0x1DC68] =	vst v63  }
0xcb: {  	_ = 	snop  }
0xcc: {  	[tilespmem:s25], [sflag:$0x1] =	stream.indirect.gather [hbm4b:s5+s20], $0x48, s24, s20, $0xb8;
	[tilespmem:$0x1DC68] =	vst v63  }
0xcd: {  	_ = 	snop  }
0xce: {  	[tilespmem:s28], [sflag:$0x1] =	stream.indirect.gather [hbm4b:s5+s20], $0x48, s26, s20, $0xb8;
	[tilespmem:$0x1DC68] =	vst v63  }
0xcf: {  	_ =	swait.ge [sflag:s29], $0x2328  }
0xd0: {  	[sflag:s29] =	ssyncset.done $0x0  }
0xd1: {  	s22 =	simm.s32 $0x5000;
	[sflag:s29] =	ssyncadd.s32 $0xFFFFDCD8  }
0xd2: {  	[spmem:s3] =	stream.indirect.scatter.add.f32 [tilespmem:s21], [sflag:$0x2], $0x48, s22, s20, $0xb8;
	[tilespmem:$0x1DC68] =	vst v63  }
0xd3: {  	_ =	swait.ge [sflag:s30], $0x2328  }
0xd4: {  	[sflag:s30] =	ssyncset.done $0x0  }
0xd5: {  	s13 =	simm.s32 $0x200;
	[sflag:s30] =	ssyncadd.s32 $0xFFFFDCD8  }
0xd6: {  	[tilespmem:s21], [sflag:$0x1] =	stream.indirect.gather [hbm4b:s5+s20], $0x48, s13, s20, $0xb8;
	[tilespmem:$0x1DC68] =	vst v63  }
0xd7: {  	_ =	swait.ge [sflag:s29], $0x2328  }
0xd8: {  	[sflag:s29] =	ssyncset.done $0x0  }
0xd9: {  	s22 =	simm.s32 $0x5080;
	[sflag:s29] =	ssyncadd.s32 $0xFFFFDCD8  }
0xda: {  	[spmem:s3] =	stream.indirect.scatter.add.f32 [tilespmem:s23], [sflag:$0x2], $0x48, s22, s20, $0xb8;
	[tilespmem:$0x1DC68] =	vst v63  }
0xdb: {  	_ =	swait.ge [sflag:s30], $0x2328  }
0xdc: {  	[sflag:s30] =	ssyncset.done $0x0  }
0xdd: {  	s13 =	simm.s32 $0x280;
	[sflag:s30] =	ssyncadd.s32 $0xFFFFDCD8  }
0xde: {  	[tilespmem:s23], [sflag:$0x1] =	stream.indirect.gather [hbm4b:s5+s20], $0x48, s13, s20, $0xb8;
	[tilespmem:$0x1DC68] =	vst v63  }
0xdf: {  	_ =	swait.ge [sflag:s29], $0x2328  }
0xe0: {  	[sflag:s29] =	ssyncset.done $0x0  }
0xe1: {  	s22 =	simm.s32 $0x5100;
	[sflag:s29] =	ssyncadd.s32 $0xFFFFDCD8  }
0xe2: {  	[spmem:s3] =	stream.indirect.scatter.add.f32 [tilespmem:s25], [sflag:$0x2], $0x48, s22, s20, $0xb8;
	[tilespmem:$0x1DC68] =	vst v63  }
0xe3: {  	_ =	swait.ge [sflag:s30], $0x2328  }
0xe4: {  	[sflag:s30] =	ssyncset.done $0x0  }
0xe5: {  	s13 =	simm.s32 $0x300;
	[sflag:s30] =	ssyncadd.s32 $0xFFFFDCD8  }
0xe6: {  	[tilespmem:s25], [sflag:$0x1] =	stream.indirect.gather [hbm4b:s5+s20], $0x48, s13, s20, $0xb8;
	[tilespmem:$0x1DC68] =	vst v63  }
0xe7: {  	_ =	swait.ge [sflag:s29], $0x2328  }
0xe8: {  	[sflag:s29] =	ssyncset.done $0x0  }
0xe9: {  	s22 =	simm.s32 $0x5180;
	[sflag:s29] =	ssyncadd.s32 $0xFFFFDCD8  }
0xea: {  	[spmem:s3] =	stream.indirect.scatter.add.f32 [tilespmem:s28], [sflag:$0x2], $0x48, s22, s20, $0xb8;
	[tilespmem:$0x1DC68] =	vst v63  }
0xeb: {  	_ =	swait.ge [sflag:s30], $0x2328  }
0xec: {  	[sflag:s30] =	ssyncset.done $0x0  }
0xed: {  	s11 =	simm.s32 $0x800;
	s13 =	simm.s32 $0x380;
	[sflag:s30] =	ssyncadd.s32 $0xFFFFDCD8  }
.LBB2_6:
0xee: {  	[tilespmem:s28], [sflag:$0x1] =	stream.indirect.gather [hbm4b:s5+s20], $0x48, s13, s20, $0xb8;
	[tilespmem:$0x1DC68] =	vst v63  }
0xef: {  	s13 =	smov.u32 s11  }
0xf0: {  	p2 =	sne.s32 s11, $0x13000;
	s11 =	sadd.s32 $0x800, s11;
	_ =	swait.ge [sflag:s29], $0x2328  }
0xf1: {  	s13 =	sshra.s32 s13, $0x2;
	[sflag:s29] =	ssyncset.done $0x0  }
0xf2: {  	s22 =	sadd.s32 $0x5000, s13;
	[sflag:s29] =	ssyncadd.s32 $0xFFFFDCD8  }
0xf3: {  	[spmem:s3] =	stream.indirect.scatter.add.f32 [tilespmem:s21], [sflag:$0x2], $0x48, s22, s20, $0xb8;
	[tilespmem:$0x1DC68] =	vst v63  }
0xf4: {  	_ =	swait.ge [sflag:s30], $0x2328  }
0xf5: {  	[sflag:s30] =	ssyncset.done $0x0  }
0xf6: {  	s22 =	sadd.s32 $0x200, s13;
	[sflag:s30] =	ssyncadd.s32 $0xFFFFDCD8  }
0xf7: {  	[tilespmem:s21], [sflag:$0x1] =	stream.indirect.gather [hbm4b:s5+s20], $0x48, s22, s20, $0xb8;
	[tilespmem:$0x1DC68] =	vst v63  }
0xf8: {  	_ =	swait.ge [sflag:s29], $0x2328  }
0xf9: {  	[sflag:s29] =	ssyncset.done $0x0  }
0xfa: {  	s22 =	sadd.s32 $0x5080, s13;
	[sflag:s29] =	ssyncadd.s32 $0xFFFFDCD8  }
0xfb: {  	[spmem:s3] =	stream.indirect.scatter.add.f32 [tilespmem:s23], [sflag:$0x2], $0x48, s22, s20, $0xb8;
	[tilespmem:$0x1DC68] =	vst v63  }
0xfc: {  	_ =	swait.ge [sflag:s30], $0x2328  }
0xfd: {  	[sflag:s30] =	ssyncset.done $0x0  }
0xfe: {  	s22 =	sadd.s32 $0x280, s13;
	[sflag:s30] =	ssyncadd.s32 $0xFFFFDCD8  }
0xff: {  	[tilespmem:s23], [sflag:$0x1] =	stream.indirect.gather [hbm4b:s5+s20], $0x48, s22, s20, $0xb8;
	[tilespmem:$0x1DC68] =	vst v63  }
0x100: {  	_ =	swait.ge [sflag:s29], $0x2328  }
0x101: {  	[sflag:s29] =	ssyncset.done $0x0  }
0x102: {  	s22 =	sadd.s32 $0x5100, s13;
	[sflag:s29] =	ssyncadd.s32 $0xFFFFDCD8  }
0x103: {  	[spmem:s3] =	stream.indirect.scatter.add.f32 [tilespmem:s25], [sflag:$0x2], $0x48, s22, s20, $0xb8;
	[tilespmem:$0x1DC68] =	vst v63  }
0x104: {  	_ =	swait.ge [sflag:s30], $0x2328  }
0x105: {  	[sflag:s30] =	ssyncset.done $0x0  }
0x106: {  	s22 =	sadd.s32 $0x300, s13;
	[sflag:s30] =	ssyncadd.s32 $0xFFFFDCD8  }
0x107: {  	[tilespmem:s25], [sflag:$0x1] =	stream.indirect.gather [hbm4b:s5+s20], $0x48, s22, s20, $0xb8;
	[tilespmem:$0x1DC68] =	vst v63  }
0x108: {  	_ =	swait.ge [sflag:s29], $0x2328  }
0x109: {  	[sflag:s29] =	ssyncset.done $0x0  }
.Ltmp5:
0x10a: {  	s22 =	sadd.s32 $0x5180, s13;
	[sflag:s29] =	ssyncadd.s32 $0xFFFFDCD8;
	(pc) =	sbr.rel @p2 .LBB2_6-.Ltmp5, $4  }
0x10b: {  	[spmem:s3] =	stream.indirect.scatter.add.f32 [tilespmem:s28], [sflag:$0x2], $0x48, s22, s20, $0xb8;
	[tilespmem:$0x1DC68] =	vst v63  }
0x10c: {  	_ =	swait.ge [sflag:s30], $0x2328  }
0x10d: {  	[sflag:s30] =	ssyncset.done $0x0  }
0x10e: {  	s13 =	sadd.s32 $0x380, s13;
	[sflag:s30] =	ssyncadd.s32 $0xFFFFDCD8  }
.Ltmp6:
0x10f: {  	_ = 	snop;
	(pc) =	sbr.rel .LBB2_7-.Ltmp6, $1  }
0x110: {  	_ =	sdelay $0x3  }
.LBB2_9:
0x111: {  	_ =	sfence.sel $0x180000  }
0x112: {  	[bflag:$0x0] =	sbarrier.arrive $0xFFFF  }
0x113: {  	_ =	strace $0x90000047  }
0x114: {  	s0 =	stileid.u32;
	[bflag:$0x2] =	sbarrier.arrive $0xFFFF  }
0x115: {  	p0 =	sne.s32 s0, $0x0;
	s0 =	rddreg [dreg:$0x3]  }
0x116: {  	s0 =	sadd.s32 @!p0 $0x100000, s0  }
0x117: {  	[sflag:s0] =	ssyncadd.tile.s32 @!p0 $0x1;
	_ =	shalt  }
.Lfunc_end2:
_tile_overlayer_lowered:
.L_overlay_start_2:
0x118: {  	(tag) =	ssettag $0x2  }
0x119: {  	s0 =	rddreg [dreg:$0x0];
	s2 =	stileid.u32  }
0x11a: {  	s1 =	rddreg [dreg:$0x1];
	p0 =	sne.s32 s2, $0x0  }
0x11b: {  	s3 =	rddreg [dreg:$0x2];
	[bflag:$0x3] =	sbarrier.arrive $0xFFFF;
	s2 =	simm.s32 @!p0 $0x1C03  }
0x11c: {  	[timem:s3], [sflag:s2] =	dma.local @!p0 [hbm:s0], s1  }
0x11d: {  	s0 =	simm.s32 @!p0 $0x3  }
0x11e: {  	_ =	swait.ge @!p0 [sflag:s0], s1  }
0x11f: {  	s1 =	ssub.s32 @!p0 $0x0, s1;
	[sflag:s0] =	ssyncset.done @!p0 $0x0  }
0x120: {  	[sflag:s0] =	ssyncadd.s32 @!p0 s1  }
0x121: {  	[bflag:$0x3] =	sbarrier.arrive $0xFFFF  }
0x122: {  	_ =	shalt  }

// kernel: kernel.9.cloned.1.call-start
scs
__scs_entry_jumppad:
0x0: {  	(pc) =	sbr.rel $0x88, $3  }
0x1: {  	(tag) =	ssettag $0x0;
	lr =	simm.s32 $0x1  }
0x2: {  	[smem:$0x3F93] =	sst lr;
	_ =	strace $0xD0000000  }
0x3: {  	_ = 	snop  }
0x4: {  	_ = 	snop  }
0x5: {  	_ = 	snop  }
0x6: {  	_ = 	snop  }
0x7: {  	_ = 	snop  }
__scs_overlays_trampoline_lowered:
0x8: {  	[smem:$0x3FA2] =	sst s0  }
0x9: {  	[smem:$0x3FA3] =	sst s1  }
0xa: {  	[smem:$0x3FA4] =	sst s2  }
0xb: {  	[smem:$0x3FA5] =	sst s3  }
0xc: {  	[smem:$0x3FA6] =	sst s4  }
0xd: {  	[smem:$0x3FA7] =	sst s5  }
0xe: {  	[smem:$0x3FA8] =	sst s6  }
0xf: {  	[smem:$0x3FA9] =	sst s7  }
0x10: {  	[smem:$0x3FAA] =	sst s8  }
0x11: {  	[smem:$0x3FAB] =	sst s9;
	s0 =	simm.s32 @!p0 $0x0  }
0x12: {  	s1 =	sld [smem:$0x3F91];
	s0 =	simm.s32 @p0 $0x1  }
0x13: {  	[smem:$0x3FAC] =	sst s0;
	s0 =	simm.s32 @!p1 $0x0  }
0x14: {  	s2 =	sld [smem:$0x3F90];
	s0 =	simm.s32 @p1 $0x1  }
0x15: {  	[smem:$0x3FAD] =	sst s0;
	s0 =	simm.s32 @!p2 $0x0  }
0x16: {  	s3 =	sld [smem:$0x3FDB];
	s0 =	simm.s32 @p2 $0x1  }
0x17: {  	s4 =	simm.s32 $0x1BF5;
	[smem:$0x3FAF] =	sst s0  }
0x18: {  	s0 =	sld [smem:$0x3F92];
	_ =	swait.ge [sflag:s4], $0x0  }
0x19: {  	s7 =	sld [smem:$0x3F93]  }
0x1a: {  	s8 =	sadd.s32 $0xFFFFE003, lr  }
0x1b: {  	s9 =	sadd.s32 $0xFFFFFEF7, lr;
	s5 =	simm.s32 $0xFFFFFFFF;
	p2 =	slt.u32 s8, $0xFFFFF086  }
0x1c: {  	p1 =	slt.u32 s9, $0xF7A;
	s5 =	simm.s32 @!p2 $0x0  }
0x1d: {  	s5 =	simm.s32 @p1 $0x1;
	p0 =	seq.s32 s7, s2  }
0x1e: {  	s7 =	smul.u32 @!p0 $0xF7A, s2;
	p2 =	seq.s32 @!p0 s5, $0x0  }
0x1f: {  	s9 =	smul.u32 $0xF7A, s1;
	s8 =	simm.s32 @!p0 $0x1BF5;
	p2 =	por !p2, p0  }
0x20: {  	[sflag:s8] =	ssyncset.s32 @!p0 $0xFFFFF086;
	s6 =	sadd.s32 @!p0 s3, s7;
	s7 =	simm.s32 @!p0 $0x108  }
0x21: {  	s3 =	sadd.s32 s3, s9;
	s6 =	sadd.s32 @!p0 $0x88, s6;
	s7 =	simm.s32 @p2 $0x1082  }
0x22: {  	[simem:s7], [sflag:s8] =	dma.local @!p0 [hbm:s6], $0xF7A  }
0x23: {  	s9 =	sor.u32 $0xD0000000, s2;
	s6 =	simm.s32 $0x108;
	_ =	swait.ge @!p0 [sflag:s8], $0x0  }
0x24: {  	s3 =	sadd.s32 $0x88, s3;
	s6 =	simm.s32 @!p1 $0x1082;
	[sflag:s4] =	ssyncset.s32 $0xFFFFF086  }
0x25: {  	[simem:s6], [sflag:s4] =	dma.local [hbm:s3], $0xF7A  }
0x26: {  	[smem:$0x3F93] =	sst s1;
	(tag) =	ssettag s2;
	_ =	strace s9  }
0x27: {  	s1 =	sld [smem:$0x3FA3]  }
0x28: {  	s2 =	sld [smem:$0x3FA4]  }
0x29: {  	s4 =	sld [smem:$0x3FA6]  }
0x2a: {  	p0 =	seq.s32 s5, $0x0;
	s5 =	sld [smem:$0x3FA7]  }
0x2b: {  	s6 =	sld [smem:$0x3FA8]  }
0x2c: {  	s7 =	sld [smem:$0x3FA9]  }
0x2d: {  	s3 =	simm.s32 $0x108;
	s8 =	sld [smem:$0x3FAA]  }
0x2e: {  	s3 =	simm.s32 @!p0 $0x1082;
	s9 =	sld [smem:$0x3FAB]  }
0x2f: {  	lr =	sadd.s32 s0, s3;
	s0 =	sld [smem:$0x3FA2]  }
0x30: {  	s3 =	sld [smem:$0x3FA5]  }
0x31: {  	[smem:$0x3FAE] =	sst s10  }
0x32: {  	s10 =	sld [smem:$0x3FAC];
	_ =	sdelay $0x3  }
0x33: {  	p0 =	seq.s32 s10, $0x1;
	s10 =	sld [smem:$0x3FAE];
	_ =	sdelay $0x3  }
0x34: {  	[smem:$0x3FAE] =	sst s10  }
0x35: {  	s10 =	sld [smem:$0x3FAD];
	_ =	sdelay $0x3  }
0x36: {  	p1 =	seq.s32 s10, $0x1;
	s10 =	sld [smem:$0x3FAE];
	_ =	sdelay $0x3  }
0x37: {  	[smem:$0x3FAE] =	sst s10  }
0x38: {  	s10 =	sld [smem:$0x3FAF]  }
0x39: {  	_ = 	snop;
	(pc) =	sbr.ind lr, $3  }
0x3a: {  	_ = 	snop  }
0x3b: {  	_ = 	snop  }
0x3c: {  	p2 =	seq.s32 s10, $0x1;
	s10 =	sld [smem:$0x3FAE]  }
0x3d: {  	_ =	shalt  }
0x3e: {  	_ =	shalt  }
0x3f: {  	_ =	shalt  }
0x40: {  	_ =	shalt  }
0x41: {  	_ =	shalt  }
0x42: {  	_ =	shalt  }
0x43: {  	_ =	shalt  }
0x44: {  	_ =	shalt  }
0x45: {  	_ =	shalt  }
0x46: {  	_ =	shalt  }
0x47: {  	_ =	shalt  }
0x48: {  	_ =	shalt  }
0x49: {  	_ =	shalt  }
0x4a: {  	_ =	shalt  }
0x4b: {  	_ =	shalt  }
0x4c: {  	_ =	shalt  }
0x4d: {  	_ =	shalt  }
0x4e: {  	_ =	shalt  }
0x4f: {  	_ =	shalt  }
0x50: {  	_ =	shalt  }
0x51: {  	_ =	shalt  }
0x52: {  	_ =	shalt  }
0x53: {  	_ =	shalt  }
0x54: {  	_ =	shalt  }
0x55: {  	_ =	shalt  }
0x56: {  	_ =	shalt  }
0x57: {  	_ =	shalt  }
0x58: {  	_ =	shalt  }
0x59: {  	_ =	shalt  }
0x5a: {  	_ =	shalt  }
0x5b: {  	_ =	shalt  }
0x5c: {  	_ =	shalt  }
0x5d: {  	_ =	shalt  }
0x5e: {  	_ =	shalt  }
0x5f: {  	_ =	shalt  }
0x60: {  	_ =	shalt  }
0x61: {  	_ =	shalt  }
0x62: {  	_ =	shalt  }
0x63: {  	_ =	shalt  }
0x64: {  	_ =	shalt  }
0x65: {  	_ =	shalt  }
0x66: {  	_ =	shalt  }
0x67: {  	_ =	shalt  }
0x68: {  	_ =	shalt  }
0x69: {  	_ =	shalt  }
0x6a: {  	_ =	shalt  }
0x6b: {  	_ =	shalt  }
0x6c: {  	_ =	shalt  }
0x6d: {  	_ =	shalt  }
0x6e: {  	_ =	shalt  }
0x6f: {  	_ =	shalt  }
0x70: {  	_ =	shalt  }
0x71: {  	_ =	shalt  }
0x72: {  	_ =	shalt  }
0x73: {  	_ =	shalt  }
0x74: {  	_ =	shalt  }
0x75: {  	_ =	shalt  }
0x76: {  	_ =	shalt  }
0x77: {  	_ =	shalt  }
0x78: {  	_ =	shalt  }
0x79: {  	_ =	shalt  }
0x7a: {  	_ =	shalt  }
0x7b: {  	_ =	shalt  }
0x7c: {  	_ =	shalt  }
0x7d: {  	_ =	shalt  }
0x7e: {  	_ =	shalt  }
0x7f: {  	_ =	shalt  }
0x80: {  	_ =	shalt  }
0x81: {  	_ =	shalt  }
0x82: {  	_ =	shalt  }
0x83: {  	_ =	shalt  }
0x84: {  	_ =	shalt  }
0x85: {  	_ =	shalt  }
0x86: {  	_ =	shalt  }
0x87: {  	_ =	shalt  }
.Lfunc_end0:
.L_simem_size_0:
called_computation.1_lowered:
.L_overlay_start_0:
0x88: {  	s2 =	sld [smem:$0x3FD9]  }
0x89: {  	s3 =	sld [smem:$0x3FFE];
	_ =	sdelay $0x1  }
0x8a: {  	s1 =	srdreg.scid  }
0x8b: {  	s0 =	sand.u32 $0x1, s1  }
0x8c: {  	s17 =	sshll.u32 s0, $0xA;
	s2 =	sadd.s32 s3, s2  }
0x8d: {  	s2 =	sadd.s32 s2, s17  }
0x8e: {  	[smem:$0x3FBA] =	sst s2  }
0x8f: {  	_ = 	snop  }
0x90: {  	s2 =	sld [smem:$0x3FD0];
	(tm) =	ssettm $0x1  }
0x91: {  	s18 =	sld [smem:$0x3FFB];
	_ =	sdelay $0x3  }
0x92: {  	_ =	strace s18  }
0x93: {  	s3 =	sld [smem:$0x3FFC];
	_ =	sdelay $0x3  }
0x94: {  	_ =	strace s3  }
0x95: {  	s3 =	sld [smem:$0x3FFD];
	_ =	sdelay $0x3  }
0x96: {  	_ =	strace s3  }
0x97: {  	_ =	strace $0x8FFFFFFF  }
0x98: {  	s19 =	sld [smem:$0x3FDB];
	_ =	sdelay $0x1  }
0x99: {  	s4 =	simm.s32 $_scs_section_size  }
0x9a: {  	s5 =	simm.s32 $_size__tile_overlayer_lowered;
	s6 =	simm.s32 $_tile_overlayer_lowered  }
0x9b: {  	s22 =	simm.s32 $0x1BFF;
	s21 =	sshll.u32 s6, $0x1;
	s3 =	sadd.s32 s4, s19  }
0x9c: {  	s7 =	simm.s32 $0x0;
	s20 =	sshll.u32 s5, $0x1;
	s5 =	sadd.s32 s21, s3  }
0x9d: {  	[timem:s7], [sflag:s22] =	dma.local [hbm:s5], s20  }
0x9e: {  	_ =	swait.ge [sflag:s22], s20  }
0x9f: {  	s4 =	ssub.s32 $0x0, s20;
	[sflag:s22] =	ssyncset.done $0x0  }
0xa0: {  	[sflag:s22] =	ssyncadd.s32 s4;
	_ =	sdelay $0x1  }
0xa1: {  	s23 =	simm.s32 $0x1B8B  }
0xa2: {  	_ =	swait.ge [sflag:s23], $0x1  }
0xa3: {  	[sflag:s23] =	ssyncset.done $0x0  }
0xa4: {  	s25 =	simm.s32 $0x1B8E;
	s24 =	sld [smem:$0x3FFE];
	[sflag:s23] =	ssyncadd.s32 $0xFFFFFFFF  }
0xa5: {  	s26 =	simm.s32 $execute0_lowered;
	[smem:$0x3FD2] =	sst s25  }
0xa6: {  	s5 =	sshll.u32 s26, $0x1;
	_ =	strace $0x80000049;
	[dreg:$0x1] =	wrdreg $0xFFFFFFFF  }
0xa7: {  	s28 =	simm.s32 $_size_execute0_lowered;
	s3 =	sadd.s32 s3, s5;
	[dreg:$0x0] =	wrdreg $0x0  }
0xa8: {  	s5 =	sshll.u32 s28, $0x1;
	[dreg:$0x2] =	wrdreg s3  }
0xa9: {  	[dreg:$0x3] =	wrdreg s5  }
0xaa: {  	[dreg:$0x4] =	wrdreg $0xC0  }
0xab: {  	_ =	task [dreg:s7], $0x5FFFF  }
0xac: {  	[dreg:$0x1] =	wrdreg $0xFFFFFFFF  }
0xad: {  	[dreg:$0x0] =	wrdreg $0x60  }
0xae: {  	[dreg:$0x2] =	wrdreg s24  }
0xaf: {  	[dreg:$0x3] =	wrdreg s2  }
0xb0: {  	[dreg:$0x4] =	wrdreg $0x11D000  }
0xb1: {  	[dreg:$0x5] =	wrdreg $0x9  }
0xb2: {  	_ =	task.clear_ibuf [dreg:s7], $0x6FFFF;
	_ =	strace $0x90000049  }
0xb3: {  	s29 =	simm.s32 $0x9;
	_ =	strace $0x8000004B  }
0xb4: {  	_ =	swait.ge [sflag:s29], $0x1  }
0xb5: {  	[sflag:s29] =	ssyncadd.s32 $0xFFFFFFFF  }
0xb6: {  	_ =	strace $0x9000004B  }
0xb7: {  	_ =	sfence  }
0xb8: {  	s30 =	sld [smem:$0x0];
	_ =	sdelay $0x2  }
0xb9: {  	s31 =	sshll.u32 s1, $0xD;
	s1 =	sshrl.u32 s1, $0x2  }
0xba: {  	s3 =	sand.u32 $0x4000, s31;
	s1 =	sadd.s32 s1, s30  }
0xbb: {  	s0 =	sor.u32 s3, s0;
	s1 =	sshll.u32 s1, $0x11  }
0xbc: {  	s0 =	sor.u32 s1, s0  }
0xbd: {  	s0 =	sadd.s32 $0x8F2B, s0  }
0xbe: {  	[sflag:s0] =	ssyncadd.remote.s32 $0x1  }
0xbf: {  	_ =	sfence.sel $0xFFFF  }
0xc0: {  	[dreg:$0x0] =	wrdreg $0xFFFFFFFF;
	(pc) =	sbr.abs _section_cstart, $3  }
0xc1: {  	[dreg:$0x1] =	wrdreg $0xFFFFFFFF  }
0xc2: {  	_ =	task.clear_ibuf [dreg:s7], $0x2FFFF;
	_ =	strace $0x9FFFFFFF  }
0xc3: {  	(tm) =	ssettm $0x7FFFFFFF  }
tec
execute0_lowered:
.L_overlay_start_1:
0x0: {  	(tag) =	ssettag $0x1  }
0x1: {  	s0 =	rddreg [dreg:$0x0]  }
0x2: {  	s1 =	rddreg [dreg:$0x1]  }
0x3: {  	s2 =	rddreg [dreg:$0x2]  }
0x4: {  	s3 =	simm.s32 $0x0;
	s18 =	stileid.u32;
	s7 =	srdreg.scid  }
0x5: {  	s15 =	simm.s32 $0x3;
	s20 =	simm.s32 $0x7D;
	s21 =	simm.s32 $0xA000  }
0x6: {  	s28 =	simm.s32 $0xFDC0;
	s29 =	simm.s32 $0x1;
	s30 =	simm.s32 $0x2  }
0x7: {  	s31 =	simm.s32 $0x9E00;
	[smem:$0x7FF] =	sst s3;
	s6 =	smul.u32 $0x5000, s18  }
0x8: {  	s4 =	sadd.s32 $0x2C800, s0;
	s5 =	sadd.s32 $0x2800, s0;
	s10 =	smul.u32 $0x28000, s18  }
0x9: {  	s9 =	sand.u32 $0x1, s7;
	s11 =	smul.u32 $0xA000, s18;
	s17 =	sadd.s32 $0x96000, s2  }
0xa: {  	s26 =	sadd.s32 $0x26480, s1;
	_ =	strace $0x8000004A;
	s8 =	ssub.s32 $0x2, s9  }
0xb: {  	p0 =	seq.s32 s9, $0x0;
	[dreg:$0x5] =	wrdreg s26;
	p1 =	sne.s32 s9, $0x0  }
0xc: {  	s26 =	simm.s32 $0x180;
	s9 =	simm.s32 $0x0;
	s6 =	sshrl.u32 s6, $0x3  }
0xd: {  	s23 =	sshrl.u32 s8, $0x1;
	s24 =	sshrl.u32 s10, $0x2;
	s25 =	sshrl.u32 s11, $0x3  }
0xe: {  	s22 =	sadd.s32 s6, s0;
	s6 =	sadd.s32 $0x16200, s0;
	s0 =	ssub.s32 s8, s23  }
0xf: {  	s16 =	sadd.s32 s24, s2;
	s8 =	sadd.s32 s1, s25;
	s1 =	sadd.s32 $0x12C00, s1  }
0x10: {  	s23 =	simm.s32 $0xBF40;
	s25 =	simm.s32 $0xDE80;
	s13 =	sadd.s32 $0x22800, s22  }
0x11: {  	s7 =	sadd.s32 $0x18800, s22;
	s10 =	sadd.s32 $0x13880, s8;
	[dreg:$0x6] =	wrdreg s1  }
.Ltmp0:
0x12: {  	s14 =	smax.u32 s0, $0x1;
	s1 =	simm.s32 $0x9F00;
	(pc) =	sbr.rel .LBB2_1-.Ltmp0, $4  }
0x13: {  	[dreg:$0x4] =	wrdreg s10;
	s10 =	sadd.s32 s11, s2;
	s12 =	smov.u32 s13  }
0x14: {  	s12 =	smov.u32 @p0 s7;
	s7 =	smov.u32 @p0 s13;
	p0 =	seq.s32 s18, $0xF  }
0x15: {  	s17 =	sshrl.u32 @p0 s17, $0x3;
	s0 =	sshll.u32 @!p0 s18, $0x6;
	s19 =	sshrl.u32 @!p0 s16, $0x3  }
0x16: {  	s16 =	simm.s32 $0x9F80;
	s18 =	sor.u32 @!p0 $0x1C03, s0;
	s0 =	simm.s32 $0x9E80  }
.LBB2_7:
0x17: {  	[tilespmem:s28], [sflag:$0x1] =	stream.indirect.gather [hbm4b:s5+s20], $0x40, s22, s20, $0xb8;
	[tilespmem:$0x1B940] =	vst v63  }
0x18: {  	_ =	swait.ge [sflag:s29], $0x1F40  }
0x19: {  	[sflag:s29] =	ssyncset.done $0x0  }
0x1a: {  	[sflag:s29] =	ssyncadd.s32 $0xFFFFE0C0  }
0x1b: {  	[spmem:s2] =	stream.indirect.scatter.add.f32 [tilespmem:s21], [sflag:$0x2], $0x40, s31, s20, $0xb8;
	[tilespmem:$0x1B940] =	vst v63  }
0x1c: {  	_ =	swait.ge [sflag:s30], $0x1F40  }
0x1d: {  	[sflag:s30] =	ssyncset.done $0x0  }
0x1e: {  	[sflag:s30] =	ssyncadd.s32 $0xFFFFE0C0  }
0x1f: {  	_ =	swait.ge [sflag:s29], $0x1F40  }
0x20: {  	[sflag:s29] =	ssyncset.done $0x0  }
0x21: {  	[sflag:s29] =	ssyncadd.s32 $0xFFFFE0C0  }
0x22: {  	[spmem:s2] =	stream.indirect.scatter.add.f32 [tilespmem:s23], [sflag:$0x2], $0x40, s0, s20, $0xb8;
	[tilespmem:$0x1B940] =	vst v63  }
0x23: {  	_ =	swait.ge [sflag:s30], $0x1F40  }
0x24: {  	[sflag:s30] =	ssyncset.done $0x0  }
0x25: {  	[sflag:s30] =	ssyncadd.s32 $0xFFFFE0C0  }
0x26: {  	_ =	swait.ge [sflag:s29], $0x1F40  }
0x27: {  	[sflag:s29] =	ssyncset.done $0x0  }
0x28: {  	[sflag:s29] =	ssyncadd.s32 $0xFFFFE0C0  }
0x29: {  	[spmem:s2] =	stream.indirect.scatter.add.f32 [tilespmem:s25], [sflag:$0x2], $0x40, s1, s20, $0xb8;
	[tilespmem:$0x1B940] =	vst v63  }
0x2a: {  	_ =	swait.ge [sflag:s30], $0x1F40  }
0x2b: {  	[sflag:s30] =	ssyncset.done $0x0  }
0x2c: {  	[sflag:s30] =	ssyncadd.s32 $0xFFFFE0C0  }
0x2d: {  	_ =	swait.ge [sflag:s29], $0x1F40  }
0x2e: {  	[sflag:s29] =	ssyncset.done $0x0  }
0x2f: {  	[sflag:s29] =	ssyncadd.s32 $0xFFFFE0C0  }
0x30: {  	[spmem:s2] =	stream.indirect.scatter.add.f32 [tilespmem:s28], [sflag:$0x2], $0x40, s16, s20, $0xb8;
	[tilespmem:$0x1B940] =	vst v63  }
0x31: {  	_ =	swait.ge [sflag:s30], $0x1F40  }
0x32: {  	[sflag:s30] =	ssyncset.done $0x0  }
0x33: {  	[sflag:s30] =	ssyncadd.s32 $0xFFFFE0C0  }
0x34: {  	[bflag:$0x0] =	sbarrier.arrive $0xFFFF  }
0x35: {  	s13 =	simm.s32 @p0 $0x1FC3;
	s22 =	rddreg [dreg:$0x5]  }
0x36: {  	[hbm:s22], [sflag:s13] =	dma.local @p0 [spmem:s17], $0xC80  }
0x37: {  	s13 =	simm.s32 @p0 $0x3  }
0x38: {  	_ =	swait.ge @p0 [sflag:s13], $0xC80  }
0x39: {  	[sflag:s13] =	ssyncset.done @p0 $0x0  }
0x3a: {  	[sflag:s13] =	ssyncadd.s32 @p0 $0xFFFFF380;
	s13 =	rddreg [dreg:$0x4]  }
0x3b: {  	[hbm:s13], [sflag:s18] =	dma.local @!p0 [spmem:s11], $0x1400  }
0x3c: {  	s11 =	simm.s32 @!p0 $0x3  }
0x3d: {  	_ =	swait.ge @!p0 [sflag:s11], $0x1400  }
0x3e: {  	[sflag:s11] =	ssyncset.done @!p0 $0x0  }
0x3f: {  	[sflag:s11] =	ssyncadd.s32 @!p0 $0xFFFFEC00  }
.LBB2_8:
0x40: {  	s9 =	sadd.s32 $0x1, s9  }
0x41: {  	p2 =	sne.s32 s9, s14  }
.Ltmp1:
0x42: {  	_ = 	snop;
	(pc) =	sbr.rel @!p2 .LBB2_9-.Ltmp1, $1  }
0x43: {  	_ =	sdelay $0x3  }
.LBB2_1:
0x44: {  	[tilespmem:s3], [sflag:$0x3] =	stream.linear.gather [hbm4b:s12+s3], $0x5000, $0x38;
	[tilespmem:$0x1B940] =	vst v63  }
0x45: {  	_ =	swait.ge [sflag:s15], $0x5000  }
0x46: {  	[sflag:s15] =	ssyncset.done $0x0  }
0x47: {  	s11 =	simm.s32 $0x5000;
	[sflag:s15] =	ssyncadd.s32 $0xFFFFB000  }
0x48: {  	[tilespmem:s11], [sflag:$0x3] =	stream.linear.gather [hbm4b:s7+s3], $0x5000, $0x38;
	[tilespmem:$0x1B940] =	vst v63  }
0x49: {  	_ =	swait.ge [sflag:s15], $0x5000  }
0x4a: {  	[sflag:s15] =	ssyncset.done $0x0  }
0x4b: {  	s11 =	simm.s32 @p0 $0x1FC3;
	[sflag:s15] =	ssyncadd.s32 $0xFFFFB000  }
0x4c: {  	[spmem:s17], [sflag:s11] =	dma.local @p0 [hbm:s6], $0xC80  }
0x4d: {  	s11 =	simm.s32 @p0 $0x3  }
0x4e: {  	_ =	swait.ge @p0 [sflag:s11], $0xC80  }
0x4f: {  	[sflag:s11] =	ssyncset.done @p0 $0x0  }
0x50: {  	[sflag:s11] =	ssyncadd.s32 @p0 $0xFFFFF380;
	s11 =	simm.s32 @!p0 $0x3  }
0x51: {  	[spmem:s19], [sflag:s18] =	dma.local @!p0 [hbm:s6], $0x1400  }
.Ltmp2:
0x52: {  	_ =	swait.ge @!p0 [sflag:s11], $0x1400;
	(pc) =	sbr.rel @p1 .LBB2_5-.Ltmp2, $4  }
0x53: {  	[sflag:s11] =	ssyncset.done @!p0 $0x0  }
0x54: {  	[sflag:s11] =	ssyncadd.s32 @!p0 $0xFFFFEC00  }
0x55: {  	[bflag:$0x0] =	sbarrier.arrive $0xFFFF  }
0x56: {  	s13 =	simm.s32 $0x0;
	s11 =	sshrl.u32 @!p0 s10, $0x3  }
0x57: {  	[tilespmem:s21], [sflag:$0x1] =	stream.indirect.gather [hbm4b:s4+s20], $0x40, s13, s20, $0xb8;
	[tilespmem:$0x1B940] =	vst v63  }
0x58: {  	s24 =	simm.s32 $0x80  }
0x59: {  	[tilespmem:s23], [sflag:$0x1] =	stream.indirect.gather [hbm4b:s4+s20], $0x40, s24, s20, $0xb8;
	[tilespmem:$0x1B940] =	vst v63  }
0x5a: {  	s22 =	simm.s32 $0x100  }
0x5b: {  	[tilespmem:s25], [sflag:$0x1] =	stream.indirect.gather [hbm4b:s4+s20], $0x40, s22, s20, $0xb8;
	[tilespmem:$0x1B940] =	vst v63  }
0x5c: {  	_ = 	snop  }
0x5d: {  	[tilespmem:s28], [sflag:$0x1] =	stream.indirect.gather [hbm4b:s4+s20], $0x40, s26, s20, $0xb8;
	[tilespmem:$0x1B940] =	vst v63  }
0x5e: {  	_ =	swait.ge [sflag:s29], $0x1F40  }
0x5f: {  	[sflag:s29] =	ssyncset.done $0x0  }
0x60: {  	s24 =	simm.s32 $0x5000;
	[sflag:s29] =	ssyncadd.s32 $0xFFFFE0C0  }
0x61: {  	[spmem:s2] =	stream.indirect.scatter.add.f32 [tilespmem:s21], [sflag:$0x2], $0x40, s24, s20, $0xb8;
	[tilespmem:$0x1B940] =	vst v63  }
0x62: {  	_ =	swait.ge [sflag:s30], $0x1F40  }
0x63: {  	[sflag:s30] =	ssyncset.done $0x0  }
0x64: {  	s22 =	simm.s32 $0x200;
	[sflag:s30] =	ssyncadd.s32 $0xFFFFE0C0  }
0x65: {  	[tilespmem:s21], [sflag:$0x1] =	stream.indirect.gather [hbm4b:s4+s20], $0x40, s22, s20, $0xb8;
	[tilespmem:$0x1B940] =	vst v63  }
0x66: {  	_ =	swait.ge [sflag:s29], $0x1F40  }
0x67: {  	[sflag:s29] =	ssyncset.done $0x0  }
0x68: {  	s24 =	simm.s32 $0x5080;
	[sflag:s29] =	ssyncadd.s32 $0xFFFFE0C0  }
0x69: {  	[spmem:s2] =	stream.indirect.scatter.add.f32 [tilespmem:s23], [sflag:$0x2], $0x40, s24, s20, $0xb8;
	[tilespmem:$0x1B940] =	vst v63  }
0x6a: {  	_ =	swait.ge [sflag:s30], $0x1F40  }
0x6b: {  	[sflag:s30] =	ssyncset.done $0x0  }
0x6c: {  	s22 =	simm.s32 $0x280;
	[sflag:s30] =	ssyncadd.s32 $0xFFFFE0C0  }
0x6d: {  	[tilespmem:s23], [sflag:$0x1] =	stream.indirect.gather [hbm4b:s4+s20], $0x40, s22, s20, $0xb8;
	[tilespmem:$0x1B940] =	vst v63  }
0x6e: {  	_ =	swait.ge [sflag:s29], $0x1F40  }
0x6f: {  	[sflag:s29] =	ssyncset.done $0x0  }
0x70: {  	s24 =	simm.s32 $0x5100;
	[sflag:s29] =	ssyncadd.s32 $0xFFFFE0C0  }
0x71: {  	[spmem:s2] =	stream.indirect.scatter.add.f32 [tilespmem:s25], [sflag:$0x2], $0x40, s24, s20, $0xb8;
	[tilespmem:$0x1B940] =	vst v63  }
0x72: {  	_ =	swait.ge [sflag:s30], $0x1F40  }
0x73: {  	[sflag:s30] =	ssyncset.done $0x0  }
0x74: {  	s22 =	simm.s32 $0x300;
	[sflag:s30] =	ssyncadd.s32 $0xFFFFE0C0  }
0x75: {  	[tilespmem:s25], [sflag:$0x1] =	stream.indirect.gather [hbm4b:s4+s20], $0x40, s22, s20, $0xb8;
	[tilespmem:$0x1B940] =	vst v63  }
0x76: {  	_ =	swait.ge [sflag:s29], $0x1F40  }
0x77: {  	[sflag:s29] =	ssyncset.done $0x0  }
0x78: {  	s24 =	simm.s32 $0x5180;
	[sflag:s29] =	ssyncadd.s32 $0xFFFFE0C0  }
0x79: {  	[spmem:s2] =	stream.indirect.scatter.add.f32 [tilespmem:s28], [sflag:$0x2], $0x40, s24, s20, $0xb8;
	[tilespmem:$0x1B940] =	vst v63  }
0x7a: {  	_ =	swait.ge [sflag:s30], $0x1F40  }
0x7b: {  	[sflag:s30] =	ssyncset.done $0x0  }
0x7c: {  	s13 =	simm.s32 $0x800;
	s22 =	simm.s32 $0x380;
	[sflag:s30] =	ssyncadd.s32 $0xFFFFE0C0  }
.LBB2_3:
0x7d: {  	[tilespmem:s28], [sflag:$0x1] =	stream.indirect.gather [hbm4b:s4+s20], $0x40, s22, s20, $0xb8;
	[tilespmem:$0x1B940] =	vst v63  }
0x7e: {  	s22 =	smov.u32 s13  }
0x7f: {  	p2 =	sne.s32 s13, $0x13000;
	s13 =	sadd.s32 $0x800, s13;
	_ =	swait.ge [sflag:s29], $0x1F40  }
0x80: {  	s22 =	sshra.s32 s22, $0x2;
	[sflag:s29] =	ssyncset.done $0x0  }
0x81: {  	s24 =	sadd.s32 $0x5000, s22;
	[sflag:s29] =	ssyncadd.s32 $0xFFFFE0C0  }
0x82: {  	[spmem:s2] =	stream.indirect.scatter.add.f32 [tilespmem:s21], [sflag:$0x2], $0x40, s24, s20, $0xb8;
	[tilespmem:$0x1B940] =	vst v63  }
0x83: {  	_ =	swait.ge [sflag:s30], $0x1F40  }
0x84: {  	[sflag:s30] =	ssyncset.done $0x0  }
0x85: {  	s24 =	sadd.s32 $0x200, s22;
	[sflag:s30] =	ssyncadd.s32 $0xFFFFE0C0  }
0x86: {  	[tilespmem:s21], [sflag:$0x1] =	stream.indirect.gather [hbm4b:s4+s20], $0x40, s24, s20, $0xb8;
	[tilespmem:$0x1B940] =	vst v63  }
0x87: {  	_ =	swait.ge [sflag:s29], $0x1F40  }
0x88: {  	[sflag:s29] =	ssyncset.done $0x0  }
0x89: {  	s24 =	sadd.s32 $0x5080, s22;
	[sflag:s29] =	ssyncadd.s32 $0xFFFFE0C0  }
0x8a: {  	[spmem:s2] =	stream.indirect.scatter.add.f32 [tilespmem:s23], [sflag:$0x2], $0x40, s24, s20, $0xb8;
	[tilespmem:$0x1B940] =	vst v63  }
0x8b: {  	_ =	swait.ge [sflag:s30], $0x1F40  }
0x8c: {  	[sflag:s30] =	ssyncset.done $0x0  }
0x8d: {  	s24 =	sadd.s32 $0x280, s22;
	[sflag:s30] =	ssyncadd.s32 $0xFFFFE0C0  }
0x8e: {  	[tilespmem:s23], [sflag:$0x1] =	stream.indirect.gather [hbm4b:s4+s20], $0x40, s24, s20, $0xb8;
	[tilespmem:$0x1B940] =	vst v63  }
0x8f: {  	_ =	swait.ge [sflag:s29], $0x1F40  }
0x90: {  	[sflag:s29] =	ssyncset.done $0x0  }
0x91: {  	s24 =	sadd.s32 $0x5100, s22;
	[sflag:s29] =	ssyncadd.s32 $0xFFFFE0C0  }
0x92: {  	[spmem:s2] =	stream.indirect.scatter.add.f32 [tilespmem:s25], [sflag:$0x2], $0x40, s24, s20, $0xb8;
	[tilespmem:$0x1B940] =	vst v63  }
0x93: {  	_ =	swait.ge [sflag:s30], $0x1F40  }
0x94: {  	[sflag:s30] =	ssyncset.done $0x0  }
0x95: {  	s24 =	sadd.s32 $0x300, s22;
	[sflag:s30] =	ssyncadd.s32 $0xFFFFE0C0  }
0x96: {  	[tilespmem:s25], [sflag:$0x1] =	stream.indirect.gather [hbm4b:s4+s20], $0x40, s24, s20, $0xb8;
	[tilespmem:$0x1B940] =	vst v63  }
0x97: {  	_ =	swait.ge [sflag:s29], $0x1F40  }
0x98: {  	[sflag:s29] =	ssyncset.done $0x0  }
.Ltmp3:
0x99: {  	s24 =	sadd.s32 $0x5180, s22;
	[sflag:s29] =	ssyncadd.s32 $0xFFFFE0C0;
	(pc) =	sbr.rel @p2 .LBB2_3-.Ltmp3, $4  }
0x9a: {  	[spmem:s2] =	stream.indirect.scatter.add.f32 [tilespmem:s28], [sflag:$0x2], $0x40, s24, s20, $0xb8;
	[tilespmem:$0x1B940] =	vst v63  }
0x9b: {  	_ =	swait.ge [sflag:s30], $0x1F40  }
0x9c: {  	[sflag:s30] =	ssyncset.done $0x0  }
0x9d: {  	s22 =	sadd.s32 $0x380, s22;
	[sflag:s30] =	ssyncadd.s32 $0xFFFFE0C0  }
0x9e: {  	[tilespmem:s28], [sflag:$0x1] =	stream.indirect.gather [hbm4b:s4+s20], $0x40, s22, s20, $0xb8;
	[tilespmem:$0x1B940] =	vst v63  }
0x9f: {  	_ =	swait.ge [sflag:s29], $0x1F40  }
0xa0: {  	[sflag:s29] =	ssyncset.done $0x0  }
0xa1: {  	[sflag:s29] =	ssyncadd.s32 $0xFFFFE0C0  }
0xa2: {  	[spmem:s2] =	stream.indirect.scatter.add.f32 [tilespmem:s21], [sflag:$0x2], $0x40, s31, s20, $0xb8;
	[tilespmem:$0x1B940] =	vst v63  }
0xa3: {  	_ =	swait.ge [sflag:s30], $0x1F40  }
0xa4: {  	[sflag:s30] =	ssyncset.done $0x0  }
0xa5: {  	[sflag:s30] =	ssyncadd.s32 $0xFFFFE0C0  }
0xa6: {  	_ =	swait.ge [sflag:s29], $0x1F40  }
0xa7: {  	[sflag:s29] =	ssyncset.done $0x0  }
0xa8: {  	[sflag:s29] =	ssyncadd.s32 $0xFFFFE0C0  }
0xa9: {  	[spmem:s2] =	stream.indirect.scatter.add.f32 [tilespmem:s23], [sflag:$0x2], $0x40, s0, s20, $0xb8;
	[tilespmem:$0x1B940] =	vst v63  }
0xaa: {  	_ =	swait.ge [sflag:s30], $0x1F40  }
0xab: {  	[sflag:s30] =	ssyncset.done $0x0  }
0xac: {  	[sflag:s30] =	ssyncadd.s32 $0xFFFFE0C0  }
0xad: {  	_ =	swait.ge [sflag:s29], $0x1F40  }
0xae: {  	[sflag:s29] =	ssyncset.done $0x0  }
0xaf: {  	[sflag:s29] =	ssyncadd.s32 $0xFFFFE0C0  }
0xb0: {  	[spmem:s2] =	stream.indirect.scatter.add.f32 [tilespmem:s25], [sflag:$0x2], $0x40, s1, s20, $0xb8;
	[tilespmem:$0x1B940] =	vst v63  }
0xb1: {  	_ =	swait.ge [sflag:s30], $0x1F40  }
0xb2: {  	[sflag:s30] =	ssyncset.done $0x0  }
0xb3: {  	[sflag:s30] =	ssyncadd.s32 $0xFFFFE0C0  }
0xb4: {  	_ =	swait.ge [sflag:s29], $0x1F40  }
0xb5: {  	[sflag:s29] =	ssyncset.done $0x0  }
0xb6: {  	[sflag:s29] =	ssyncadd.s32 $0xFFFFE0C0  }
0xb7: {  	[spmem:s2] =	stream.indirect.scatter.add.f32 [tilespmem:s28], [sflag:$0x2], $0x40, s16, s20, $0xb8;
	[tilespmem:$0x1B940] =	vst v63  }
0xb8: {  	_ =	swait.ge [sflag:s30], $0x1F40  }
0xb9: {  	[sflag:s30] =	ssyncset.done $0x0  }
0xba: {  	[sflag:s30] =	ssyncadd.s32 $0xFFFFE0C0  }
0xbb: {  	[bflag:$0x0] =	sbarrier.arrive $0xFFFF  }
0xbc: {  	s13 =	simm.s32 @p0 $0x1FC3;
	s22 =	rddreg [dreg:$0x6]  }
0xbd: {  	[hbm:s22], [sflag:s13] =	dma.local @p0 [spmem:s17], $0xC80  }
0xbe: {  	s13 =	simm.s32 @p0 $0x3  }
0xbf: {  	_ =	swait.ge @p0 [sflag:s13], $0xC80  }
0xc0: {  	[sflag:s13] =	ssyncset.done @p0 $0x0  }
0xc1: {  	[sflag:s13] =	ssyncadd.s32 @p0 $0xFFFFF380  }
0xc2: {  	[hbm:s8], [sflag:s18] =	dma.local @!p0 [spmem:s11], $0x1400  }
.Ltmp4:
0xc3: {  	_ = 	snop;
	(pc) =	sbr.rel .LBB2_8-.Ltmp4, $4  }
0xc4: {  	s11 =	simm.s32 @!p0 $0x3  }
0xc5: {  	_ =	swait.ge @!p0 [sflag:s11], $0x1400  }
0xc6: {  	[sflag:s11] =	ssyncset.done @!p0 $0x0  }
0xc7: {  	[sflag:s11] =	ssyncadd.s32 @!p0 $0xFFFFEC00  }
.LBB2_5:
0xc8: {  	[tilespmem:s21], [sflag:$0x1] =	stream.indirect.gather [hbm4b:s5+s20], $0x40, s13, s20, $0xb8;
	[tilespmem:$0x1B940] =	vst v63  }
0xc9: {  	s24 =	simm.s32 $0x80  }
0xca: {  	[tilespmem:s23], [sflag:$0x1] =	stream.indirect.gather [hbm4b:s5+s20], $0x40, s24, s20, $0xb8;
	[tilespmem:$0x1B940] =	vst v63  }
0xcb: {  	s22 =	simm.s32 $0x100  }
0xcc: {  	[tilespmem:s25], [sflag:$0x1] =	stream.indirect.gather [hbm4b:s5+s20], $0x40, s22, s20, $0xb8;
	[tilespmem:$0x1B940] =	vst v63  }
0xcd: {  	_ = 	snop  }
0xce: {  	[tilespmem:s28], [sflag:$0x1] =	stream.indirect.gather [hbm4b:s5+s20], $0x40, s26, s20, $0xb8;
	[tilespmem:$0x1B940] =	vst v63  }
0xcf: {  	_ =	swait.ge [sflag:s29], $0x1F40  }
0xd0: {  	[sflag:s29] =	ssyncset.done $0x0  }
0xd1: {  	s24 =	simm.s32 $0x5000;
	[sflag:s29] =	ssyncadd.s32 $0xFFFFE0C0  }
0xd2: {  	[spmem:s2] =	stream.indirect.scatter.add.f32 [tilespmem:s21], [sflag:$0x2], $0x40, s24, s20, $0xb8;
	[tilespmem:$0x1B940] =	vst v63  }
0xd3: {  	_ =	swait.ge [sflag:s30], $0x1F40  }
0xd4: {  	[sflag:s30] =	ssyncset.done $0x0  }
0xd5: {  	s22 =	simm.s32 $0x200;
	[sflag:s30] =	ssyncadd.s32 $0xFFFFE0C0  }
0xd6: {  	[tilespmem:s21], [sflag:$0x1] =	stream.indirect.gather [hbm4b:s5+s20], $0x40, s22, s20, $0xb8;
	[tilespmem:$0x1B940] =	vst v63  }
0xd7: {  	_ =	swait.ge [sflag:s29], $0x1F40  }
0xd8: {  	[sflag:s29] =	ssyncset.done $0x0  }
0xd9: {  	s24 =	simm.s32 $0x5080;
	[sflag:s29] =	ssyncadd.s32 $0xFFFFE0C0  }
0xda: {  	[spmem:s2] =	stream.indirect.scatter.add.f32 [tilespmem:s23], [sflag:$0x2], $0x40, s24, s20, $0xb8;
	[tilespmem:$0x1B940] =	vst v63  }
0xdb: {  	_ =	swait.ge [sflag:s30], $0x1F40  }
0xdc: {  	[sflag:s30] =	ssyncset.done $0x0  }
0xdd: {  	s22 =	simm.s32 $0x280;
	[sflag:s30] =	ssyncadd.s32 $0xFFFFE0C0  }
0xde: {  	[tilespmem:s23], [sflag:$0x1] =	stream.indirect.gather [hbm4b:s5+s20], $0x40, s22, s20, $0xb8;
	[tilespmem:$0x1B940] =	vst v63  }
0xdf: {  	_ =	swait.ge [sflag:s29], $0x1F40  }
0xe0: {  	[sflag:s29] =	ssyncset.done $0x0  }
0xe1: {  	s24 =	simm.s32 $0x5100;
	[sflag:s29] =	ssyncadd.s32 $0xFFFFE0C0  }
0xe2: {  	[spmem:s2] =	stream.indirect.scatter.add.f32 [tilespmem:s25], [sflag:$0x2], $0x40, s24, s20, $0xb8;
	[tilespmem:$0x1B940] =	vst v63  }
0xe3: {  	_ =	swait.ge [sflag:s30], $0x1F40  }
0xe4: {  	[sflag:s30] =	ssyncset.done $0x0  }
0xe5: {  	s22 =	simm.s32 $0x300;
	[sflag:s30] =	ssyncadd.s32 $0xFFFFE0C0  }
0xe6: {  	[tilespmem:s25], [sflag:$0x1] =	stream.indirect.gather [hbm4b:s5+s20], $0x40, s22, s20, $0xb8;
	[tilespmem:$0x1B940] =	vst v63  }
0xe7: {  	_ =	swait.ge [sflag:s29], $0x1F40  }
0xe8: {  	[sflag:s29] =	ssyncset.done $0x0  }
0xe9: {  	s24 =	simm.s32 $0x5180;
	[sflag:s29] =	ssyncadd.s32 $0xFFFFE0C0  }
0xea: {  	[spmem:s2] =	stream.indirect.scatter.add.f32 [tilespmem:s28], [sflag:$0x2], $0x40, s24, s20, $0xb8;
	[tilespmem:$0x1B940] =	vst v63  }
0xeb: {  	_ =	swait.ge [sflag:s30], $0x1F40  }
0xec: {  	[sflag:s30] =	ssyncset.done $0x0  }
0xed: {  	s13 =	simm.s32 $0x800;
	s22 =	simm.s32 $0x380;
	[sflag:s30] =	ssyncadd.s32 $0xFFFFE0C0  }
.LBB2_6:
0xee: {  	[tilespmem:s28], [sflag:$0x1] =	stream.indirect.gather [hbm4b:s5+s20], $0x40, s22, s20, $0xb8;
	[tilespmem:$0x1B940] =	vst v63  }
0xef: {  	s22 =	smov.u32 s13  }
0xf0: {  	p2 =	sne.s32 s13, $0x13000;
	s13 =	sadd.s32 $0x800, s13;
	_ =	swait.ge [sflag:s29], $0x1F40  }
0xf1: {  	s22 =	sshra.s32 s22, $0x2;
	[sflag:s29] =	ssyncset.done $0x0  }
0xf2: {  	s24 =	sadd.s32 $0x5000, s22;
	[sflag:s29] =	ssyncadd.s32 $0xFFFFE0C0  }
0xf3: {  	[spmem:s2] =	stream.indirect.scatter.add.f32 [tilespmem:s21], [sflag:$0x2], $0x40, s24, s20, $0xb8;
	[tilespmem:$0x1B940] =	vst v63  }
0xf4: {  	_ =	swait.ge [sflag:s30], $0x1F40  }
0xf5: {  	[sflag:s30] =	ssyncset.done $0x0  }
0xf6: {  	s24 =	sadd.s32 $0x200, s22;
	[sflag:s30] =	ssyncadd.s32 $0xFFFFE0C0  }
0xf7: {  	[tilespmem:s21], [sflag:$0x1] =	stream.indirect.gather [hbm4b:s5+s20], $0x40, s24, s20, $0xb8;
	[tilespmem:$0x1B940] =	vst v63  }
0xf8: {  	_ =	swait.ge [sflag:s29], $0x1F40  }
0xf9: {  	[sflag:s29] =	ssyncset.done $0x0  }
0xfa: {  	s24 =	sadd.s32 $0x5080, s22;
	[sflag:s29] =	ssyncadd.s32 $0xFFFFE0C0  }
0xfb: {  	[spmem:s2] =	stream.indirect.scatter.add.f32 [tilespmem:s23], [sflag:$0x2], $0x40, s24, s20, $0xb8;
	[tilespmem:$0x1B940] =	vst v63  }
0xfc: {  	_ =	swait.ge [sflag:s30], $0x1F40  }
0xfd: {  	[sflag:s30] =	ssyncset.done $0x0  }
0xfe: {  	s24 =	sadd.s32 $0x280, s22;
	[sflag:s30] =	ssyncadd.s32 $0xFFFFE0C0  }
0xff: {  	[tilespmem:s23], [sflag:$0x1] =	stream.indirect.gather [hbm4b:s5+s20], $0x40, s24, s20, $0xb8;
	[tilespmem:$0x1B940] =	vst v63  }
0x100: {  	_ =	swait.ge [sflag:s29], $0x1F40  }
0x101: {  	[sflag:s29] =	ssyncset.done $0x0  }
0x102: {  	s24 =	sadd.s32 $0x5100, s22;
	[sflag:s29] =	ssyncadd.s32 $0xFFFFE0C0  }
0x103: {  	[spmem:s2] =	stream.indirect.scatter.add.f32 [tilespmem:s25], [sflag:$0x2], $0x40, s24, s20, $0xb8;
	[tilespmem:$0x1B940] =	vst v63  }
0x104: {  	_ =	swait.ge [sflag:s30], $0x1F40  }
0x105: {  	[sflag:s30] =	ssyncset.done $0x0  }
0x106: {  	s24 =	sadd.s32 $0x300, s22;
	[sflag:s30] =	ssyncadd.s32 $0xFFFFE0C0  }
0x107: {  	[tilespmem:s25], [sflag:$0x1] =	stream.indirect.gather [hbm4b:s5+s20], $0x40, s24, s20, $0xb8;
	[tilespmem:$0x1B940] =	vst v63  }
0x108: {  	_ =	swait.ge [sflag:s29], $0x1F40  }
0x109: {  	[sflag:s29] =	ssyncset.done $0x0  }
.Ltmp5:
0x10a: {  	s24 =	sadd.s32 $0x5180, s22;
	[sflag:s29] =	ssyncadd.s32 $0xFFFFE0C0;
	(pc) =	sbr.rel @p2 .LBB2_6-.Ltmp5, $4  }
0x10b: {  	[spmem:s2] =	stream.indirect.scatter.add.f32 [tilespmem:s28], [sflag:$0x2], $0x40, s24, s20, $0xb8;
	[tilespmem:$0x1B940] =	vst v63  }
0x10c: {  	_ =	swait.ge [sflag:s30], $0x1F40  }
0x10d: {  	[sflag:s30] =	ssyncset.done $0x0  }
0x10e: {  	s22 =	sadd.s32 $0x380, s22;
	[sflag:s30] =	ssyncadd.s32 $0xFFFFE0C0  }
.Ltmp6:
0x10f: {  	_ = 	snop;
	(pc) =	sbr.rel .LBB2_7-.Ltmp6, $1  }
0x110: {  	_ =	sdelay $0x3  }
.LBB2_9:
0x111: {  	_ =	sfence.sel $0x180000  }
0x112: {  	[bflag:$0x0] =	sbarrier.arrive $0xFFFF  }
0x113: {  	_ =	strace $0x9000004A  }
0x114: {  	s0 =	stileid.u32;
	[bflag:$0x2] =	sbarrier.arrive $0xFFFF  }
0x115: {  	p0 =	sne.s32 s0, $0x0;
	s0 =	rddreg [dreg:$0x3]  }
0x116: {  	s0 =	sadd.s32 @!p0 $0x100000, s0  }
0x117: {  	[sflag:s0] =	ssyncadd.tile.s32 @!p0 $0x1;
	_ =	shalt  }
.Lfunc_end2:
_tile_overlayer_lowered:
.L_overlay_start_2:
0x118: {  	(tag) =	ssettag $0x2  }
0x119: {  	s0 =	rddreg [dreg:$0x0];
	s2 =	stileid.u32  }
0x11a: {  	s1 =	rddreg [dreg:$0x1];
	p0 =	sne.s32 s2, $0x0  }
0x11b: {  	s3 =	rddreg [dreg:$0x2];
	[bflag:$0x3] =	sbarrier.arrive $0xFFFF;
	s2 =	simm.s32 @!p0 $0x1C03  }
0x11c: {  	[timem:s3], [sflag:s2] =	dma.local @!p0 [hbm:s0], s1  }
0x11d: {  	s0 =	simm.s32 @!p0 $0x3  }
0x11e: {  	_ =	swait.ge @!p0 [sflag:s0], s1  }
0x11f: {  	s1 =	ssub.s32 @!p0 $0x0, s1;
	[sflag:s0] =	ssyncset.done @!p0 $0x0  }
0x120: {  	[sflag:s0] =	ssyncadd.s32 @!p0 s1  }
0x121: {  	[bflag:$0x3] =	sbarrier.arrive $0xFFFF  }
0x122: {  	_ =	shalt  }

</sc_bundles>
